<compile_context>
chip_gen: v7x
topology: tpu7x:2x2x1
jax: 0.10.2.dev20260603
libtpu: 0.0.44.dev20260713+nightly
codegen_flags: <defaults>
</compile_context>

<pallas_src>
import functools

import jax
import jax.numpy as jnp
from jax import lax
from jax.experimental import pallas as pl
from jax.experimental.pallas import tpu as pltpu
from jax.experimental.pallas import tpu_sc as plsc

EMBED_DIM = 64
PAD_DIM = 128
BATCH = 16384
HIST = 50
HIST_PAD = 56

NUM_ROWS = 1000000
B = BATCH * HIST
NC, NS = 2, 16
NW = NC * NS
PER_W = B // NW
BPW = BATCH // NW
CH = 2 * HIST
NCHUNK = PER_W // CH
NBUF = 4
NMACRO = NCHUNK // NBUF

TCA_COLS = 8192
TCA_GRID = -(-NUM_ROWS // TCA_COLS)


@functools.partial(
    pl.pallas_call,
    grid=(TCA_GRID,),
    in_specs=[pl.BlockSpec((EMBED_DIM, TCA_COLS), lambda i: (0, i))],
    out_specs=pl.BlockSpec((TCA_COLS // 2, PAD_DIM), lambda i: (i, 0)),
    out_shape=jax.ShapeDtypeStruct((NUM_ROWS // 2, PAD_DIM), jnp.float32),
)
def _detile(tT_ref, out_ref):
    y = tT_ref[...].T
    z = y.reshape(TCA_COLS // 2, 2, EMBED_DIM)
    out_ref[...] = jnp.concatenate([z[:, 0, :], z[:, 1, :]], axis=1)


def _make_gather():
    mesh = plsc.VectorSubcoreMesh(core_axis_name="c", subcore_axis_name="s")

    @functools.partial(
        pl.kernel,
        mesh=mesh,
        out_type=jax.ShapeDtypeStruct((BATCH, HIST_PAD, PAD_DIM), jnp.float32),
        scratch_types=[
            pltpu.VMEM((NCHUNK, CH), jnp.int32),
            pltpu.VMEM((NBUF, CH, EMBED_DIM), jnp.float32),
            [pltpu.SemaphoreType.DMA] * NBUF,
            [pltpu.SemaphoreType.DMA] * NBUF,
        ],
        compiler_params=pltpu.CompilerParams(use_tc_tiling_on_sc=False),
    )
    def k(idx_hbm, table_hbm, out_hbm, idx_v, rows_v, gsems, wsems):
        wid = lax.axis_index("s") * NC + lax.axis_index("c")
        base_b = wid * BPW
        pltpu.sync_copy(idx_hbm.at[wid], idx_v)

        def gather_start(g, b):
            pltpu.async_copy(table_hbm.at[idx_v.at[g]], rows_v.at[b], gsems[b])

        def gather_wait(g, b):
            pltpu.make_async_copy(
                table_hbm.at[idx_v.at[g]], rows_v.at[b], gsems[b]
            ).wait()

        def write_starts(g, b):
            b0 = base_b + 2 * g
            c1 = pltpu.make_async_copy(
                rows_v.at[b].at[pl.ds(0, HIST)],
                out_hbm.at[b0, pl.ds(0, HIST), pl.ds(0, EMBED_DIM)],
                wsems[b],
            )
            c2 = pltpu.make_async_copy(
                rows_v.at[b].at[pl.ds(HIST, HIST)],
                out_hbm.at[b0 + 1, pl.ds(0, HIST), pl.ds(0, EMBED_DIM)],
                wsems[b],
            )
            return c1, c2

        def write_start(g, b):
            c1, c2 = write_starts(g, b)
            c1.start()
            c2.start()

        def write_wait(g, b):
            c1, c2 = write_starts(g, b)
            c1.wait()
            c2.wait()

        for b in range(NBUF):
            gather_start(b, b)

        for b in range(NBUF):
            gather_wait(b, b)
            write_start(b, b)
            if b >= 1:
                write_wait(b - 1, b - 1)
                gather_start(b - 1 + NBUF, b - 1)

        def macro(kk, carry):
            g0 = kk * NBUF
            for b in range(NBUF):
                g = g0 + b
                gather_wait(g, b)
                write_start(g, b)
                bp = (b - 1) % NBUF
                write_wait(g - 1, bp)
                gather_start(g - 1 + NBUF, bp)
            return carry

        lax.fori_loop(1, NMACRO - 1, macro, 0)

        g0 = NCHUNK - NBUF
        for b in range(NBUF):
            g = g0 + b
            gather_wait(g, b)
            write_start(g, b)
            if b == 0:
                bp = (b - 1) % NBUF
                write_wait(g - 1, bp)
                gather_start(NCHUNK - 1, bp)

        for b in range(NBUF):
            write_wait(g0 + b, b)

    return k


_gather_kernel = _make_gather()


def kernel(item_ids, table):
    tlin = _detile(table.T)
    table_lin = tlin.reshape(NUM_ROWS, EMBED_DIM)
    idx = item_ids.reshape(NW, NCHUNK, CH).astype(jnp.int32)
    out_pad = _gather_kernel(idx, table_lin)
    return out_pad[:, :HIST, :EMBED_DIM]

# --- scband reference (transcript-rebuilt; emitter-appended) ---
"""Pipeline reference for scband-global-item-embedding-67963562491939 (READ-ONLY COPY).

The authoritative reference and input builder live on the scoring server;
editing this copy changes nothing except your own understanding.
"""

import jax, jax.numpy as jnp
import numpy as np

NUM_ITEMS = 1000000
EMBED_DIM = 64
BATCH = 16384
HIST = 50

def setup_inputs(seed: int = 0) -> dict:
    key = jax.random.key(seed)
    k1, k2 = jax.random.split(key)
    item_ids = jax.random.randint(k1, (BATCH, HIST), 0, NUM_ITEMS, dtype=jnp.int64 if jax.config.jax_enable_x64 else jnp.int32)
    # nn.Embedding default init: N(0, 1)
    table = jax.random.normal(k2, (NUM_ITEMS, EMBED_DIM), dtype=jnp.float32)
    return {"item_ids": item_ids, "table": table}

def reference(item_ids, table):
    # Faithful translation of nn.Embedding lookup: gather rows of the table.
    return jnp.take(table, item_ids, axis=0)

if __name__ == "__main__":
    import jax
    _d = setup_inputs()
    print(jax.jit(kernel)(*tuple(_d.values())))

</pallas_src>

<mosaic_0001>
#map = affine_map<(d0, d1) -> (0, 0, 0)>
#map1 = affine_map<(d0, d1) -> (0, 0)>
module attributes {stable_mosaic.version = 14 : i64} {
  func.func @k(%arg0: i32, %arg1: i32, %arg2: memref<32x256x100xi32, #tpu.memory_space<hbm>>, %arg3: memref<1000000x64xf32, #tpu.memory_space<hbm>>, %arg4: memref<16384x56x128xf32, #tpu.memory_space<hbm>>, %arg5: memref<256x100xi32, #tpu.memory_space<vmem>>, %arg6: memref<4x100x64xf32, #tpu.memory_space<vmem>>, %arg7: memref<!tpu.dma_semaphore, #tpu.memory_space<semaphore_mem>>, %arg8: memref<!tpu.dma_semaphore, #tpu.memory_space<semaphore_mem>>, %arg9: memref<!tpu.dma_semaphore, #tpu.memory_space<semaphore_mem>>, %arg10: memref<!tpu.dma_semaphore, #tpu.memory_space<semaphore_mem>>, %arg11: memref<!tpu.dma_semaphore, #tpu.memory_space<semaphore_mem>>, %arg12: memref<!tpu.dma_semaphore, #tpu.memory_space<semaphore_mem>>, %arg13: memref<!tpu.dma_semaphore, #tpu.memory_space<semaphore_mem>>, %arg14: memref<!tpu.dma_semaphore, #tpu.memory_space<semaphore_mem>>) attributes {dimension_semantics = [#tpu.dimension_semantics<core_parallel>, #tpu.dimension_semantics<subcore_parallel>], iteration_bounds = array<i64: 2, 16>, scalar_prefetch = 0 : i64, scratch_operands = 10 : i64, tpu.core_type = #tpu.core_type<sc_vector_subcore>, window_params = [{transform_indices = #map}, {transform_indices = #map1}, {transform_indices = #map}]} {
    %mul3A = arith.constant 2 : i32
    %mul3A_0 = arith.muli %arg1, %mul3A : i32
    %add3A = arith.addi %mul3A_0, %arg0 : i32
    %mul3A_1 = arith.constant 512 : i32
    %mul3A_2 = arith.muli %add3A, %mul3A_1 : i32
    "tpu.region"() ({
      %run_scoped3A = tpu.sem_alloc : memref<!tpu.dma_semaphore, #tpu.memory_space<semaphore_mem>>
      %dma_start3A_998 = arith.constant 0 : i32
      %dma_start3A_999 = arith.constant 0 : i32
      %dma_start3A_1000 = tpu.memref_slice %arg2[%add3A, %dma_start3A_998, %dma_start3A_999] : memref<32x256x100xi32, #tpu.memory_space<hbm>> -> memref<1x256x100xi32, #tpu.memory_space<hbm>>
      %dma_start3A_1001 = tpu.memref_squeeze %dma_start3A_1000 : memref<1x256x100xi32, #tpu.memory_space<hbm>> -> memref<256x100xi32, #tpu.memory_space<hbm>>
      %dma_start3A_1002 = arith.constant 0 : i32
      %dma_start3A_1003 = arith.constant 0 : i32
      %dma_start3A_1004 = tpu.memref_slice %arg2[%add3A, %dma_start3A_1002, %dma_start3A_1003] : memref<32x256x100xi32, #tpu.memory_space<hbm>> -> memref<1x256x100xi32, #tpu.memory_space<hbm>>
      %dma_start3A_1005 = tpu.memref_squeeze %dma_start3A_1004 : memref<1x256x100xi32, #tpu.memory_space<hbm>> -> memref<256x100xi32, #tpu.memory_space<hbm>>
      tpu.enqueue_dma source(%dma_start3A_1005 : memref<256x100xi32, #tpu.memory_space<hbm>>) target(%arg5 : memref<256x100xi32, #tpu.memory_space<vmem>>) target_semaphore(%run_scoped3A : memref<!tpu.dma_semaphore, #tpu.memory_space<semaphore_mem>>)
      %dma_wait3A_1006 = arith.constant 0 : i32
      %dma_wait3A_1007 = arith.constant 0 : i32
      %dma_wait3A_1008 = tpu.memref_slice %arg2[%add3A, %dma_wait3A_1006, %dma_wait3A_1007] : memref<32x256x100xi32, #tpu.memory_space<hbm>> -> memref<1x256x100xi32, #tpu.memory_space<hbm>>
      %dma_wait3A_1009 = tpu.memref_squeeze %dma_wait3A_1008 : memref<1x256x100xi32, #tpu.memory_space<hbm>> -> memref<256x100xi32, #tpu.memory_space<hbm>>
      %dma_wait3A_1010 = arith.constant 0 : i32
      %dma_wait3A_1011 = arith.constant 0 : i32
      %dma_wait3A_1012 = tpu.memref_slice %arg2[%add3A, %dma_wait3A_1010, %dma_wait3A_1011] : memref<32x256x100xi32, #tpu.memory_space<hbm>> -> memref<1x256x100xi32, #tpu.memory_space<hbm>>
      %dma_wait3A_1013 = tpu.memref_squeeze %dma_wait3A_1012 : memref<1x256x100xi32, #tpu.memory_space<hbm>> -> memref<256x100xi32, #tpu.memory_space<hbm>>
      tpu.wait_dma2 semaphore(%run_scoped3A : memref<!tpu.dma_semaphore, #tpu.memory_space<semaphore_mem>>) src(%dma_wait3A_1013 : memref<256x100xi32, #tpu.memory_space<hbm>>) dst(%arg5 : memref<256x100xi32, #tpu.memory_space<vmem>>)
      tpu.yield
    }) : () -> ()
    %dma_start3A = arith.constant 0 : i32
    %dma_start3A_3 = arith.constant 0 : i32
    %dma_start3A_4 = arith.constant 0 : i32
    %dma_start3A_5 = arith.constant 0 : i32
    %dma_start3A_6 = tpu.memref_slice %arg6[%dma_start3A_3, %dma_start3A_4, %dma_start3A_5] : memref<4x100x64xf32, #tpu.memory_space<vmem>> -> memref<1x100x64xf32, #tpu.memory_space<vmem>>
    %dma_start3A_7 = tpu.memref_squeeze %dma_start3A_6 : memref<1x100x64xf32, #tpu.memory_space<vmem>> -> memref<100x64xf32, #tpu.memory_space<vmem>>
    %dma_start3A_8 = arith.constant 0 : i32
    %dma_start3A_9 = tpu.memref_slice %arg5[%dma_start3A, %dma_start3A_8] : memref<256x100xi32, #tpu.memory_space<vmem>> -> memref<1x100xi32, #tpu.memory_space<vmem>>
    %dma_start3A_10 = tpu.memref_squeeze %dma_start3A_9 : memref<1x100xi32, #tpu.memory_space<vmem>> -> memref<100xi32, #tpu.memory_space<vmem>>
    %dma_start3A_11 = arith.constant 0 : i32
    %dma_start3A_12 = arith.constant 0 : i32
    %dma_start3A_13 = tpu.memref_slice %arg3[%dma_start3A_11, %dma_start3A_12] : memref<1000000x64xf32, #tpu.memory_space<hbm>> -> memref<1000000x64xf32, #tpu.memory_space<hbm>>
    tpu.enqueue_indirect_dma source(%dma_start3A_13 : memref<1000000x64xf32, #tpu.memory_space<hbm>>) target(%dma_start3A_7 : memref<100x64xf32, #tpu.memory_space<vmem>>) offsets(%dma_start3A_10 : memref<100xi32, #tpu.memory_space<vmem>>) semaphore(%arg7 : memref<!tpu.dma_semaphore, #tpu.memory_space<semaphore_mem>>)
    %dma_start3A_14 = arith.constant 1 : i32
    %dma_start3A_15 = arith.constant 1 : i32
    %dma_start3A_16 = arith.constant 0 : i32
    %dma_start3A_17 = arith.constant 0 : i32
    %dma_start3A_18 = tpu.memref_slice %arg6[%dma_start3A_15, %dma_start3A_16, %dma_start3A_17] : memref<4x100x64xf32, #tpu.memory_space<vmem>> -> memref<1x100x64xf32, #tpu.memory_space<vmem>>
    %dma_start3A_19 = tpu.memref_squeeze %dma_start3A_18 : memref<1x100x64xf32, #tpu.memory_space<vmem>> -> memref<100x64xf32, #tpu.memory_space<vmem>>
    %dma_start3A_20 = arith.constant 0 : i32
    %dma_start3A_21 = tpu.memref_slice %arg5[%dma_start3A_14, %dma_start3A_20] : memref<256x100xi32, #tpu.memory_space<vmem>> -> memref<1x100xi32, #tpu.memory_space<vmem>>
    %dma_start3A_22 = tpu.memref_squeeze %dma_start3A_21 : memref<1x100xi32, #tpu.memory_space<vmem>> -> memref<100xi32, #tpu.memory_space<vmem>>
    %dma_start3A_23 = arith.constant 0 : i32
    %dma_start3A_24 = arith.constant 0 : i32
    %dma_start3A_25 = tpu.memref_slice %arg3[%dma_start3A_23, %dma_start3A_24] : memref<1000000x64xf32, #tpu.memory_space<hbm>> -> memref<1000000x64xf32, #tpu.memory_space<hbm>>
    tpu.enqueue_indirect_dma source(%dma_start3A_25 : memref<1000000x64xf32, #tpu.memory_space<hbm>>) target(%dma_start3A_19 : memref<100x64xf32, #tpu.memory_space<vmem>>) offsets(%dma_start3A_22 : memref<100xi32, #tpu.memory_space<vmem>>) semaphore(%arg8 : memref<!tpu.dma_semaphore, #tpu.memory_space<semaphore_mem>>)
    %dma_start3A_26 = arith.constant 2 : i32
    %dma_start3A_27 = arith.constant 2 : i32
    %dma_start3A_28 = arith.constant 0 : i32
    %dma_start3A_29 = arith.constant 0 : i32
    %dma_start3A_30 = tpu.memref_slice %arg6[%dma_start3A_27, %dma_start3A_28, %dma_start3A_29] : memref<4x100x64xf32, #tpu.memory_space<vmem>> -> memref<1x100x64xf32, #tpu.memory_space<vmem>>
    %dma_start3A_31 = tpu.memref_squeeze %dma_start3A_30 : memref<1x100x64xf32, #tpu.memory_space<vmem>> -> memref<100x64xf32, #tpu.memory_space<vmem>>
    %dma_start3A_32 = arith.constant 0 : i32
    %dma_start3A_33 = tpu.memref_slice %arg5[%dma_start3A_26, %dma_start3A_32] : memref<256x100xi32, #tpu.memory_space<vmem>> -> memref<1x100xi32, #tpu.memory_space<vmem>>
    %dma_start3A_34 = tpu.memref_squeeze %dma_start3A_33 : memref<1x100xi32, #tpu.memory_space<vmem>> -> memref<100xi32, #tpu.memory_space<vmem>>
    %dma_start3A_35 = arith.constant 0 : i32
    %dma_start3A_36 = arith.constant 0 : i32
    %dma_start3A_37 = tpu.memref_slice %arg3[%dma_start3A_35, %dma_start3A_36] : memref<1000000x64xf32, #tpu.memory_space<hbm>> -> memref<1000000x64xf32, #tpu.memory_space<hbm>>
    tpu.enqueue_indirect_dma source(%dma_start3A_37 : memref<1000000x64xf32, #tpu.memory_space<hbm>>) target(%dma_start3A_31 : memref<100x64xf32, #tpu.memory_space<vmem>>) offsets(%dma_start3A_34 : memref<100xi32, #tpu.memory_space<vmem>>) semaphore(%arg9 : memref<!tpu.dma_semaphore, #tpu.memory_space<semaphore_mem>>)
    %dma_start3A_38 = arith.constant 3 : i32
    %dma_start3A_39 = arith.constant 3 : i32
    %dma_start3A_40 = arith.constant 0 : i32
    %dma_start3A_41 = arith.constant 0 : i32
    %dma_start3A_42 = tpu.memref_slice %arg6[%dma_start3A_39, %dma_start3A_40, %dma_start3A_41] : memref<4x100x64xf32, #tpu.memory_space<vmem>> -> memref<1x100x64xf32, #tpu.memory_space<vmem>>
    %dma_start3A_43 = tpu.memref_squeeze %dma_start3A_42 : memref<1x100x64xf32, #tpu.memory_space<vmem>> -> memref<100x64xf32, #tpu.memory_space<vmem>>
    %dma_start3A_44 = arith.constant 0 : i32
    %dma_start3A_45 = tpu.memref_slice %arg5[%dma_start3A_38, %dma_start3A_44] : memref<256x100xi32, #tpu.memory_space<vmem>> -> memref<1x100xi32, #tpu.memory_space<vmem>>
    %dma_start3A_46 = tpu.memref_squeeze %dma_start3A_45 : memref<1x100xi32, #tpu.memory_space<vmem>> -> memref<100xi32, #tpu.memory_space<vmem>>
    %dma_start3A_47 = arith.constant 0 : i32
    %dma_start3A_48 = arith.constant 0 : i32
    %dma_start3A_49 = tpu.memref_slice %arg3[%dma_start3A_47, %dma_start3A_48] : memref<1000000x64xf32, #tpu.memory_space<hbm>> -> memref<1000000x64xf32, #tpu.memory_space<hbm>>
    tpu.enqueue_indirect_dma source(%dma_start3A_49 : memref<1000000x64xf32, #tpu.memory_space<hbm>>) target(%dma_start3A_43 : memref<100x64xf32, #tpu.memory_space<vmem>>) offsets(%dma_start3A_46 : memref<100xi32, #tpu.memory_space<vmem>>) semaphore(%arg10 : memref<!tpu.dma_semaphore, #tpu.memory_space<semaphore_mem>>)
    %dma_wait3A = arith.constant 0 : i32
    %dma_wait3A_50 = arith.constant 0 : i32
    %dma_wait3A_51 = arith.constant 0 : i32
    %dma_wait3A_52 = arith.constant 0 : i32
    %dma_wait3A_53 = tpu.memref_slice %arg6[%dma_wait3A_50, %dma_wait3A_51, %dma_wait3A_52] : memref<4x100x64xf32, #tpu.memory_space<vmem>> -> memref<1x100x64xf32, #tpu.memory_space<vmem>>
    %dma_wait3A_54 = tpu.memref_squeeze %dma_wait3A_53 : memref<1x100x64xf32, #tpu.memory_space<vmem>> -> memref<100x64xf32, #tpu.memory_space<vmem>>
    %dma_wait3A_55 = arith.constant 0 : i32
    %dma_wait3A_56 = tpu.memref_slice %arg5[%dma_wait3A, %dma_wait3A_55] : memref<256x100xi32, #tpu.memory_space<vmem>> -> memref<1x100xi32, #tpu.memory_space<vmem>>
    %dma_wait3A_57 = tpu.memref_squeeze %dma_wait3A_56 : memref<1x100xi32, #tpu.memory_space<vmem>> -> memref<100xi32, #tpu.memory_space<vmem>>
    %dma_wait3A_58 = arith.constant 0 : i32
    %dma_wait3A_59 = arith.constant 0 : i32
    %dma_wait3A_60 = tpu.memref_slice %arg3[%dma_wait3A_58, %dma_wait3A_59] : memref<1000000x64xf32, #tpu.memory_space<hbm>> -> memref<1000000x64xf32, #tpu.memory_space<hbm>>
    tpu.wait_indirect_dma semaphore(%arg7 : memref<!tpu.dma_semaphore, #tpu.memory_space<semaphore_mem>>) src(%dma_wait3A_60 : memref<1000000x64xf32, #tpu.memory_space<hbm>>) dst(%dma_wait3A_54 : memref<100x64xf32, #tpu.memory_space<vmem>>)
    %add3A_61 = arith.constant 0 : i32
    %add3A_62 = arith.addi %mul3A_2, %add3A_61 : i32
    %add3A_63 = arith.constant 1 : i32
    %add3A_64 = arith.addi %add3A_62, %add3A_63 : i32
    %dma_start3A_65 = arith.constant 0 : i32
    %dma_start3A_66 = arith.constant 0 : i32
    %dma_start3A_67 = arith.constant 0 : i32
    %dma_start3A_68 = tpu.memref_slice %arg6[%dma_start3A_65, %dma_start3A_66, %dma_start3A_67] : memref<4x100x64xf32, #tpu.memory_space<vmem>> -> memref<1x100x64xf32, #tpu.memory_space<vmem>>
    %dma_start3A_69 = tpu.memref_squeeze %dma_start3A_68 : memref<1x100x64xf32, #tpu.memory_space<vmem>> -> memref<100x64xf32, #tpu.memory_space<vmem>>
    %dma_start3A_70 = arith.constant 0 : i32
    %dma_start3A_71 = arith.constant 0 : i32
    %dma_start3A_72 = tpu.memref_slice %dma_start3A_69[%dma_start3A_70, %dma_start3A_71] : memref<100x64xf32, #tpu.memory_space<vmem>> -> memref<50x64xf32, #tpu.memory_space<vmem>>
    %dma_start3A_73 = arith.constant 0 : i32
    %dma_start3A_74 = arith.constant 0 : i32
    %dma_start3A_75 = tpu.memref_slice %arg4[%add3A_62, %dma_start3A_73, %dma_start3A_74] : memref<16384x56x128xf32, #tpu.memory_space<hbm>> -> memref<1x50x64xf32, #tpu.memory_space<hbm>>
    %dma_start3A_76 = tpu.memref_squeeze %dma_start3A_75 : memref<1x50x64xf32, #tpu.memory_space<hbm>> -> memref<50x64xf32, #tpu.memory_space<hbm>>
    %dma_start3A_77 = arith.constant 0 : i32
    %dma_start3A_78 = arith.constant 0 : i32
    %dma_start3A_79 = tpu.memref_slice %arg4[%add3A_62, %dma_start3A_77, %dma_start3A_78] : memref<16384x56x128xf32, #tpu.memory_space<hbm>> -> memref<1x50x64xf32, #tpu.memory_space<hbm>>
    %dma_start3A_80 = tpu.memref_squeeze %dma_start3A_79 : memref<1x50x64xf32, #tpu.memory_space<hbm>> -> memref<50x64xf32, #tpu.memory_space<hbm>>
    %dma_start3A_81 = arith.constant 0 : i32
    %dma_start3A_82 = arith.constant 0 : i32
    %dma_start3A_83 = tpu.memref_slice %arg6[%dma_start3A_65, %dma_start3A_81, %dma_start3A_82] : memref<4x100x64xf32, #tpu.memory_space<vmem>> -> memref<1x100x64xf32, #tpu.memory_space<vmem>>
    %dma_start3A_84 = tpu.memref_squeeze %dma_start3A_83 : memref<1x100x64xf32, #tpu.memory_space<vmem>> -> memref<100x64xf32, #tpu.memory_space<vmem>>
    %dma_start3A_85 = arith.constant 0 : i32
    %dma_start3A_86 = arith.constant 0 : i32
    %dma_start3A_87 = tpu.memref_slice %dma_start3A_84[%dma_start3A_85, %dma_start3A_86] : memref<100x64xf32, #tpu.memory_space<vmem>> -> memref<50x64xf32, #tpu.memory_space<vmem>>
    tpu.enqueue_dma source(%dma_start3A_87 : memref<50x64xf32, #tpu.memory_space<vmem>>) target(%dma_start3A_80 : memref<50x64xf32, #tpu.memory_space<hbm>>) target_semaphore(%arg11 : memref<!tpu.dma_semaphore, #tpu.memory_space<semaphore_mem>>)
    %dma_start3A_88 = arith.constant 0 : i32
    %dma_start3A_89 = arith.constant 0 : i32
    %dma_start3A_90 = arith.constant 0 : i32
    %dma_start3A_91 = tpu.memref_slice %arg6[%dma_start3A_88, %dma_start3A_89, %dma_start3A_90] : memref<4x100x64xf32, #tpu.memory_space<vmem>> -> memref<1x100x64xf32, #tpu.memory_space<vmem>>
    %dma_start3A_92 = tpu.memref_squeeze %dma_start3A_91 : memref<1x100x64xf32, #tpu.memory_space<vmem>> -> memref<100x64xf32, #tpu.memory_space<vmem>>
    %dma_start3A_93 = arith.constant 50 : i32
    %dma_start3A_94 = arith.constant 0 : i32
    %dma_start3A_95 = tpu.memref_slice %dma_start3A_92[%dma_start3A_93, %dma_start3A_94] : memref<100x64xf32, #tpu.memory_space<vmem>> -> memref<50x64xf32, #tpu.memory_space<vmem>>
    %dma_start3A_96 = arith.constant 0 : i32
    %dma_start3A_97 = arith.constant 0 : i32
    %dma_start3A_98 = tpu.memref_slice %arg4[%add3A_64, %dma_start3A_96, %dma_start3A_97] : memref<16384x56x128xf32, #tpu.memory_space<hbm>> -> memref<1x50x64xf32, #tpu.memory_space<hbm>>
    %dma_start3A_99 = tpu.memref_squeeze %dma_start3A_98 : memref<1x50x64xf32, #tpu.memory_space<hbm>> -> memref<50x64xf32, #tpu.memory_space<hbm>>
    %dma_start3A_100 = arith.constant 0 : i32
    %dma_start3A_101 = arith.constant 0 : i32
    %dma_start3A_102 = tpu.memref_slice %arg4[%add3A_64, %dma_start3A_100, %dma_start3A_101] : memref<16384x56x128xf32, #tpu.memory_space<hbm>> -> memref<1x50x64xf32, #tpu.memory_space<hbm>>
    %dma_start3A_103 = tpu.memref_squeeze %dma_start3A_102 : memref<1x50x64xf32, #tpu.memory_space<hbm>> -> memref<50x64xf32, #tpu.memory_space<hbm>>
    %dma_start3A_104 = arith.constant 0 : i32
    %dma_start3A_105 = arith.constant 0 : i32
    %dma_start3A_106 = tpu.memref_slice %arg6[%dma_start3A_88, %dma_start3A_104, %dma_start3A_105] : memref<4x100x64xf32, #tpu.memory_space<vmem>> -> memref<1x100x64xf32, #tpu.memory_space<vmem>>
    %dma_start3A_107 = tpu.memref_squeeze %dma_start3A_106 : memref<1x100x64xf32, #tpu.memory_space<vmem>> -> memref<100x64xf32, #tpu.memory_space<vmem>>
    %dma_start3A_108 = arith.constant 50 : i32
    %dma_start3A_109 = arith.constant 0 : i32
    %dma_start3A_110 = tpu.memref_slice %dma_start3A_107[%dma_start3A_108, %dma_start3A_109] : memref<100x64xf32, #tpu.memory_space<vmem>> -> memref<50x64xf32, #tpu.memory_space<vmem>>
    tpu.enqueue_dma source(%dma_start3A_110 : memref<50x64xf32, #tpu.memory_space<vmem>>) target(%dma_start3A_103 : memref<50x64xf32, #tpu.memory_space<hbm>>) target_semaphore(%arg11 : memref<!tpu.dma_semaphore, #tpu.memory_space<semaphore_mem>>)
    %dma_wait3A_111 = arith.constant 1 : i32
    %dma_wait3A_112 = arith.constant 1 : i32
    %dma_wait3A_113 = arith.constant 0 : i32
    %dma_wait3A_114 = arith.constant 0 : i32
    %dma_wait3A_115 = tpu.memref_slice %arg6[%dma_wait3A_112, %dma_wait3A_113, %dma_wait3A_114] : memref<4x100x64xf32, #tpu.memory_space<vmem>> -> memref<1x100x64xf32, #tpu.memory_space<vmem>>
    %dma_wait3A_116 = tpu.memref_squeeze %dma_wait3A_115 : memref<1x100x64xf32, #tpu.memory_space<vmem>> -> memref<100x64xf32, #tpu.memory_space<vmem>>
    %dma_wait3A_117 = arith.constant 0 : i32
    %dma_wait3A_118 = tpu.memref_slice %arg5[%dma_wait3A_111, %dma_wait3A_117] : memref<256x100xi32, #tpu.memory_space<vmem>> -> memref<1x100xi32, #tpu.memory_space<vmem>>
    %dma_wait3A_119 = tpu.memref_squeeze %dma_wait3A_118 : memref<1x100xi32, #tpu.memory_space<vmem>> -> memref<100xi32, #tpu.memory_space<vmem>>
    %dma_wait3A_120 = arith.constant 0 : i32
    %dma_wait3A_121 = arith.constant 0 : i32
    %dma_wait3A_122 = tpu.memref_slice %arg3[%dma_wait3A_120, %dma_wait3A_121] : memref<1000000x64xf32, #tpu.memory_space<hbm>> -> memref<1000000x64xf32, #tpu.memory_space<hbm>>
    tpu.wait_indirect_dma semaphore(%arg8 : memref<!tpu.dma_semaphore, #tpu.memory_space<semaphore_mem>>) src(%dma_wait3A_122 : memref<1000000x64xf32, #tpu.memory_space<hbm>>) dst(%dma_wait3A_116 : memref<100x64xf32, #tpu.memory_space<vmem>>)
    %add3A_123 = arith.constant 2 : i32
    %add3A_124 = arith.addi %mul3A_2, %add3A_123 : i32
    %add3A_125 = arith.constant 1 : i32
    %add3A_126 = arith.addi %add3A_124, %add3A_125 : i32
    %dma_start3A_127 = arith.constant 1 : i32
    %dma_start3A_128 = arith.constant 0 : i32
    %dma_start3A_129 = arith.constant 0 : i32
    %dma_start3A_130 = tpu.memref_slice %arg6[%dma_start3A_127, %dma_start3A_128, %dma_start3A_129] : memref<4x100x64xf32, #tpu.memory_space<vmem>> -> memref<1x100x64xf32, #tpu.memory_space<vmem>>
    %dma_start3A_131 = tpu.memref_squeeze %dma_start3A_130 : memref<1x100x64xf32, #tpu.memory_space<vmem>> -> memref<100x64xf32, #tpu.memory_space<vmem>>
    %dma_start3A_132 = arith.constant 0 : i32
    %dma_start3A_133 = arith.constant 0 : i32
    %dma_start3A_134 = tpu.memref_slice %dma_start3A_131[%dma_start3A_132, %dma_start3A_133] : memref<100x64xf32, #tpu.memory_space<vmem>> -> memref<50x64xf32, #tpu.memory_space<vmem>>
    %dma_start3A_135 = arith.constant 0 : i32
    %dma_start3A_136 = arith.constant 0 : i32
    %dma_start3A_137 = tpu.memref_slice %arg4[%add3A_124, %dma_start3A_135, %dma_start3A_136] : memref<16384x56x128xf32, #tpu.memory_space<hbm>> -> memref<1x50x64xf32, #tpu.memory_space<hbm>>
    %dma_start3A_138 = tpu.memref_squeeze %dma_start3A_137 : memref<1x50x64xf32, #tpu.memory_space<hbm>> -> memref<50x64xf32, #tpu.memory_space<hbm>>
    %dma_start3A_139 = arith.constant 0 : i32
    %dma_start3A_140 = arith.constant 0 : i32
    %dma_start3A_141 = tpu.memref_slice %arg4[%add3A_124, %dma_start3A_139, %dma_start3A_140] : memref<16384x56x128xf32, #tpu.memory_space<hbm>> -> memref<1x50x64xf32, #tpu.memory_space<hbm>>
    %dma_start3A_142 = tpu.memref_squeeze %dma_start3A_141 : memref<1x50x64xf32, #tpu.memory_space<hbm>> -> memref<50x64xf32, #tpu.memory_space<hbm>>
    %dma_start3A_143 = arith.constant 0 : i32
    %dma_start3A_144 = arith.constant 0 : i32
    %dma_start3A_145 = tpu.memref_slice %arg6[%dma_start3A_127, %dma_start3A_143, %dma_start3A_144] : memref<4x100x64xf32, #tpu.memory_space<vmem>> -> memref<1x100x64xf32, #tpu.memory_space<vmem>>
    %dma_start3A_146 = tpu.memref_squeeze %dma_start3A_145 : memref<1x100x64xf32, #tpu.memory_space<vmem>> -> memref<100x64xf32, #tpu.memory_space<vmem>>
    %dma_start3A_147 = arith.constant 0 : i32
    %dma_start3A_148 = arith.constant 0 : i32
    %dma_start3A_149 = tpu.memref_slice %dma_start3A_146[%dma_start3A_147, %dma_start3A_148] : memref<100x64xf32, #tpu.memory_space<vmem>> -> memref<50x64xf32, #tpu.memory_space<vmem>>
    tpu.enqueue_dma source(%dma_start3A_149 : memref<50x64xf32, #tpu.memory_space<vmem>>) target(%dma_start3A_142 : memref<50x64xf32, #tpu.memory_space<hbm>>) target_semaphore(%arg12 : memref<!tpu.dma_semaphore, #tpu.memory_space<semaphore_mem>>)
    %dma_start3A_150 = arith.constant 1 : i32
    %dma_start3A_151 = arith.constant 0 : i32
    %dma_start3A_152 = arith.constant 0 : i32
    %dma_start3A_153 = tpu.memref_slice %arg6[%dma_start3A_150, %dma_start3A_151, %dma_start3A_152] : memref<4x100x64xf32, #tpu.memory_space<vmem>> -> memref<1x100x64xf32, #tpu.memory_space<vmem>>
    %dma_start3A_154 = tpu.memref_squeeze %dma_start3A_153 : memref<1x100x64xf32, #tpu.memory_space<vmem>> -> memref<100x64xf32, #tpu.memory_space<vmem>>
    %dma_start3A_155 = arith.constant 50 : i32
    %dma_start3A_156 = arith.constant 0 : i32
    %dma_start3A_157 = tpu.memref_slice %dma_start3A_154[%dma_start3A_155, %dma_start3A_156] : memref<100x64xf32, #tpu.memory_space<vmem>> -> memref<50x64xf32, #tpu.memory_space<vmem>>
    %dma_start3A_158 = arith.constant 0 : i32
    %dma_start3A_159 = arith.constant 0 : i32
    %dma_start3A_160 = tpu.memref_slice %arg4[%add3A_126, %dma_start3A_158, %dma_start3A_159] : memref<16384x56x128xf32, #tpu.memory_space<hbm>> -> memref<1x50x64xf32, #tpu.memory_space<hbm>>
    %dma_start3A_161 = tpu.memref_squeeze %dma_start3A_160 : memref<1x50x64xf32, #tpu.memory_space<hbm>> -> memref<50x64xf32, #tpu.memory_space<hbm>>
    %dma_start3A_162 = arith.constant 0 : i32
    %dma_start3A_163 = arith.constant 0 : i32
    %dma_start3A_164 = tpu.memref_slice %arg4[%add3A_126, %dma_start3A_162, %dma_start3A_163] : memref<16384x56x128xf32, #tpu.memory_space<hbm>> -> memref<1x50x64xf32, #tpu.memory_space<hbm>>
    %dma_start3A_165 = tpu.memref_squeeze %dma_start3A_164 : memref<1x50x64xf32, #tpu.memory_space<hbm>> -> memref<50x64xf32, #tpu.memory_space<hbm>>
    %dma_start3A_166 = arith.constant 0 : i32
    %dma_start3A_167 = arith.constant 0 : i32
    %dma_start3A_168 = tpu.memref_slice %arg6[%dma_start3A_150, %dma_start3A_166, %dma_start3A_167] : memref<4x100x64xf32, #tpu.memory_space<vmem>> -> memref<1x100x64xf32, #tpu.memory_space<vmem>>
    %dma_start3A_169 = tpu.memref_squeeze %dma_start3A_168 : memref<1x100x64xf32, #tpu.memory_space<vmem>> -> memref<100x64xf32, #tpu.memory_space<vmem>>
    %dma_start3A_170 = arith.constant 50 : i32
    %dma_start3A_171 = arith.constant 0 : i32
    %dma_start3A_172 = tpu.memref_slice %dma_start3A_169[%dma_start3A_170, %dma_start3A_171] : memref<100x64xf32, #tpu.memory_space<vmem>> -> memref<50x64xf32, #tpu.memory_space<vmem>>
    tpu.enqueue_dma source(%dma_start3A_172 : memref<50x64xf32, #tpu.memory_space<vmem>>) target(%dma_start3A_165 : memref<50x64xf32, #tpu.memory_space<hbm>>) target_semaphore(%arg12 : memref<!tpu.dma_semaphore, #tpu.memory_space<semaphore_mem>>)
    %add3A_173 = arith.constant 0 : i32
    %add3A_174 = arith.addi %mul3A_2, %add3A_173 : i32
    %add3A_175 = arith.constant 1 : i32
    %add3A_176 = arith.addi %add3A_174, %add3A_175 : i32
    %dma_wait3A_177 = arith.constant 0 : i32
    %dma_wait3A_178 = arith.constant 0 : i32
    %dma_wait3A_179 = arith.constant 0 : i32
    %dma_wait3A_180 = tpu.memref_slice %arg6[%dma_wait3A_177, %dma_wait3A_178, %dma_wait3A_179] : memref<4x100x64xf32, #tpu.memory_space<vmem>> -> memref<1x100x64xf32, #tpu.memory_space<vmem>>
    %dma_wait3A_181 = tpu.memref_squeeze %dma_wait3A_180 : memref<1x100x64xf32, #tpu.memory_space<vmem>> -> memref<100x64xf32, #tpu.memory_space<vmem>>
    %dma_wait3A_182 = arith.constant 0 : i32
    %dma_wait3A_183 = arith.constant 0 : i32
    %dma_wait3A_184 = tpu.memref_slice %dma_wait3A_181[%dma_wait3A_182, %dma_wait3A_183] : memref<100x64xf32, #tpu.memory_space<vmem>> -> memref<50x64xf32, #tpu.memory_space<vmem>>
    %dma_wait3A_185 = arith.constant 0 : i32
    %dma_wait3A_186 = arith.constant 0 : i32
    %dma_wait3A_187 = tpu.memref_slice %arg4[%add3A_174, %dma_wait3A_185, %dma_wait3A_186] : memref<16384x56x128xf32, #tpu.memory_space<hbm>> -> memref<1x50x64xf32, #tpu.memory_space<hbm>>
    %dma_wait3A_188 = tpu.memref_squeeze %dma_wait3A_187 : memref<1x50x64xf32, #tpu.memory_space<hbm>> -> memref<50x64xf32, #tpu.memory_space<hbm>>
    %dma_wait3A_189 = arith.constant 0 : i32
    %dma_wait3A_190 = arith.constant 0 : i32
    %dma_wait3A_191 = tpu.memref_slice %arg4[%add3A_174, %dma_wait3A_189, %dma_wait3A_190] : memref<16384x56x128xf32, #tpu.memory_space<hbm>> -> memref<1x50x64xf32, #tpu.memory_space<hbm>>
    %dma_wait3A_192 = tpu.memref_squeeze %dma_wait3A_191 : memref<1x50x64xf32, #tpu.memory_space<hbm>> -> memref<50x64xf32, #tpu.memory_space<hbm>>
    %dma_wait3A_193 = arith.constant 0 : i32
    %dma_wait3A_194 = arith.constant 0 : i32
    %dma_wait3A_195 = tpu.memref_slice %arg6[%dma_wait3A_177, %dma_wait3A_193, %dma_wait3A_194] : memref<4x100x64xf32, #tpu.memory_space<vmem>> -> memref<1x100x64xf32, #tpu.memory_space<vmem>>
    %dma_wait3A_196 = tpu.memref_squeeze %dma_wait3A_195 : memref<1x100x64xf32, #tpu.memory_space<vmem>> -> memref<100x64xf32, #tpu.memory_space<vmem>>
    %dma_wait3A_197 = arith.constant 0 : i32
    %dma_wait3A_198 = arith.constant 0 : i32
    %dma_wait3A_199 = tpu.memref_slice %dma_wait3A_196[%dma_wait3A_197, %dma_wait3A_198] : memref<100x64xf32, #tpu.memory_space<vmem>> -> memref<50x64xf32, #tpu.memory_space<vmem>>
    tpu.wait_dma2 semaphore(%arg11 : memref<!tpu.dma_semaphore, #tpu.memory_space<semaphore_mem>>) src(%dma_wait3A_199 : memref<50x64xf32, #tpu.memory_space<vmem>>) dst(%dma_wait3A_192 : memref<50x64xf32, #tpu.memory_space<hbm>>)
    %dma_wait3A_200 = arith.constant 0 : i32
    %dma_wait3A_201 = arith.constant 0 : i32
    %dma_wait3A_202 = arith.constant 0 : i32
    %dma_wait3A_203 = tpu.memref_slice %arg6[%dma_wait3A_200, %dma_wait3A_201, %dma_wait3A_202] : memref<4x100x64xf32, #tpu.memory_space<vmem>> -> memref<1x100x64xf32, #tpu.memory_space<vmem>>
    %dma_wait3A_204 = tpu.memref_squeeze %dma_wait3A_203 : memref<1x100x64xf32, #tpu.memory_space<vmem>> -> memref<100x64xf32, #tpu.memory_space<vmem>>
    %dma_wait3A_205 = arith.constant 50 : i32
    %dma_wait3A_206 = arith.constant 0 : i32
    %dma_wait3A_207 = tpu.memref_slice %dma_wait3A_204[%dma_wait3A_205, %dma_wait3A_206] : memref<100x64xf32, #tpu.memory_space<vmem>> -> memref<50x64xf32, #tpu.memory_space<vmem>>
    %dma_wait3A_208 = arith.constant 0 : i32
    %dma_wait3A_209 = arith.constant 0 : i32
    %dma_wait3A_210 = tpu.memref_slice %arg4[%add3A_176, %dma_wait3A_208, %dma_wait3A_209] : memref<16384x56x128xf32, #tpu.memory_space<hbm>> -> memref<1x50x64xf32, #tpu.memory_space<hbm>>
    %dma_wait3A_211 = tpu.memref_squeeze %dma_wait3A_210 : memref<1x50x64xf32, #tpu.memory_space<hbm>> -> memref<50x64xf32, #tpu.memory_space<hbm>>
    %dma_wait3A_212 = arith.constant 0 : i32
    %dma_wait3A_213 = arith.constant 0 : i32
    %dma_wait3A_214 = tpu.memref_slice %arg4[%add3A_176, %dma_wait3A_212, %dma_wait3A_213] : memref<16384x56x128xf32, #tpu.memory_space<hbm>> -> memref<1x50x64xf32, #tpu.memory_space<hbm>>
    %dma_wait3A_215 = tpu.memref_squeeze %dma_wait3A_214 : memref<1x50x64xf32, #tpu.memory_space<hbm>> -> memref<50x64xf32, #tpu.memory_space<hbm>>
    %dma_wait3A_216 = arith.constant 0 : i32
    %dma_wait3A_217 = arith.constant 0 : i32
    %dma_wait3A_218 = tpu.memref_slice %arg6[%dma_wait3A_200, %dma_wait3A_216, %dma_wait3A_217] : memref<4x100x64xf32, #tpu.memory_space<vmem>> -> memref<1x100x64xf32, #tpu.memory_space<vmem>>
    %dma_wait3A_219 = tpu.memref_squeeze %dma_wait3A_218 : memref<1x100x64xf32, #tpu.memory_space<vmem>> -> memref<100x64xf32, #tpu.memory_space<vmem>>
    %dma_wait3A_220 = arith.constant 50 : i32
    %dma_wait3A_221 = arith.constant 0 : i32
    %dma_wait3A_222 = tpu.memref_slice %dma_wait3A_219[%dma_wait3A_220, %dma_wait3A_221] : memref<100x64xf32, #tpu.memory_space<vmem>> -> memref<50x64xf32, #tpu.memory_space<vmem>>
    tpu.wait_dma2 semaphore(%arg11 : memref<!tpu.dma_semaphore, #tpu.memory_space<semaphore_mem>>) src(%dma_wait3A_222 : memref<50x64xf32, #tpu.memory_space<vmem>>) dst(%dma_wait3A_215 : memref<50x64xf32, #tpu.memory_space<hbm>>)
    %dma_start3A_223 = arith.constant 4 : i32
    %dma_start3A_224 = arith.constant 0 : i32
    %dma_start3A_225 = arith.constant 0 : i32
    %dma_start3A_226 = arith.constant 0 : i32
    %dma_start3A_227 = tpu.memref_slice %arg6[%dma_start3A_224, %dma_start3A_225, %dma_start3A_226] : memref<4x100x64xf32, #tpu.memory_space<vmem>> -> memref<1x100x64xf32, #tpu.memory_space<vmem>>
    %dma_start3A_228 = tpu.memref_squeeze %dma_start3A_227 : memref<1x100x64xf32, #tpu.memory_space<vmem>> -> memref<100x64xf32, #tpu.memory_space<vmem>>
    %dma_start3A_229 = arith.constant 0 : i32
    %dma_start3A_230 = tpu.memref_slice %arg5[%dma_start3A_223, %dma_start3A_229] : memref<256x100xi32, #tpu.memory_space<vmem>> -> memref<1x100xi32, #tpu.memory_space<vmem>>
    %dma_start3A_231 = tpu.memref_squeeze %dma_start3A_230 : memref<1x100xi32, #tpu.memory_space<vmem>> -> memref<100xi32, #tpu.memory_space<vmem>>
    %dma_start3A_232 = arith.constant 0 : i32
    %dma_start3A_233 = arith.constant 0 : i32
    %dma_start3A_234 = tpu.memref_slice %arg3[%dma_start3A_232, %dma_start3A_233] : memref<1000000x64xf32, #tpu.memory_space<hbm>> -> memref<1000000x64xf32, #tpu.memory_space<hbm>>
    tpu.enqueue_indirect_dma source(%dma_start3A_234 : memref<1000000x64xf32, #tpu.memory_space<hbm>>) target(%dma_start3A_228 : memref<100x64xf32, #tpu.memory_space<vmem>>) offsets(%dma_start3A_231 : memref<100xi32, #tpu.memory_space<vmem>>) semaphore(%arg7 : memref<!tpu.dma_semaphore, #tpu.memory_space<semaphore_mem>>)
    %dma_wait3A_235 = arith.constant 2 : i32
    %dma_wait3A_236 = arith.constant 2 : i32
    %dma_wait3A_237 = arith.constant 0 : i32
    %dma_wait3A_238 = arith.constant 0 : i32
    %dma_wait3A_239 = tpu.memref_slice %arg6[%dma_wait3A_236, %dma_wait3A_237, %dma_wait3A_238] : memref<4x100x64xf32, #tpu.memory_space<vmem>> -> memref<1x100x64xf32, #tpu.memory_space<vmem>>
    %dma_wait3A_240 = tpu.memref_squeeze %dma_wait3A_239 : memref<1x100x64xf32, #tpu.memory_space<vmem>> -> memref<100x64xf32, #tpu.memory_space<vmem>>
    %dma_wait3A_241 = arith.constant 0 : i32
    %dma_wait3A_242 = tpu.memref_slice %arg5[%dma_wait3A_235, %dma_wait3A_241] : memref<256x100xi32, #tpu.memory_space<vmem>> -> memref<1x100xi32, #tpu.memory_space<vmem>>
    %dma_wait3A_243 = tpu.memref_squeeze %dma_wait3A_242 : memref<1x100xi32, #tpu.memory_space<vmem>> -> memref<100xi32, #tpu.memory_space<vmem>>
    %dma_wait3A_244 = arith.constant 0 : i32
    %dma_wait3A_245 = arith.constant 0 : i32
    %dma_wait3A_246 = tpu.memref_slice %arg3[%dma_wait3A_244, %dma_wait3A_245] : memref<1000000x64xf32, #tpu.memory_space<hbm>> -> memref<1000000x64xf32, #tpu.memory_space<hbm>>
    tpu.wait_indirect_dma semaphore(%arg9 : memref<!tpu.dma_semaphore, #tpu.memory_space<semaphore_mem>>) src(%dma_wait3A_246 : memref<1000000x64xf32, #tpu.memory_space<hbm>>) dst(%dma_wait3A_240 : memref<100x64xf32, #tpu.memory_space<vmem>>)
    %add3A_247 = arith.constant 4 : i32
    %add3A_248 = arith.addi %mul3A_2, %add3A_247 : i32
    %add3A_249 = arith.constant 1 : i32
    %add3A_250 = arith.addi %add3A_248, %add3A_249 : i32
    %dma_start3A_251 = arith.constant 2 : i32
    %dma_start3A_252 = arith.constant 0 : i32
    %dma_start3A_253 = arith.constant 0 : i32
    %dma_start3A_254 = tpu.memref_slice %arg6[%dma_start3A_251, %dma_start3A_252, %dma_start3A_253] : memref<4x100x64xf32, #tpu.memory_space<vmem>> -> memref<1x100x64xf32, #tpu.memory_space<vmem>>
    %dma_start3A_255 = tpu.memref_squeeze %dma_start3A_254 : memref<1x100x64xf32, #tpu.memory_space<vmem>> -> memref<100x64xf32, #tpu.memory_space<vmem>>
    %dma_start3A_256 = arith.constant 0 : i32
    %dma_start3A_257 = arith.constant 0 : i32
    %dma_start3A_258 = tpu.memref_slice %dma_start3A_255[%dma_start3A_256, %dma_start3A_257] : memref<100x64xf32, #tpu.memory_space<vmem>> -> memref<50x64xf32, #tpu.memory_space<vmem>>
    %dma_start3A_259 = arith.constant 0 : i32
    %dma_start3A_260 = arith.constant 0 : i32
    %dma_start3A_261 = tpu.memref_slice %arg4[%add3A_248, %dma_start3A_259, %dma_start3A_260] : memref<16384x56x128xf32, #tpu.memory_space<hbm>> -> memref<1x50x64xf32, #tpu.memory_space<hbm>>
    %dma_start3A_262 = tpu.memref_squeeze %dma_start3A_261 : memref<1x50x64xf32, #tpu.memory_space<hbm>> -> memref<50x64xf32, #tpu.memory_space<hbm>>
    %dma_start3A_263 = arith.constant 0 : i32
    %dma_start3A_264 = arith.constant 0 : i32
    %dma_start3A_265 = tpu.memref_slice %arg4[%add3A_248, %dma_start3A_263, %dma_start3A_264] : memref<16384x56x128xf32, #tpu.memory_space<hbm>> -> memref<1x50x64xf32, #tpu.memory_space<hbm>>
    %dma_start3A_266 = tpu.memref_squeeze %dma_start3A_265 : memref<1x50x64xf32, #tpu.memory_space<hbm>> -> memref<50x64xf32, #tpu.memory_space<hbm>>
    %dma_start3A_267 = arith.constant 0 : i32
    %dma_start3A_268 = arith.constant 0 : i32
    %dma_start3A_269 = tpu.memref_slice %arg6[%dma_start3A_251, %dma_start3A_267, %dma_start3A_268] : memref<4x100x64xf32, #tpu.memory_space<vmem>> -> memref<1x100x64xf32, #tpu.memory_space<vmem>>
    %dma_start3A_270 = tpu.memref_squeeze %dma_start3A_269 : memref<1x100x64xf32, #tpu.memory_space<vmem>> -> memref<100x64xf32, #tpu.memory_space<vmem>>
    %dma_start3A_271 = arith.constant 0 : i32
    %dma_start3A_272 = arith.constant 0 : i32
    %dma_start3A_273 = tpu.memref_slice %dma_start3A_270[%dma_start3A_271, %dma_start3A_272] : memref<100x64xf32, #tpu.memory_space<vmem>> -> memref<50x64xf32, #tpu.memory_space<vmem>>
    tpu.enqueue_dma source(%dma_start3A_273 : memref<50x64xf32, #tpu.memory_space<vmem>>) target(%dma_start3A_266 : memref<50x64xf32, #tpu.memory_space<hbm>>) target_semaphore(%arg13 : memref<!tpu.dma_semaphore, #tpu.memory_space<semaphore_mem>>)
    %dma_start3A_274 = arith.constant 2 : i32
    %dma_start3A_275 = arith.constant 0 : i32
    %dma_start3A_276 = arith.constant 0 : i32
    %dma_start3A_277 = tpu.memref_slice %arg6[%dma_start3A_274, %dma_start3A_275, %dma_start3A_276] : memref<4x100x64xf32, #tpu.memory_space<vmem>> -> memref<1x100x64xf32, #tpu.memory_space<vmem>>
    %dma_start3A_278 = tpu.memref_squeeze %dma_start3A_277 : memref<1x100x64xf32, #tpu.memory_space<vmem>> -> memref<100x64xf32, #tpu.memory_space<vmem>>
    %dma_start3A_279 = arith.constant 50 : i32
    %dma_start3A_280 = arith.constant 0 : i32
    %dma_start3A_281 = tpu.memref_slice %dma_start3A_278[%dma_start3A_279, %dma_start3A_280] : memref<100x64xf32, #tpu.memory_space<vmem>> -> memref<50x64xf32, #tpu.memory_space<vmem>>
    %dma_start3A_282 = arith.constant 0 : i32
    %dma_start3A_283 = arith.constant 0 : i32
    %dma_start3A_284 = tpu.memref_slice %arg4[%add3A_250, %dma_start3A_282, %dma_start3A_283] : memref<16384x56x128xf32, #tpu.memory_space<hbm>> -> memref<1x50x64xf32, #tpu.memory_space<hbm>>
    %dma_start3A_285 = tpu.memref_squeeze %dma_start3A_284 : memref<1x50x64xf32, #tpu.memory_space<hbm>> -> memref<50x64xf32, #tpu.memory_space<hbm>>
    %dma_start3A_286 = arith.constant 0 : i32
    %dma_start3A_287 = arith.constant 0 : i32
    %dma_start3A_288 = tpu.memref_slice %arg4[%add3A_250, %dma_start3A_286, %dma_start3A_287] : memref<16384x56x128xf32, #tpu.memory_space<hbm>> -> memref<1x50x64xf32, #tpu.memory_space<hbm>>
    %dma_start3A_289 = tpu.memref_squeeze %dma_start3A_288 : memref<1x50x64xf32, #tpu.memory_space<hbm>> -> memref<50x64xf32, #tpu.memory_space<hbm>>
    %dma_start3A_290 = arith.constant 0 : i32
    %dma_start3A_291 = arith.constant 0 : i32
    %dma_start3A_292 = tpu.memref_slice %arg6[%dma_start3A_274, %dma_start3A_290, %dma_start3A_291] : memref<4x100x64xf32, #tpu.memory_space<vmem>> -> memref<1x100x64xf32, #tpu.memory_space<vmem>>
    %dma_start3A_293 = tpu.memref_squeeze %dma_start3A_292 : memref<1x100x64xf32, #tpu.memory_space<vmem>> -> memref<100x64xf32, #tpu.memory_space<vmem>>
    %dma_start3A_294 = arith.constant 50 : i32
    %dma_start3A_295 = arith.constant 0 : i32
    %dma_start3A_296 = tpu.memref_slice %dma_start3A_293[%dma_start3A_294, %dma_start3A_295] : memref<100x64xf32, #tpu.memory_space<vmem>> -> memref<50x64xf32, #tpu.memory_space<vmem>>
    tpu.enqueue_dma source(%dma_start3A_296 : memref<50x64xf32, #tpu.memory_space<vmem>>) target(%dma_start3A_289 : memref<50x64xf32, #tpu.memory_space<hbm>>) target_semaphore(%arg13 : memref<!tpu.dma_semaphore, #tpu.memory_space<semaphore_mem>>)
    %add3A_297 = arith.constant 2 : i32
    %add3A_298 = arith.addi %mul3A_2, %add3A_297 : i32
    %add3A_299 = arith.constant 1 : i32
    %add3A_300 = arith.addi %add3A_298, %add3A_299 : i32
    %dma_wait3A_301 = arith.constant 1 : i32
    %dma_wait3A_302 = arith.constant 0 : i32
    %dma_wait3A_303 = arith.constant 0 : i32
    %dma_wait3A_304 = tpu.memref_slice %arg6[%dma_wait3A_301, %dma_wait3A_302, %dma_wait3A_303] : memref<4x100x64xf32, #tpu.memory_space<vmem>> -> memref<1x100x64xf32, #tpu.memory_space<vmem>>
    %dma_wait3A_305 = tpu.memref_squeeze %dma_wait3A_304 : memref<1x100x64xf32, #tpu.memory_space<vmem>> -> memref<100x64xf32, #tpu.memory_space<vmem>>
    %dma_wait3A_306 = arith.constant 0 : i32
    %dma_wait3A_307 = arith.constant 0 : i32
    %dma_wait3A_308 = tpu.memref_slice %dma_wait3A_305[%dma_wait3A_306, %dma_wait3A_307] : memref<100x64xf32, #tpu.memory_space<vmem>> -> memref<50x64xf32, #tpu.memory_space<vmem>>
    %dma_wait3A_309 = arith.constant 0 : i32
    %dma_wait3A_310 = arith.constant 0 : i32
    %dma_wait3A_311 = tpu.memref_slice %arg4[%add3A_298, %dma_wait3A_309, %dma_wait3A_310] : memref<16384x56x128xf32, #tpu.memory_space<hbm>> -> memref<1x50x64xf32, #tpu.memory_space<hbm>>
    %dma_wait3A_312 = tpu.memref_squeeze %dma_wait3A_311 : memref<1x50x64xf32, #tpu.memory_space<hbm>> -> memref<50x64xf32, #tpu.memory_space<hbm>>
    %dma_wait3A_313 = arith.constant 0 : i32
    %dma_wait3A_314 = arith.constant 0 : i32
    %dma_wait3A_315 = tpu.memref_slice %arg4[%add3A_298, %dma_wait3A_313, %dma_wait3A_314] : memref<16384x56x128xf32, #tpu.memory_space<hbm>> -> memref<1x50x64xf32, #tpu.memory_space<hbm>>
    %dma_wait3A_316 = tpu.memref_squeeze %dma_wait3A_315 : memref<1x50x64xf32, #tpu.memory_space<hbm>> -> memref<50x64xf32, #tpu.memory_space<hbm>>
    %dma_wait3A_317 = arith.constant 0 : i32
    %dma_wait3A_318 = arith.constant 0 : i32
    %dma_wait3A_319 = tpu.memref_slice %arg6[%dma_wait3A_301, %dma_wait3A_317, %dma_wait3A_318] : memref<4x100x64xf32, #tpu.memory_space<vmem>> -> memref<1x100x64xf32, #tpu.memory_space<vmem>>
    %dma_wait3A_320 = tpu.memref_squeeze %dma_wait3A_319 : memref<1x100x64xf32, #tpu.memory_space<vmem>> -> memref<100x64xf32, #tpu.memory_space<vmem>>
    %dma_wait3A_321 = arith.constant 0 : i32
    %dma_wait3A_322 = arith.constant 0 : i32
    %dma_wait3A_323 = tpu.memref_slice %dma_wait3A_320[%dma_wait3A_321, %dma_wait3A_322] : memref<100x64xf32, #tpu.memory_space<vmem>> -> memref<50x64xf32, #tpu.memory_space<vmem>>
    tpu.wait_dma2 semaphore(%arg12 : memref<!tpu.dma_semaphore, #tpu.memory_space<semaphore_mem>>) src(%dma_wait3A_323 : memref<50x64xf32, #tpu.memory_space<vmem>>) dst(%dma_wait3A_316 : memref<50x64xf32, #tpu.memory_space<hbm>>)
    %dma_wait3A_324 = arith.constant 1 : i32
    %dma_wait3A_325 = arith.constant 0 : i32
    %dma_wait3A_326 = arith.constant 0 : i32
    %dma_wait3A_327 = tpu.memref_slice %arg6[%dma_wait3A_324, %dma_wait3A_325, %dma_wait3A_326] : memref<4x100x64xf32, #tpu.memory_space<vmem>> -> memref<1x100x64xf32, #tpu.memory_space<vmem>>
    %dma_wait3A_328 = tpu.memref_squeeze %dma_wait3A_327 : memref<1x100x64xf32, #tpu.memory_space<vmem>> -> memref<100x64xf32, #tpu.memory_space<vmem>>
    %dma_wait3A_329 = arith.constant 50 : i32
    %dma_wait3A_330 = arith.constant 0 : i32
    %dma_wait3A_331 = tpu.memref_slice %dma_wait3A_328[%dma_wait3A_329, %dma_wait3A_330] : memref<100x64xf32, #tpu.memory_space<vmem>> -> memref<50x64xf32, #tpu.memory_space<vmem>>
    %dma_wait3A_332 = arith.constant 0 : i32
    %dma_wait3A_333 = arith.constant 0 : i32
    %dma_wait3A_334 = tpu.memref_slice %arg4[%add3A_300, %dma_wait3A_332, %dma_wait3A_333] : memref<16384x56x128xf32, #tpu.memory_space<hbm>> -> memref<1x50x64xf32, #tpu.memory_space<hbm>>
    %dma_wait3A_335 = tpu.memref_squeeze %dma_wait3A_334 : memref<1x50x64xf32, #tpu.memory_space<hbm>> -> memref<50x64xf32, #tpu.memory_space<hbm>>
    %dma_wait3A_336 = arith.constant 0 : i32
    %dma_wait3A_337 = arith.constant 0 : i32
    %dma_wait3A_338 = tpu.memref_slice %arg4[%add3A_300, %dma_wait3A_336, %dma_wait3A_337] : memref<16384x56x128xf32, #tpu.memory_space<hbm>> -> memref<1x50x64xf32, #tpu.memory_space<hbm>>
    %dma_wait3A_339 = tpu.memref_squeeze %dma_wait3A_338 : memref<1x50x64xf32, #tpu.memory_space<hbm>> -> memref<50x64xf32, #tpu.memory_space<hbm>>
    %dma_wait3A_340 = arith.constant 0 : i32
    %dma_wait3A_341 = arith.constant 0 : i32
    %dma_wait3A_342 = tpu.memref_slice %arg6[%dma_wait3A_324, %dma_wait3A_340, %dma_wait3A_341] : memref<4x100x64xf32, #tpu.memory_space<vmem>> -> memref<1x100x64xf32, #tpu.memory_space<vmem>>
    %dma_wait3A_343 = tpu.memref_squeeze %dma_wait3A_342 : memref<1x100x64xf32, #tpu.memory_space<vmem>> -> memref<100x64xf32, #tpu.memory_space<vmem>>
    %dma_wait3A_344 = arith.constant 50 : i32
    %dma_wait3A_345 = arith.constant 0 : i32
    %dma_wait3A_346 = tpu.memref_slice %dma_wait3A_343[%dma_wait3A_344, %dma_wait3A_345] : memref<100x64xf32, #tpu.memory_space<vmem>> -> memref<50x64xf32, #tpu.memory_space<vmem>>
    tpu.wait_dma2 semaphore(%arg12 : memref<!tpu.dma_semaphore, #tpu.memory_space<semaphore_mem>>) src(%dma_wait3A_346 : memref<50x64xf32, #tpu.memory_space<vmem>>) dst(%dma_wait3A_339 : memref<50x64xf32, #tpu.memory_space<hbm>>)
    %dma_start3A_347 = arith.constant 5 : i32
    %dma_start3A_348 = arith.constant 1 : i32
    %dma_start3A_349 = arith.constant 0 : i32
    %dma_start3A_350 = arith.constant 0 : i32
    %dma_start3A_351 = tpu.memref_slice %arg6[%dma_start3A_348, %dma_start3A_349, %dma_start3A_350] : memref<4x100x64xf32, #tpu.memory_space<vmem>> -> memref<1x100x64xf32, #tpu.memory_space<vmem>>
    %dma_start3A_352 = tpu.memref_squeeze %dma_start3A_351 : memref<1x100x64xf32, #tpu.memory_space<vmem>> -> memref<100x64xf32, #tpu.memory_space<vmem>>
    %dma_start3A_353 = arith.constant 0 : i32
    %dma_start3A_354 = tpu.memref_slice %arg5[%dma_start3A_347, %dma_start3A_353] : memref<256x100xi32, #tpu.memory_space<vmem>> -> memref<1x100xi32, #tpu.memory_space<vmem>>
    %dma_start3A_355 = tpu.memref_squeeze %dma_start3A_354 : memref<1x100xi32, #tpu.memory_space<vmem>> -> memref<100xi32, #tpu.memory_space<vmem>>
    %dma_start3A_356 = arith.constant 0 : i32
    %dma_start3A_357 = arith.constant 0 : i32
    %dma_start3A_358 = tpu.memref_slice %arg3[%dma_start3A_356, %dma_start3A_357] : memref<1000000x64xf32, #tpu.memory_space<hbm>> -> memref<1000000x64xf32, #tpu.memory_space<hbm>>
    tpu.enqueue_indirect_dma source(%dma_start3A_358 : memref<1000000x64xf32, #tpu.memory_space<hbm>>) target(%dma_start3A_352 : memref<100x64xf32, #tpu.memory_space<vmem>>) offsets(%dma_start3A_355 : memref<100xi32, #tpu.memory_space<vmem>>) semaphore(%arg8 : memref<!tpu.dma_semaphore, #tpu.memory_space<semaphore_mem>>)
    %dma_wait3A_359 = arith.constant 3 : i32
    %dma_wait3A_360 = arith.constant 3 : i32
    %dma_wait3A_361 = arith.constant 0 : i32
    %dma_wait3A_362 = arith.constant 0 : i32
    %dma_wait3A_363 = tpu.memref_slice %arg6[%dma_wait3A_360, %dma_wait3A_361, %dma_wait3A_362] : memref<4x100x64xf32, #tpu.memory_space<vmem>> -> memref<1x100x64xf32, #tpu.memory_space<vmem>>
    %dma_wait3A_364 = tpu.memref_squeeze %dma_wait3A_363 : memref<1x100x64xf32, #tpu.memory_space<vmem>> -> memref<100x64xf32, #tpu.memory_space<vmem>>
    %dma_wait3A_365 = arith.constant 0 : i32
    %dma_wait3A_366 = tpu.memref_slice %arg5[%dma_wait3A_359, %dma_wait3A_365] : memref<256x100xi32, #tpu.memory_space<vmem>> -> memref<1x100xi32, #tpu.memory_space<vmem>>
    %dma_wait3A_367 = tpu.memref_squeeze %dma_wait3A_366 : memref<1x100xi32, #tpu.memory_space<vmem>> -> memref<100xi32, #tpu.memory_space<vmem>>
    %dma_wait3A_368 = arith.constant 0 : i32
    %dma_wait3A_369 = arith.constant 0 : i32
    %dma_wait3A_370 = tpu.memref_slice %arg3[%dma_wait3A_368, %dma_wait3A_369] : memref<1000000x64xf32, #tpu.memory_space<hbm>> -> memref<1000000x64xf32, #tpu.memory_space<hbm>>
    tpu.wait_indirect_dma semaphore(%arg10 : memref<!tpu.dma_semaphore, #tpu.memory_space<semaphore_mem>>) src(%dma_wait3A_370 : memref<1000000x64xf32, #tpu.memory_space<hbm>>) dst(%dma_wait3A_364 : memref<100x64xf32, #tpu.memory_space<vmem>>)
    %add3A_371 = arith.constant 6 : i32
    %add3A_372 = arith.addi %mul3A_2, %add3A_371 : i32
    %add3A_373 = arith.constant 1 : i32
    %add3A_374 = arith.addi %add3A_372, %add3A_373 : i32
    %dma_start3A_375 = arith.constant 3 : i32
    %dma_start3A_376 = arith.constant 0 : i32
    %dma_start3A_377 = arith.constant 0 : i32
    %dma_start3A_378 = tpu.memref_slice %arg6[%dma_start3A_375, %dma_start3A_376, %dma_start3A_377] : memref<4x100x64xf32, #tpu.memory_space<vmem>> -> memref<1x100x64xf32, #tpu.memory_space<vmem>>
    %dma_start3A_379 = tpu.memref_squeeze %dma_start3A_378 : memref<1x100x64xf32, #tpu.memory_space<vmem>> -> memref<100x64xf32, #tpu.memory_space<vmem>>
    %dma_start3A_380 = arith.constant 0 : i32
    %dma_start3A_381 = arith.constant 0 : i32
    %dma_start3A_382 = tpu.memref_slice %dma_start3A_379[%dma_start3A_380, %dma_start3A_381] : memref<100x64xf32, #tpu.memory_space<vmem>> -> memref<50x64xf32, #tpu.memory_space<vmem>>
    %dma_start3A_383 = arith.constant 0 : i32
    %dma_start3A_384 = arith.constant 0 : i32
    %dma_start3A_385 = tpu.memref_slice %arg4[%add3A_372, %dma_start3A_383, %dma_start3A_384] : memref<16384x56x128xf32, #tpu.memory_space<hbm>> -> memref<1x50x64xf32, #tpu.memory_space<hbm>>
    %dma_start3A_386 = tpu.memref_squeeze %dma_start3A_385 : memref<1x50x64xf32, #tpu.memory_space<hbm>> -> memref<50x64xf32, #tpu.memory_space<hbm>>
    %dma_start3A_387 = arith.constant 0 : i32
    %dma_start3A_388 = arith.constant 0 : i32
    %dma_start3A_389 = tpu.memref_slice %arg4[%add3A_372, %dma_start3A_387, %dma_start3A_388] : memref<16384x56x128xf32, #tpu.memory_space<hbm>> -> memref<1x50x64xf32, #tpu.memory_space<hbm>>
    %dma_start3A_390 = tpu.memref_squeeze %dma_start3A_389 : memref<1x50x64xf32, #tpu.memory_space<hbm>> -> memref<50x64xf32, #tpu.memory_space<hbm>>
    %dma_start3A_391 = arith.constant 0 : i32
    %dma_start3A_392 = arith.constant 0 : i32
    %dma_start3A_393 = tpu.memref_slice %arg6[%dma_start3A_375, %dma_start3A_391, %dma_start3A_392] : memref<4x100x64xf32, #tpu.memory_space<vmem>> -> memref<1x100x64xf32, #tpu.memory_space<vmem>>
    %dma_start3A_394 = tpu.memref_squeeze %dma_start3A_393 : memref<1x100x64xf32, #tpu.memory_space<vmem>> -> memref<100x64xf32, #tpu.memory_space<vmem>>
    %dma_start3A_395 = arith.constant 0 : i32
    %dma_start3A_396 = arith.constant 0 : i32
    %dma_start3A_397 = tpu.memref_slice %dma_start3A_394[%dma_start3A_395, %dma_start3A_396] : memref<100x64xf32, #tpu.memory_space<vmem>> -> memref<50x64xf32, #tpu.memory_space<vmem>>
    tpu.enqueue_dma source(%dma_start3A_397 : memref<50x64xf32, #tpu.memory_space<vmem>>) target(%dma_start3A_390 : memref<50x64xf32, #tpu.memory_space<hbm>>) target_semaphore(%arg14 : memref<!tpu.dma_semaphore, #tpu.memory_space<semaphore_mem>>)
    %dma_start3A_398 = arith.constant 3 : i32
    %dma_start3A_399 = arith.constant 0 : i32
    %dma_start3A_400 = arith.constant 0 : i32
    %dma_start3A_401 = tpu.memref_slice %arg6[%dma_start3A_398, %dma_start3A_399, %dma_start3A_400] : memref<4x100x64xf32, #tpu.memory_space<vmem>> -> memref<1x100x64xf32, #tpu.memory_space<vmem>>
    %dma_start3A_402 = tpu.memref_squeeze %dma_start3A_401 : memref<1x100x64xf32, #tpu.memory_space<vmem>> -> memref<100x64xf32, #tpu.memory_space<vmem>>
    %dma_start3A_403 = arith.constant 50 : i32
    %dma_start3A_404 = arith.constant 0 : i32
    %dma_start3A_405 = tpu.memref_slice %dma_start3A_402[%dma_start3A_403, %dma_start3A_404] : memref<100x64xf32, #tpu.memory_space<vmem>> -> memref<50x64xf32, #tpu.memory_space<vmem>>
    %dma_start3A_406 = arith.constant 0 : i32
    %dma_start3A_407 = arith.constant 0 : i32
    %dma_start3A_408 = tpu.memref_slice %arg4[%add3A_374, %dma_start3A_406, %dma_start3A_407] : memref<16384x56x128xf32, #tpu.memory_space<hbm>> -> memref<1x50x64xf32, #tpu.memory_space<hbm>>
    %dma_start3A_409 = tpu.memref_squeeze %dma_start3A_408 : memref<1x50x64xf32, #tpu.memory_space<hbm>> -> memref<50x64xf32, #tpu.memory_space<hbm>>
    %dma_start3A_410 = arith.constant 0 : i32
    %dma_start3A_411 = arith.constant 0 : i32
    %dma_start3A_412 = tpu.memref_slice %arg4[%add3A_374, %dma_start3A_410, %dma_start3A_411] : memref<16384x56x128xf32, #tpu.memory_space<hbm>> -> memref<1x50x64xf32, #tpu.memory_space<hbm>>
    %dma_start3A_413 = tpu.memref_squeeze %dma_start3A_412 : memref<1x50x64xf32, #tpu.memory_space<hbm>> -> memref<50x64xf32, #tpu.memory_space<hbm>>
    %dma_start3A_414 = arith.constant 0 : i32
    %dma_start3A_415 = arith.constant 0 : i32
    %dma_start3A_416 = tpu.memref_slice %arg6[%dma_start3A_398, %dma_start3A_414, %dma_start3A_415] : memref<4x100x64xf32, #tpu.memory_space<vmem>> -> memref<1x100x64xf32, #tpu.memory_space<vmem>>
    %dma_start3A_417 = tpu.memref_squeeze %dma_start3A_416 : memref<1x100x64xf32, #tpu.memory_space<vmem>> -> memref<100x64xf32, #tpu.memory_space<vmem>>
    %dma_start3A_418 = arith.constant 50 : i32
    %dma_start3A_419 = arith.constant 0 : i32
    %dma_start3A_420 = tpu.memref_slice %dma_start3A_417[%dma_start3A_418, %dma_start3A_419] : memref<100x64xf32, #tpu.memory_space<vmem>> -> memref<50x64xf32, #tpu.memory_space<vmem>>
    tpu.enqueue_dma source(%dma_start3A_420 : memref<50x64xf32, #tpu.memory_space<vmem>>) target(%dma_start3A_413 : memref<50x64xf32, #tpu.memory_space<hbm>>) target_semaphore(%arg14 : memref<!tpu.dma_semaphore, #tpu.memory_space<semaphore_mem>>)
    %add3A_421 = arith.constant 4 : i32
    %add3A_422 = arith.addi %mul3A_2, %add3A_421 : i32
    %add3A_423 = arith.constant 1 : i32
    %add3A_424 = arith.addi %add3A_422, %add3A_423 : i32
    %dma_wait3A_425 = arith.constant 2 : i32
    %dma_wait3A_426 = arith.constant 0 : i32
    %dma_wait3A_427 = arith.constant 0 : i32
    %dma_wait3A_428 = tpu.memref_slice %arg6[%dma_wait3A_425, %dma_wait3A_426, %dma_wait3A_427] : memref<4x100x64xf32, #tpu.memory_space<vmem>> -> memref<1x100x64xf32, #tpu.memory_space<vmem>>
    %dma_wait3A_429 = tpu.memref_squeeze %dma_wait3A_428 : memref<1x100x64xf32, #tpu.memory_space<vmem>> -> memref<100x64xf32, #tpu.memory_space<vmem>>
    %dma_wait3A_430 = arith.constant 0 : i32
    %dma_wait3A_431 = arith.constant 0 : i32
    %dma_wait3A_432 = tpu.memref_slice %dma_wait3A_429[%dma_wait3A_430, %dma_wait3A_431] : memref<100x64xf32, #tpu.memory_space<vmem>> -> memref<50x64xf32, #tpu.memory_space<vmem>>
    %dma_wait3A_433 = arith.constant 0 : i32
    %dma_wait3A_434 = arith.constant 0 : i32
    %dma_wait3A_435 = tpu.memref_slice %arg4[%add3A_422, %dma_wait3A_433, %dma_wait3A_434] : memref<16384x56x128xf32, #tpu.memory_space<hbm>> -> memref<1x50x64xf32, #tpu.memory_space<hbm>>
    %dma_wait3A_436 = tpu.memref_squeeze %dma_wait3A_435 : memref<1x50x64xf32, #tpu.memory_space<hbm>> -> memref<50x64xf32, #tpu.memory_space<hbm>>
    %dma_wait3A_437 = arith.constant 0 : i32
    %dma_wait3A_438 = arith.constant 0 : i32
    %dma_wait3A_439 = tpu.memref_slice %arg4[%add3A_422, %dma_wait3A_437, %dma_wait3A_438] : memref<16384x56x128xf32, #tpu.memory_space<hbm>> -> memref<1x50x64xf32, #tpu.memory_space<hbm>>
    %dma_wait3A_440 = tpu.memref_squeeze %dma_wait3A_439 : memref<1x50x64xf32, #tpu.memory_space<hbm>> -> memref<50x64xf32, #tpu.memory_space<hbm>>
    %dma_wait3A_441 = arith.constant 0 : i32
    %dma_wait3A_442 = arith.constant 0 : i32
    %dma_wait3A_443 = tpu.memref_slice %arg6[%dma_wait3A_425, %dma_wait3A_441, %dma_wait3A_442] : memref<4x100x64xf32, #tpu.memory_space<vmem>> -> memref<1x100x64xf32, #tpu.memory_space<vmem>>
    %dma_wait3A_444 = tpu.memref_squeeze %dma_wait3A_443 : memref<1x100x64xf32, #tpu.memory_space<vmem>> -> memref<100x64xf32, #tpu.memory_space<vmem>>
    %dma_wait3A_445 = arith.constant 0 : i32
    %dma_wait3A_446 = arith.constant 0 : i32
    %dma_wait3A_447 = tpu.memref_slice %dma_wait3A_444[%dma_wait3A_445, %dma_wait3A_446] : memref<100x64xf32, #tpu.memory_space<vmem>> -> memref<50x64xf32, #tpu.memory_space<vmem>>
    tpu.wait_dma2 semaphore(%arg13 : memref<!tpu.dma_semaphore, #tpu.memory_space<semaphore_mem>>) src(%dma_wait3A_447 : memref<50x64xf32, #tpu.memory_space<vmem>>) dst(%dma_wait3A_440 : memref<50x64xf32, #tpu.memory_space<hbm>>)
    %dma_wait3A_448 = arith.constant 2 : i32
    %dma_wait3A_449 = arith.constant 0 : i32
    %dma_wait3A_450 = arith.constant 0 : i32
    %dma_wait3A_451 = tpu.memref_slice %arg6[%dma_wait3A_448, %dma_wait3A_449, %dma_wait3A_450] : memref<4x100x64xf32, #tpu.memory_space<vmem>> -> memref<1x100x64xf32, #tpu.memory_space<vmem>>
    %dma_wait3A_452 = tpu.memref_squeeze %dma_wait3A_451 : memref<1x100x64xf32, #tpu.memory_space<vmem>> -> memref<100x64xf32, #tpu.memory_space<vmem>>
    %dma_wait3A_453 = arith.constant 50 : i32
    %dma_wait3A_454 = arith.constant 0 : i32
    %dma_wait3A_455 = tpu.memref_slice %dma_wait3A_452[%dma_wait3A_453, %dma_wait3A_454] : memref<100x64xf32, #tpu.memory_space<vmem>> -> memref<50x64xf32, #tpu.memory_space<vmem>>
    %dma_wait3A_456 = arith.constant 0 : i32
    %dma_wait3A_457 = arith.constant 0 : i32
    %dma_wait3A_458 = tpu.memref_slice %arg4[%add3A_424, %dma_wait3A_456, %dma_wait3A_457] : memref<16384x56x128xf32, #tpu.memory_space<hbm>> -> memref<1x50x64xf32, #tpu.memory_space<hbm>>
    %dma_wait3A_459 = tpu.memref_squeeze %dma_wait3A_458 : memref<1x50x64xf32, #tpu.memory_space<hbm>> -> memref<50x64xf32, #tpu.memory_space<hbm>>
    %dma_wait3A_460 = arith.constant 0 : i32
    %dma_wait3A_461 = arith.constant 0 : i32
    %dma_wait3A_462 = tpu.memref_slice %arg4[%add3A_424, %dma_wait3A_460, %dma_wait3A_461] : memref<16384x56x128xf32, #tpu.memory_space<hbm>> -> memref<1x50x64xf32, #tpu.memory_space<hbm>>
    %dma_wait3A_463 = tpu.memref_squeeze %dma_wait3A_462 : memref<1x50x64xf32, #tpu.memory_space<hbm>> -> memref<50x64xf32, #tpu.memory_space<hbm>>
    %dma_wait3A_464 = arith.constant 0 : i32
    %dma_wait3A_465 = arith.constant 0 : i32
    %dma_wait3A_466 = tpu.memref_slice %arg6[%dma_wait3A_448, %dma_wait3A_464, %dma_wait3A_465] : memref<4x100x64xf32, #tpu.memory_space<vmem>> -> memref<1x100x64xf32, #tpu.memory_space<vmem>>
    %dma_wait3A_467 = tpu.memref_squeeze %dma_wait3A_466 : memref<1x100x64xf32, #tpu.memory_space<vmem>> -> memref<100x64xf32, #tpu.memory_space<vmem>>
    %dma_wait3A_468 = arith.constant 50 : i32
    %dma_wait3A_469 = arith.constant 0 : i32
    %dma_wait3A_470 = tpu.memref_slice %dma_wait3A_467[%dma_wait3A_468, %dma_wait3A_469] : memref<100x64xf32, #tpu.memory_space<vmem>> -> memref<50x64xf32, #tpu.memory_space<vmem>>
    tpu.wait_dma2 semaphore(%arg13 : memref<!tpu.dma_semaphore, #tpu.memory_space<semaphore_mem>>) src(%dma_wait3A_470 : memref<50x64xf32, #tpu.memory_space<vmem>>) dst(%dma_wait3A_463 : memref<50x64xf32, #tpu.memory_space<hbm>>)
    %dma_start3A_471 = arith.constant 6 : i32
    %dma_start3A_472 = arith.constant 2 : i32
    %dma_start3A_473 = arith.constant 0 : i32
    %dma_start3A_474 = arith.constant 0 : i32
    %dma_start3A_475 = tpu.memref_slice %arg6[%dma_start3A_472, %dma_start3A_473, %dma_start3A_474] : memref<4x100x64xf32, #tpu.memory_space<vmem>> -> memref<1x100x64xf32, #tpu.memory_space<vmem>>
    %dma_start3A_476 = tpu.memref_squeeze %dma_start3A_475 : memref<1x100x64xf32, #tpu.memory_space<vmem>> -> memref<100x64xf32, #tpu.memory_space<vmem>>
    %dma_start3A_477 = arith.constant 0 : i32
    %dma_start3A_478 = tpu.memref_slice %arg5[%dma_start3A_471, %dma_start3A_477] : memref<256x100xi32, #tpu.memory_space<vmem>> -> memref<1x100xi32, #tpu.memory_space<vmem>>
    %dma_start3A_479 = tpu.memref_squeeze %dma_start3A_478 : memref<1x100xi32, #tpu.memory_space<vmem>> -> memref<100xi32, #tpu.memory_space<vmem>>
    %dma_start3A_480 = arith.constant 0 : i32
    %dma_start3A_481 = arith.constant 0 : i32
    %dma_start3A_482 = tpu.memref_slice %arg3[%dma_start3A_480, %dma_start3A_481] : memref<1000000x64xf32, #tpu.memory_space<hbm>> -> memref<1000000x64xf32, #tpu.memory_space<hbm>>
    tpu.enqueue_indirect_dma source(%dma_start3A_482 : memref<1000000x64xf32, #tpu.memory_space<hbm>>) target(%dma_start3A_476 : memref<100x64xf32, #tpu.memory_space<vmem>>) offsets(%dma_start3A_479 : memref<100xi32, #tpu.memory_space<vmem>>) semaphore(%arg9 : memref<!tpu.dma_semaphore, #tpu.memory_space<semaphore_mem>>)
    %scan3A = arith.constant 0 : i32
    %scan3A_483 = arith.constant 1 : i32
    %scan3A_484 = arith.constant 62 : i32
    %scan3A_485 = arith.addi %scan3A_483, %scan3A_484 : i32
    %scan3A_486 = arith.constant 1 : i32
    scf.for %scan3A_998 = %scan3A_483 to %scan3A_485 step %scan3A_486  : i32 {
      %mul3A_999 = arith.constant 4 : i32
      %mul3A_1000 = arith.muli %scan3A_998, %mul3A_999 : i32
      %add3A_1001 = arith.constant 0 : i32
      %add3A_1002 = arith.addi %mul3A_1000, %add3A_1001 : i32
      %dma_wait3A_1003 = arith.constant 0 : i32
      %dma_wait3A_1004 = arith.constant 0 : i32
      %dma_wait3A_1005 = arith.constant 0 : i32
      %dma_wait3A_1006 = tpu.memref_slice %arg6[%dma_wait3A_1003, %dma_wait3A_1004, %dma_wait3A_1005] : memref<4x100x64xf32, #tpu.memory_space<vmem>> -> memref<1x100x64xf32, #tpu.memory_space<vmem>>
      %dma_wait3A_1007 = tpu.memref_squeeze %dma_wait3A_1006 : memref<1x100x64xf32, #tpu.memory_space<vmem>> -> memref<100x64xf32, #tpu.memory_space<vmem>>
      %dma_wait3A_1008 = arith.constant 0 : i32
      %dma_wait3A_1009 = tpu.memref_slice %arg5[%add3A_1002, %dma_wait3A_1008] : memref<256x100xi32, #tpu.memory_space<vmem>> -> memref<1x100xi32, #tpu.memory_space<vmem>>
      %dma_wait3A_1010 = tpu.memref_squeeze %dma_wait3A_1009 : memref<1x100xi32, #tpu.memory_space<vmem>> -> memref<100xi32, #tpu.memory_space<vmem>>
      %dma_wait3A_1011 = arith.constant 0 : i32
      %dma_wait3A_1012 = arith.constant 0 : i32
      %dma_wait3A_1013 = tpu.memref_slice %arg3[%dma_wait3A_1011, %dma_wait3A_1012] : memref<1000000x64xf32, #tpu.memory_space<hbm>> -> memref<1000000x64xf32, #tpu.memory_space<hbm>>
      tpu.wait_indirect_dma semaphore(%arg7 : memref<!tpu.dma_semaphore, #tpu.memory_space<semaphore_mem>>) src(%dma_wait3A_1013 : memref<1000000x64xf32, #tpu.memory_space<hbm>>) dst(%dma_wait3A_1007 : memref<100x64xf32, #tpu.memory_space<vmem>>)
      %mul3A_1014 = arith.constant 2 : i32
      %mul3A_1015 = arith.muli %mul3A_1014, %add3A_1002 : i32
      %add3A_1016 = arith.addi %mul3A_2, %mul3A_1015 : i32
      %add3A_1017 = arith.constant 1 : i32
      %add3A_1018 = arith.addi %add3A_1016, %add3A_1017 : i32
      %dma_start3A_1019 = arith.constant 0 : i32
      %dma_start3A_1020 = arith.constant 0 : i32
      %dma_start3A_1021 = arith.constant 0 : i32
      %dma_start3A_1022 = tpu.memref_slice %arg6[%dma_start3A_1019, %dma_start3A_1020, %dma_start3A_1021] : memref<4x100x64xf32, #tpu.memory_space<vmem>> -> memref<1x100x64xf32, #tpu.memory_space<vmem>>
      %dma_start3A_1023 = tpu.memref_squeeze %dma_start3A_1022 : memref<1x100x64xf32, #tpu.memory_space<vmem>> -> memref<100x64xf32, #tpu.memory_space<vmem>>
      %dma_start3A_1024 = arith.constant 0 : i32
      %dma_start3A_1025 = arith.constant 0 : i32
      %dma_start3A_1026 = tpu.memref_slice %dma_start3A_1023[%dma_start3A_1024, %dma_start3A_1025] : memref<100x64xf32, #tpu.memory_space<vmem>> -> memref<50x64xf32, #tpu.memory_space<vmem>>
      %dma_start3A_1027 = arith.constant 0 : i32
      %dma_start3A_1028 = arith.constant 0 : i32
      %dma_start3A_1029 = tpu.memref_slice %arg4[%add3A_1016, %dma_start3A_1027, %dma_start3A_1028] : memref<16384x56x128xf32, #tpu.memory_space<hbm>> -> memref<1x50x64xf32, #tpu.memory_space<hbm>>
      %dma_start3A_1030 = tpu.memref_squeeze %dma_start3A_1029 : memref<1x50x64xf32, #tpu.memory_space<hbm>> -> memref<50x64xf32, #tpu.memory_space<hbm>>
      %dma_start3A_1031 = arith.constant 0 : i32
      %dma_start3A_1032 = arith.constant 0 : i32
      %dma_start3A_1033 = tpu.memref_slice %arg4[%add3A_1016, %dma_start3A_1031, %dma_start3A_1032] : memref<16384x56x128xf32, #tpu.memory_space<hbm>> -> memref<1x50x64xf32, #tpu.memory_space<hbm>>
      %dma_start3A_1034 = tpu.memref_squeeze %dma_start3A_1033 : memref<1x50x64xf32, #tpu.memory_space<hbm>> -> memref<50x64xf32, #tpu.memory_space<hbm>>
      %dma_start3A_1035 = arith.constant 0 : i32
      %dma_start3A_1036 = arith.constant 0 : i32
      %dma_start3A_1037 = tpu.memref_slice %arg6[%dma_start3A_1019, %dma_start3A_1035, %dma_start3A_1036] : memref<4x100x64xf32, #tpu.memory_space<vmem>> -> memref<1x100x64xf32, #tpu.memory_space<vmem>>
      %dma_start3A_1038 = tpu.memref_squeeze %dma_start3A_1037 : memref<1x100x64xf32, #tpu.memory_space<vmem>> -> memref<100x64xf32, #tpu.memory_space<vmem>>
      %dma_start3A_1039 = arith.constant 0 : i32
      %dma_start3A_1040 = arith.constant 0 : i32
      %dma_start3A_1041 = tpu.memref_slice %dma_start3A_1038[%dma_start3A_1039, %dma_start3A_1040] : memref<100x64xf32, #tpu.memory_space<vmem>> -> memref<50x64xf32, #tpu.memory_space<vmem>>
      tpu.enqueue_dma source(%dma_start3A_1041 : memref<50x64xf32, #tpu.memory_space<vmem>>) target(%dma_start3A_1034 : memref<50x64xf32, #tpu.memory_space<hbm>>) target_semaphore(%arg11 : memref<!tpu.dma_semaphore, #tpu.memory_space<semaphore_mem>>)
      %dma_start3A_1042 = arith.constant 0 : i32
      %dma_start3A_1043 = arith.constant 0 : i32
      %dma_start3A_1044 = arith.constant 0 : i32
      %dma_start3A_1045 = tpu.memref_slice %arg6[%dma_start3A_1042, %dma_start3A_1043, %dma_start3A_1044] : memref<4x100x64xf32, #tpu.memory_space<vmem>> -> memref<1x100x64xf32, #tpu.memory_space<vmem>>
      %dma_start3A_1046 = tpu.memref_squeeze %dma_start3A_1045 : memref<1x100x64xf32, #tpu.memory_space<vmem>> -> memref<100x64xf32, #tpu.memory_space<vmem>>
      %dma_start3A_1047 = arith.constant 50 : i32
      %dma_start3A_1048 = arith.constant 0 : i32
      %dma_start3A_1049 = tpu.memref_slice %dma_start3A_1046[%dma_start3A_1047, %dma_start3A_1048] : memref<100x64xf32, #tpu.memory_space<vmem>> -> memref<50x64xf32, #tpu.memory_space<vmem>>
      %dma_start3A_1050 = arith.constant 0 : i32
      %dma_start3A_1051 = arith.constant 0 : i32
      %dma_start3A_1052 = tpu.memref_slice %arg4[%add3A_1018, %dma_start3A_1050, %dma_start3A_1051] : memref<16384x56x128xf32, #tpu.memory_space<hbm>> -> memref<1x50x64xf32, #tpu.memory_space<hbm>>
      %dma_start3A_1053 = tpu.memref_squeeze %dma_start3A_1052 : memref<1x50x64xf32, #tpu.memory_space<hbm>> -> memref<50x64xf32, #tpu.memory_space<hbm>>
      %dma_start3A_1054 = arith.constant 0 : i32
      %dma_start3A_1055 = arith.constant 0 : i32
      %dma_start3A_1056 = tpu.memref_slice %arg4[%add3A_1018, %dma_start3A_1054, %dma_start3A_1055] : memref<16384x56x128xf32, #tpu.memory_space<hbm>> -> memref<1x50x64xf32, #tpu.memory_space<hbm>>
      %dma_start3A_1057 = tpu.memref_squeeze %dma_start3A_1056 : memref<1x50x64xf32, #tpu.memory_space<hbm>> -> memref<50x64xf32, #tpu.memory_space<hbm>>
      %dma_start3A_1058 = arith.constant 0 : i32
      %dma_start3A_1059 = arith.constant 0 : i32
      %dma_start3A_1060 = tpu.memref_slice %arg6[%dma_start3A_1042, %dma_start3A_1058, %dma_start3A_1059] : memref<4x100x64xf32, #tpu.memory_space<vmem>> -> memref<1x100x64xf32, #tpu.memory_space<vmem>>
      %dma_start3A_1061 = tpu.memref_squeeze %dma_start3A_1060 : memref<1x100x64xf32, #tpu.memory_space<vmem>> -> memref<100x64xf32, #tpu.memory_space<vmem>>
      %dma_start3A_1062 = arith.constant 50 : i32
      %dma_start3A_1063 = arith.constant 0 : i32
      %dma_start3A_1064 = tpu.memref_slice %dma_start3A_1061[%dma_start3A_1062, %dma_start3A_1063] : memref<100x64xf32, #tpu.memory_space<vmem>> -> memref<50x64xf32, #tpu.memory_space<vmem>>
      tpu.enqueue_dma source(%dma_start3A_1064 : memref<50x64xf32, #tpu.memory_space<vmem>>) target(%dma_start3A_1057 : memref<50x64xf32, #tpu.memory_space<hbm>>) target_semaphore(%arg11 : memref<!tpu.dma_semaphore, #tpu.memory_space<semaphore_mem>>)
      %sub3A = arith.constant 1 : i32
      %sub3A_1065 = arith.subi %add3A_1002, %sub3A : i32
      %mul3A_1066 = arith.constant 2 : i32
      %mul3A_1067 = arith.muli %mul3A_1066, %sub3A_1065 : i32
      %add3A_1068 = arith.addi %mul3A_2, %mul3A_1067 : i32
      %add3A_1069 = arith.constant 1 : i32
      %add3A_1070 = arith.addi %add3A_1068, %add3A_1069 : i32
      %dma_wait3A_1071 = arith.constant 3 : i32
      %dma_wait3A_1072 = arith.constant 0 : i32
      %dma_wait3A_1073 = arith.constant 0 : i32
      %dma_wait3A_1074 = tpu.memref_slice %arg6[%dma_wait3A_1071, %dma_wait3A_1072, %dma_wait3A_1073] : memref<4x100x64xf32, #tpu.memory_space<vmem>> -> memref<1x100x64xf32, #tpu.memory_space<vmem>>
      %dma_wait3A_1075 = tpu.memref_squeeze %dma_wait3A_1074 : memref<1x100x64xf32, #tpu.memory_space<vmem>> -> memref<100x64xf32, #tpu.memory_space<vmem>>
      %dma_wait3A_1076 = arith.constant 0 : i32
      %dma_wait3A_1077 = arith.constant 0 : i32
      %dma_wait3A_1078 = tpu.memref_slice %dma_wait3A_1075[%dma_wait3A_1076, %dma_wait3A_1077] : memref<100x64xf32, #tpu.memory_space<vmem>> -> memref<50x64xf32, #tpu.memory_space<vmem>>
      %dma_wait3A_1079 = arith.constant 0 : i32
      %dma_wait3A_1080 = arith.constant 0 : i32
      %dma_wait3A_1081 = tpu.memref_slice %arg4[%add3A_1068, %dma_wait3A_1079, %dma_wait3A_1080] : memref<16384x56x128xf32, #tpu.memory_space<hbm>> -> memref<1x50x64xf32, #tpu.memory_space<hbm>>
      %dma_wait3A_1082 = tpu.memref_squeeze %dma_wait3A_1081 : memref<1x50x64xf32, #tpu.memory_space<hbm>> -> memref<50x64xf32, #tpu.memory_space<hbm>>
      %dma_wait3A_1083 = arith.constant 0 : i32
      %dma_wait3A_1084 = arith.constant 0 : i32
      %dma_wait3A_1085 = tpu.memref_slice %arg4[%add3A_1068, %dma_wait3A_1083, %dma_wait3A_1084] : memref<16384x56x128xf32, #tpu.memory_space<hbm>> -> memref<1x50x64xf32, #tpu.memory_space<hbm>>
      %dma_wait3A_1086 = tpu.memref_squeeze %dma_wait3A_1085 : memref<1x50x64xf32, #tpu.memory_space<hbm>> -> memref<50x64xf32, #tpu.memory_space<hbm>>
      %dma_wait3A_1087 = arith.constant 0 : i32
      %dma_wait3A_1088 = arith.constant 0 : i32
      %dma_wait3A_1089 = tpu.memref_slice %arg6[%dma_wait3A_1071, %dma_wait3A_1087, %dma_wait3A_1088] : memref<4x100x64xf32, #tpu.memory_space<vmem>> -> memref<1x100x64xf32, #tpu.memory_space<vmem>>
      %dma_wait3A_1090 = tpu.memref_squeeze %dma_wait3A_1089 : memref<1x100x64xf32, #tpu.memory_space<vmem>> -> memref<100x64xf32, #tpu.memory_space<vmem>>
      %dma_wait3A_1091 = arith.constant 0 : i32
      %dma_wait3A_1092 = arith.constant 0 : i32
      %dma_wait3A_1093 = tpu.memref_slice %dma_wait3A_1090[%dma_wait3A_1091, %dma_wait3A_1092] : memref<100x64xf32, #tpu.memory_space<vmem>> -> memref<50x64xf32, #tpu.memory_space<vmem>>
      tpu.wait_dma2 semaphore(%arg14 : memref<!tpu.dma_semaphore, #tpu.memory_space<semaphore_mem>>) src(%dma_wait3A_1093 : memref<50x64xf32, #tpu.memory_space<vmem>>) dst(%dma_wait3A_1086 : memref<50x64xf32, #tpu.memory_space<hbm>>)
      %dma_wait3A_1094 = arith.constant 3 : i32
      %dma_wait3A_1095 = arith.constant 0 : i32
      %dma_wait3A_1096 = arith.constant 0 : i32
      %dma_wait3A_1097 = tpu.memref_slice %arg6[%dma_wait3A_1094, %dma_wait3A_1095, %dma_wait3A_1096] : memref<4x100x64xf32, #tpu.memory_space<vmem>> -> memref<1x100x64xf32, #tpu.memory_space<vmem>>
      %dma_wait3A_1098 = tpu.memref_squeeze %dma_wait3A_1097 : memref<1x100x64xf32, #tpu.memory_space<vmem>> -> memref<100x64xf32, #tpu.memory_space<vmem>>
      %dma_wait3A_1099 = arith.constant 50 : i32
      %dma_wait3A_1100 = arith.constant 0 : i32
      %dma_wait3A_1101 = tpu.memref_slice %dma_wait3A_1098[%dma_wait3A_1099, %dma_wait3A_1100] : memref<100x64xf32, #tpu.memory_space<vmem>> -> memref<50x64xf32, #tpu.memory_space<vmem>>
      %dma_wait3A_1102 = arith.constant 0 : i32
      %dma_wait3A_1103 = arith.constant 0 : i32
      %dma_wait3A_1104 = tpu.memref_slice %arg4[%add3A_1070, %dma_wait3A_1102, %dma_wait3A_1103] : memref<16384x56x128xf32, #tpu.memory_space<hbm>> -> memref<1x50x64xf32, #tpu.memory_space<hbm>>
      %dma_wait3A_1105 = tpu.memref_squeeze %dma_wait3A_1104 : memref<1x50x64xf32, #tpu.memory_space<hbm>> -> memref<50x64xf32, #tpu.memory_space<hbm>>
      %dma_wait3A_1106 = arith.constant 0 : i32
      %dma_wait3A_1107 = arith.constant 0 : i32
      %dma_wait3A_1108 = tpu.memref_slice %arg4[%add3A_1070, %dma_wait3A_1106, %dma_wait3A_1107] : memref<16384x56x128xf32, #tpu.memory_space<hbm>> -> memref<1x50x64xf32, #tpu.memory_space<hbm>>
      %dma_wait3A_1109 = tpu.memref_squeeze %dma_wait3A_1108 : memref<1x50x64xf32, #tpu.memory_space<hbm>> -> memref<50x64xf32, #tpu.memory_space<hbm>>
      %dma_wait3A_1110 = arith.constant 0 : i32
      %dma_wait3A_1111 = arith.constant 0 : i32
      %dma_wait3A_1112 = tpu.memref_slice %arg6[%dma_wait3A_1094, %dma_wait3A_1110, %dma_wait3A_1111] : memref<4x100x64xf32, #tpu.memory_space<vmem>> -> memref<1x100x64xf32, #tpu.memory_space<vmem>>
      %dma_wait3A_1113 = tpu.memref_squeeze %dma_wait3A_1112 : memref<1x100x64xf32, #tpu.memory_space<vmem>> -> memref<100x64xf32, #tpu.memory_space<vmem>>
      %dma_wait3A_1114 = arith.constant 50 : i32
      %dma_wait3A_1115 = arith.constant 0 : i32
      %dma_wait3A_1116 = tpu.memref_slice %dma_wait3A_1113[%dma_wait3A_1114, %dma_wait3A_1115] : memref<100x64xf32, #tpu.memory_space<vmem>> -> memref<50x64xf32, #tpu.memory_space<vmem>>
      tpu.wait_dma2 semaphore(%arg14 : memref<!tpu.dma_semaphore, #tpu.memory_space<semaphore_mem>>) src(%dma_wait3A_1116 : memref<50x64xf32, #tpu.memory_space<vmem>>) dst(%dma_wait3A_1109 : memref<50x64xf32, #tpu.memory_space<hbm>>)
      %sub3A_1117 = arith.constant 1 : i32
      %sub3A_1118 = arith.subi %add3A_1002, %sub3A_1117 : i32
      %add3A_1119 = arith.constant 4 : i32
      %add3A_1120 = arith.addi %sub3A_1118, %add3A_1119 : i32
      %dma_start3A_1121 = arith.constant 3 : i32
      %dma_start3A_1122 = arith.constant 0 : i32
      %dma_start3A_1123 = arith.constant 0 : i32
      %dma_start3A_1124 = tpu.memref_slice %arg6[%dma_start3A_1121, %dma_start3A_1122, %dma_start3A_1123] : memref<4x100x64xf32, #tpu.memory_space<vmem>> -> memref<1x100x64xf32, #tpu.memory_space<vmem>>
      %dma_start3A_1125 = tpu.memref_squeeze %dma_start3A_1124 : memref<1x100x64xf32, #tpu.memory_space<vmem>> -> memref<100x64xf32, #tpu.memory_space<vmem>>
      %dma_start3A_1126 = arith.constant 0 : i32
      %dma_start3A_1127 = tpu.memref_slice %arg5[%add3A_1120, %dma_start3A_1126] : memref<256x100xi32, #tpu.memory_space<vmem>> -> memref<1x100xi32, #tpu.memory_space<vmem>>
      %dma_start3A_1128 = tpu.memref_squeeze %dma_start3A_1127 : memref<1x100xi32, #tpu.memory_space<vmem>> -> memref<100xi32, #tpu.memory_space<vmem>>
      %dma_start3A_1129 = arith.constant 0 : i32
      %dma_start3A_1130 = arith.constant 0 : i32
      %dma_start3A_1131 = tpu.memref_slice %arg3[%dma_start3A_1129, %dma_start3A_1130] : memref<1000000x64xf32, #tpu.memory_space<hbm>> -> memref<1000000x64xf32, #tpu.memory_space<hbm>>
      tpu.enqueue_indirect_dma source(%dma_start3A_1131 : memref<1000000x64xf32, #tpu.memory_space<hbm>>) target(%dma_start3A_1125 : memref<100x64xf32, #tpu.memory_space<vmem>>) offsets(%dma_start3A_1128 : memref<100xi32, #tpu.memory_space<vmem>>) semaphore(%arg10 : memref<!tpu.dma_semaphore, #tpu.memory_space<semaphore_mem>>)
      %add3A_1132 = arith.constant 1 : i32
      %add3A_1133 = arith.addi %mul3A_1000, %add3A_1132 : i32
      %dma_wait3A_1134 = arith.constant 1 : i32
      %dma_wait3A_1135 = arith.constant 0 : i32
      %dma_wait3A_1136 = arith.constant 0 : i32
      %dma_wait3A_1137 = tpu.memref_slice %arg6[%dma_wait3A_1134, %dma_wait3A_1135, %dma_wait3A_1136] : memref<4x100x64xf32, #tpu.memory_space<vmem>> -> memref<1x100x64xf32, #tpu.memory_space<vmem>>
      %dma_wait3A_1138 = tpu.memref_squeeze %dma_wait3A_1137 : memref<1x100x64xf32, #tpu.memory_space<vmem>> -> memref<100x64xf32, #tpu.memory_space<vmem>>
      %dma_wait3A_1139 = arith.constant 0 : i32
      %dma_wait3A_1140 = tpu.memref_slice %arg5[%add3A_1133, %dma_wait3A_1139] : memref<256x100xi32, #tpu.memory_space<vmem>> -> memref<1x100xi32, #tpu.memory_space<vmem>>
      %dma_wait3A_1141 = tpu.memref_squeeze %dma_wait3A_1140 : memref<1x100xi32, #tpu.memory_space<vmem>> -> memref<100xi32, #tpu.memory_space<vmem>>
      %dma_wait3A_1142 = arith.constant 0 : i32
      %dma_wait3A_1143 = arith.constant 0 : i32
      %dma_wait3A_1144 = tpu.memref_slice %arg3[%dma_wait3A_1142, %dma_wait3A_1143] : memref<1000000x64xf32, #tpu.memory_space<hbm>> -> memref<1000000x64xf32, #tpu.memory_space<hbm>>
      tpu.wait_indirect_dma semaphore(%arg8 : memref<!tpu.dma_semaphore, #tpu.memory_space<semaphore_mem>>) src(%dma_wait3A_1144 : memref<1000000x64xf32, #tpu.memory_space<hbm>>) dst(%dma_wait3A_1138 : memref<100x64xf32, #tpu.memory_space<vmem>>)
      %mul3A_1145 = arith.constant 2 : i32
      %mul3A_1146 = arith.muli %mul3A_1145, %add3A_1133 : i32
      %add3A_1147 = arith.addi %mul3A_2, %mul3A_1146 : i32
      %add3A_1148 = arith.constant 1 : i32
      %add3A_1149 = arith.addi %add3A_1147, %add3A_1148 : i32
      %dma_start3A_1150 = arith.constant 1 : i32
      %dma_start3A_1151 = arith.constant 0 : i32
      %dma_start3A_1152 = arith.constant 0 : i32
      %dma_start3A_1153 = tpu.memref_slice %arg6[%dma_start3A_1150, %dma_start3A_1151, %dma_start3A_1152] : memref<4x100x64xf32, #tpu.memory_space<vmem>> -> memref<1x100x64xf32, #tpu.memory_space<vmem>>
      %dma_start3A_1154 = tpu.memref_squeeze %dma_start3A_1153 : memref<1x100x64xf32, #tpu.memory_space<vmem>> -> memref<100x64xf32, #tpu.memory_space<vmem>>
      %dma_start3A_1155 = arith.constant 0 : i32
      %dma_start3A_1156 = arith.constant 0 : i32
      %dma_start3A_1157 = tpu.memref_slice %dma_start3A_1154[%dma_start3A_1155, %dma_start3A_1156] : memref<100x64xf32, #tpu.memory_space<vmem>> -> memref<50x64xf32, #tpu.memory_space<vmem>>
      %dma_start3A_1158 = arith.constant 0 : i32
      %dma_start3A_1159 = arith.constant 0 : i32
      %dma_start3A_1160 = tpu.memref_slice %arg4[%add3A_1147, %dma_start3A_1158, %dma_start3A_1159] : memref<16384x56x128xf32, #tpu.memory_space<hbm>> -> memref<1x50x64xf32, #tpu.memory_space<hbm>>
      %dma_start3A_1161 = tpu.memref_squeeze %dma_start3A_1160 : memref<1x50x64xf32, #tpu.memory_space<hbm>> -> memref<50x64xf32, #tpu.memory_space<hbm>>
      %dma_start3A_1162 = arith.constant 0 : i32
      %dma_start3A_1163 = arith.constant 0 : i32
      %dma_start3A_1164 = tpu.memref_slice %arg4[%add3A_1147, %dma_start3A_1162, %dma_start3A_1163] : memref<16384x56x128xf32, #tpu.memory_space<hbm>> -> memref<1x50x64xf32, #tpu.memory_space<hbm>>
      %dma_start3A_1165 = tpu.memref_squeeze %dma_start3A_1164 : memref<1x50x64xf32, #tpu.memory_space<hbm>> -> memref<50x64xf32, #tpu.memory_space<hbm>>
      %dma_start3A_1166 = arith.constant 0 : i32
      %dma_start3A_1167 = arith.constant 0 : i32
      %dma_start3A_1168 = tpu.memref_slice %arg6[%dma_start3A_1150, %dma_start3A_1166, %dma_start3A_1167] : memref<4x100x64xf32, #tpu.memory_space<vmem>> -> memref<1x100x64xf32, #tpu.memory_space<vmem>>
      %dma_start3A_1169 = tpu.memref_squeeze %dma_start3A_1168 : memref<1x100x64xf32, #tpu.memory_space<vmem>> -> memref<100x64xf32, #tpu.memory_space<vmem>>
      %dma_start3A_1170 = arith.constant 0 : i32
      %dma_start3A_1171 = arith.constant 0 : i32
      %dma_start3A_1172 = tpu.memref_slice %dma_start3A_1169[%dma_start3A_1170, %dma_start3A_1171] : memref<100x64xf32, #tpu.memory_space<vmem>> -> memref<50x64xf32, #tpu.memory_space<vmem>>
      tpu.enqueue_dma source(%dma_start3A_1172 : memref<50x64xf32, #tpu.memory_space<vmem>>) target(%dma_start3A_1165 : memref<50x64xf32, #tpu.memory_space<hbm>>) target_semaphore(%arg12 : memref<!tpu.dma_semaphore, #tpu.memory_space<semaphore_mem>>)
      %dma_start3A_1173 = arith.constant 1 : i32
      %dma_start3A_1174 = arith.constant 0 : i32
      %dma_start3A_1175 = arith.constant 0 : i32
      %dma_start3A_1176 = tpu.memref_slice %arg6[%dma_start3A_1173, %dma_start3A_1174, %dma_start3A_1175] : memref<4x100x64xf32, #tpu.memory_space<vmem>> -> memref<1x100x64xf32, #tpu.memory_space<vmem>>
      %dma_start3A_1177 = tpu.memref_squeeze %dma_start3A_1176 : memref<1x100x64xf32, #tpu.memory_space<vmem>> -> memref<100x64xf32, #tpu.memory_space<vmem>>
      %dma_start3A_1178 = arith.constant 50 : i32
      %dma_start3A_1179 = arith.constant 0 : i32
      %dma_start3A_1180 = tpu.memref_slice %dma_start3A_1177[%dma_start3A_1178, %dma_start3A_1179] : memref<100x64xf32, #tpu.memory_space<vmem>> -> memref<50x64xf32, #tpu.memory_space<vmem>>
      %dma_start3A_1181 = arith.constant 0 : i32
      %dma_start3A_1182 = arith.constant 0 : i32
      %dma_start3A_1183 = tpu.memref_slice %arg4[%add3A_1149, %dma_start3A_1181, %dma_start3A_1182] : memref<16384x56x128xf32, #tpu.memory_space<hbm>> -> memref<1x50x64xf32, #tpu.memory_space<hbm>>
      %dma_start3A_1184 = tpu.memref_squeeze %dma_start3A_1183 : memref<1x50x64xf32, #tpu.memory_space<hbm>> -> memref<50x64xf32, #tpu.memory_space<hbm>>
      %dma_start3A_1185 = arith.constant 0 : i32
      %dma_start3A_1186 = arith.constant 0 : i32
      %dma_start3A_1187 = tpu.memref_slice %arg4[%add3A_1149, %dma_start3A_1185, %dma_start3A_1186] : memref<16384x56x128xf32, #tpu.memory_space<hbm>> -> memref<1x50x64xf32, #tpu.memory_space<hbm>>
      %dma_start3A_1188 = tpu.memref_squeeze %dma_start3A_1187 : memref<1x50x64xf32, #tpu.memory_space<hbm>> -> memref<50x64xf32, #tpu.memory_space<hbm>>
      %dma_start3A_1189 = arith.constant 0 : i32
      %dma_start3A_1190 = arith.constant 0 : i32
      %dma_start3A_1191 = tpu.memref_slice %arg6[%dma_start3A_1173, %dma_start3A_1189, %dma_start3A_1190] : memref<4x100x64xf32, #tpu.memory_space<vmem>> -> memref<1x100x64xf32, #tpu.memory_space<vmem>>
      %dma_start3A_1192 = tpu.memref_squeeze %dma_start3A_1191 : memref<1x100x64xf32, #tpu.memory_space<vmem>> -> memref<100x64xf32, #tpu.memory_space<vmem>>
      %dma_start3A_1193 = arith.constant 50 : i32
      %dma_start3A_1194 = arith.constant 0 : i32
      %dma_start3A_1195 = tpu.memref_slice %dma_start3A_1192[%dma_start3A_1193, %dma_start3A_1194] : memref<100x64xf32, #tpu.memory_space<vmem>> -> memref<50x64xf32, #tpu.memory_space<vmem>>
      tpu.enqueue_dma source(%dma_start3A_1195 : memref<50x64xf32, #tpu.memory_space<vmem>>) target(%dma_start3A_1188 : memref<50x64xf32, #tpu.memory_space<hbm>>) target_semaphore(%arg12 : memref<!tpu.dma_semaphore, #tpu.memory_space<semaphore_mem>>)
      %sub3A_1196 = arith.constant 1 : i32
      %sub3A_1197 = arith.subi %add3A_1133, %sub3A_1196 : i32
      %mul3A_1198 = arith.constant 2 : i32
      %mul3A_1199 = arith.muli %mul3A_1198, %sub3A_1197 : i32
      %add3A_1200 = arith.addi %mul3A_2, %mul3A_1199 : i32
      %add3A_1201 = arith.constant 1 : i32
      %add3A_1202 = arith.addi %add3A_1200, %add3A_1201 : i32
      %dma_wait3A_1203 = arith.constant 0 : i32
      %dma_wait3A_1204 = arith.constant 0 : i32
      %dma_wait3A_1205 = arith.constant 0 : i32
      %dma_wait3A_1206 = tpu.memref_slice %arg6[%dma_wait3A_1203, %dma_wait3A_1204, %dma_wait3A_1205] : memref<4x100x64xf32, #tpu.memory_space<vmem>> -> memref<1x100x64xf32, #tpu.memory_space<vmem>>
      %dma_wait3A_1207 = tpu.memref_squeeze %dma_wait3A_1206 : memref<1x100x64xf32, #tpu.memory_space<vmem>> -> memref<100x64xf32, #tpu.memory_space<vmem>>
      %dma_wait3A_1208 = arith.constant 0 : i32
      %dma_wait3A_1209 = arith.constant 0 : i32
      %dma_wait3A_1210 = tpu.memref_slice %dma_wait3A_1207[%dma_wait3A_1208, %dma_wait3A_1209] : memref<100x64xf32, #tpu.memory_space<vmem>> -> memref<50x64xf32, #tpu.memory_space<vmem>>
      %dma_wait3A_1211 = arith.constant 0 : i32
      %dma_wait3A_1212 = arith.constant 0 : i32
      %dma_wait3A_1213 = tpu.memref_slice %arg4[%add3A_1200, %dma_wait3A_1211, %dma_wait3A_1212] : memref<16384x56x128xf32, #tpu.memory_space<hbm>> -> memref<1x50x64xf32, #tpu.memory_space<hbm>>
      %dma_wait3A_1214 = tpu.memref_squeeze %dma_wait3A_1213 : memref<1x50x64xf32, #tpu.memory_space<hbm>> -> memref<50x64xf32, #tpu.memory_space<hbm>>
      %dma_wait3A_1215 = arith.constant 0 : i32
      %dma_wait3A_1216 = arith.constant 0 : i32
      %dma_wait3A_1217 = tpu.memref_slice %arg4[%add3A_1200, %dma_wait3A_1215, %dma_wait3A_1216] : memref<16384x56x128xf32, #tpu.memory_space<hbm>> -> memref<1x50x64xf32, #tpu.memory_space<hbm>>
      %dma_wait3A_1218 = tpu.memref_squeeze %dma_wait3A_1217 : memref<1x50x64xf32, #tpu.memory_space<hbm>> -> memref<50x64xf32, #tpu.memory_space<hbm>>
      %dma_wait3A_1219 = arith.constant 0 : i32
      %dma_wait3A_1220 = arith.constant 0 : i32
      %dma_wait3A_1221 = tpu.memref_slice %arg6[%dma_wait3A_1203, %dma_wait3A_1219, %dma_wait3A_1220] : memref<4x100x64xf32, #tpu.memory_space<vmem>> -> memref<1x100x64xf32, #tpu.memory_space<vmem>>
      %dma_wait3A_1222 = tpu.memref_squeeze %dma_wait3A_1221 : memref<1x100x64xf32, #tpu.memory_space<vmem>> -> memref<100x64xf32, #tpu.memory_space<vmem>>
      %dma_wait3A_1223 = arith.constant 0 : i32
      %dma_wait3A_1224 = arith.constant 0 : i32
      %dma_wait3A_1225 = tpu.memref_slice %dma_wait3A_1222[%dma_wait3A_1223, %dma_wait3A_1224] : memref<100x64xf32, #tpu.memory_space<vmem>> -> memref<50x64xf32, #tpu.memory_space<vmem>>
      tpu.wait_dma2 semaphore(%arg11 : memref<!tpu.dma_semaphore, #tpu.memory_space<semaphore_mem>>) src(%dma_wait3A_1225 : memref<50x64xf32, #tpu.memory_space<vmem>>) dst(%dma_wait3A_1218 : memref<50x64xf32, #tpu.memory_space<hbm>>)
      %dma_wait3A_1226 = arith.constant 0 : i32
      %dma_wait3A_1227 = arith.constant 0 : i32
      %dma_wait3A_1228 = arith.constant 0 : i32
      %dma_wait3A_1229 = tpu.memref_slice %arg6[%dma_wait3A_1226, %dma_wait3A_1227, %dma_wait3A_1228] : memref<4x100x64xf32, #tpu.memory_space<vmem>> -> memref<1x100x64xf32, #tpu.memory_space<vmem>>
      %dma_wait3A_1230 = tpu.memref_squeeze %dma_wait3A_1229 : memref<1x100x64xf32, #tpu.memory_space<vmem>> -> memref<100x64xf32, #tpu.memory_space<vmem>>
      %dma_wait3A_1231 = arith.constant 50 : i32
      %dma_wait3A_1232 = arith.constant 0 : i32
      %dma_wait3A_1233 = tpu.memref_slice %dma_wait3A_1230[%dma_wait3A_1231, %dma_wait3A_1232] : memref<100x64xf32, #tpu.memory_space<vmem>> -> memref<50x64xf32, #tpu.memory_space<vmem>>
      %dma_wait3A_1234 = arith.constant 0 : i32
      %dma_wait3A_1235 = arith.constant 0 : i32
      %dma_wait3A_1236 = tpu.memref_slice %arg4[%add3A_1202, %dma_wait3A_1234, %dma_wait3A_1235] : memref<16384x56x128xf32, #tpu.memory_space<hbm>> -> memref<1x50x64xf32, #tpu.memory_space<hbm>>
      %dma_wait3A_1237 = tpu.memref_squeeze %dma_wait3A_1236 : memref<1x50x64xf32, #tpu.memory_space<hbm>> -> memref<50x64xf32, #tpu.memory_space<hbm>>
      %dma_wait3A_1238 = arith.constant 0 : i32
      %dma_wait3A_1239 = arith.constant 0 : i32
      %dma_wait3A_1240 = tpu.memref_slice %arg4[%add3A_1202, %dma_wait3A_1238, %dma_wait3A_1239] : memref<16384x56x128xf32, #tpu.memory_space<hbm>> -> memref<1x50x64xf32, #tpu.memory_space<hbm>>
      %dma_wait3A_1241 = tpu.memref_squeeze %dma_wait3A_1240 : memref<1x50x64xf32, #tpu.memory_space<hbm>> -> memref<50x64xf32, #tpu.memory_space<hbm>>
      %dma_wait3A_1242 = arith.constant 0 : i32
      %dma_wait3A_1243 = arith.constant 0 : i32
      %dma_wait3A_1244 = tpu.memref_slice %arg6[%dma_wait3A_1226, %dma_wait3A_1242, %dma_wait3A_1243] : memref<4x100x64xf32, #tpu.memory_space<vmem>> -> memref<1x100x64xf32, #tpu.memory_space<vmem>>
      %dma_wait3A_1245 = tpu.memref_squeeze %dma_wait3A_1244 : memref<1x100x64xf32, #tpu.memory_space<vmem>> -> memref<100x64xf32, #tpu.memory_space<vmem>>
      %dma_wait3A_1246 = arith.constant 50 : i32
      %dma_wait3A_1247 = arith.constant 0 : i32
      %dma_wait3A_1248 = tpu.memref_slice %dma_wait3A_1245[%dma_wait3A_1246, %dma_wait3A_1247] : memref<100x64xf32, #tpu.memory_space<vmem>> -> memref<50x64xf32, #tpu.memory_space<vmem>>
      tpu.wait_dma2 semaphore(%arg11 : memref<!tpu.dma_semaphore, #tpu.memory_space<semaphore_mem>>) src(%dma_wait3A_1248 : memref<50x64xf32, #tpu.memory_space<vmem>>) dst(%dma_wait3A_1241 : memref<50x64xf32, #tpu.memory_space<hbm>>)
      %sub3A_1249 = arith.constant 1 : i32
      %sub3A_1250 = arith.subi %add3A_1133, %sub3A_1249 : i32
      %add3A_1251 = arith.constant 4 : i32
      %add3A_1252 = arith.addi %sub3A_1250, %add3A_1251 : i32
      %dma_start3A_1253 = arith.constant 0 : i32
      %dma_start3A_1254 = arith.constant 0 : i32
      %dma_start3A_1255 = arith.constant 0 : i32
      %dma_start3A_1256 = tpu.memref_slice %arg6[%dma_start3A_1253, %dma_start3A_1254, %dma_start3A_1255] : memref<4x100x64xf32, #tpu.memory_space<vmem>> -> memref<1x100x64xf32, #tpu.memory_space<vmem>>
      %dma_start3A_1257 = tpu.memref_squeeze %dma_start3A_1256 : memref<1x100x64xf32, #tpu.memory_space<vmem>> -> memref<100x64xf32, #tpu.memory_space<vmem>>
      %dma_start3A_1258 = arith.constant 0 : i32
      %dma_start3A_1259 = tpu.memref_slice %arg5[%add3A_1252, %dma_start3A_1258] : memref<256x100xi32, #tpu.memory_space<vmem>> -> memref<1x100xi32, #tpu.memory_space<vmem>>
      %dma_start3A_1260 = tpu.memref_squeeze %dma_start3A_1259 : memref<1x100xi32, #tpu.memory_space<vmem>> -> memref<100xi32, #tpu.memory_space<vmem>>
      %dma_start3A_1261 = arith.constant 0 : i32
      %dma_start3A_1262 = arith.constant 0 : i32
      %dma_start3A_1263 = tpu.memref_slice %arg3[%dma_start3A_1261, %dma_start3A_1262] : memref<1000000x64xf32, #tpu.memory_space<hbm>> -> memref<1000000x64xf32, #tpu.memory_space<hbm>>
      tpu.enqueue_indirect_dma source(%dma_start3A_1263 : memref<1000000x64xf32, #tpu.memory_space<hbm>>) target(%dma_start3A_1257 : memref<100x64xf32, #tpu.memory_space<vmem>>) offsets(%dma_start3A_1260 : memref<100xi32, #tpu.memory_space<vmem>>) semaphore(%arg7 : memref<!tpu.dma_semaphore, #tpu.memory_space<semaphore_mem>>)
      %add3A_1264 = arith.constant 2 : i32
      %add3A_1265 = arith.addi %mul3A_1000, %add3A_1264 : i32
      %dma_wait3A_1266 = arith.constant 2 : i32
      %dma_wait3A_1267 = arith.constant 0 : i32
      %dma_wait3A_1268 = arith.constant 0 : i32
      %dma_wait3A_1269 = tpu.memref_slice %arg6[%dma_wait3A_1266, %dma_wait3A_1267, %dma_wait3A_1268] : memref<4x100x64xf32, #tpu.memory_space<vmem>> -> memref<1x100x64xf32, #tpu.memory_space<vmem>>
      %dma_wait3A_1270 = tpu.memref_squeeze %dma_wait3A_1269 : memref<1x100x64xf32, #tpu.memory_space<vmem>> -> memref<100x64xf32, #tpu.memory_space<vmem>>
      %dma_wait3A_1271 = arith.constant 0 : i32
      %dma_wait3A_1272 = tpu.memref_slice %arg5[%add3A_1265, %dma_wait3A_1271] : memref<256x100xi32, #tpu.memory_space<vmem>> -> memref<1x100xi32, #tpu.memory_space<vmem>>
      %dma_wait3A_1273 = tpu.memref_squeeze %dma_wait3A_1272 : memref<1x100xi32, #tpu.memory_space<vmem>> -> memref<100xi32, #tpu.memory_space<vmem>>
      %dma_wait3A_1274 = arith.constant 0 : i32
      %dma_wait3A_1275 = arith.constant 0 : i32
      %dma_wait3A_1276 = tpu.memref_slice %arg3[%dma_wait3A_1274, %dma_wait3A_1275] : memref<1000000x64xf32, #tpu.memory_space<hbm>> -> memref<1000000x64xf32, #tpu.memory_space<hbm>>
      tpu.wait_indirect_dma semaphore(%arg9 : memref<!tpu.dma_semaphore, #tpu.memory_space<semaphore_mem>>) src(%dma_wait3A_1276 : memref<1000000x64xf32, #tpu.memory_space<hbm>>) dst(%dma_wait3A_1270 : memref<100x64xf32, #tpu.memory_space<vmem>>)
      %mul3A_1277 = arith.constant 2 : i32
      %mul3A_1278 = arith.muli %mul3A_1277, %add3A_1265 : i32
      %add3A_1279 = arith.addi %mul3A_2, %mul3A_1278 : i32
      %add3A_1280 = arith.constant 1 : i32
      %add3A_1281 = arith.addi %add3A_1279, %add3A_1280 : i32
      %dma_start3A_1282 = arith.constant 2 : i32
      %dma_start3A_1283 = arith.constant 0 : i32
      %dma_start3A_1284 = arith.constant 0 : i32
      %dma_start3A_1285 = tpu.memref_slice %arg6[%dma_start3A_1282, %dma_start3A_1283, %dma_start3A_1284] : memref<4x100x64xf32, #tpu.memory_space<vmem>> -> memref<1x100x64xf32, #tpu.memory_space<vmem>>
      %dma_start3A_1286 = tpu.memref_squeeze %dma_start3A_1285 : memref<1x100x64xf32, #tpu.memory_space<vmem>> -> memref<100x64xf32, #tpu.memory_space<vmem>>
      %dma_start3A_1287 = arith.constant 0 : i32
      %dma_start3A_1288 = arith.constant 0 : i32
      %dma_start3A_1289 = tpu.memref_slice %dma_start3A_1286[%dma_start3A_1287, %dma_start3A_1288] : memref<100x64xf32, #tpu.memory_space<vmem>> -> memref<50x64xf32, #tpu.memory_space<vmem>>
      %dma_start3A_1290 = arith.constant 0 : i32
      %dma_start3A_1291 = arith.constant 0 : i32
      %dma_start3A_1292 = tpu.memref_slice %arg4[%add3A_1279, %dma_start3A_1290, %dma_start3A_1291] : memref<16384x56x128xf32, #tpu.memory_space<hbm>> -> memref<1x50x64xf32, #tpu.memory_space<hbm>>
      %dma_start3A_1293 = tpu.memref_squeeze %dma_start3A_1292 : memref<1x50x64xf32, #tpu.memory_space<hbm>> -> memref<50x64xf32, #tpu.memory_space<hbm>>
      %dma_start3A_1294 = arith.constant 0 : i32
      %dma_start3A_1295 = arith.constant 0 : i32
      %dma_start3A_1296 = tpu.memref_slice %arg4[%add3A_1279, %dma_start3A_1294, %dma_start3A_1295] : memref<16384x56x128xf32, #tpu.memory_space<hbm>> -> memref<1x50x64xf32, #tpu.memory_space<hbm>>
      %dma_start3A_1297 = tpu.memref_squeeze %dma_start3A_1296 : memref<1x50x64xf32, #tpu.memory_space<hbm>> -> memref<50x64xf32, #tpu.memory_space<hbm>>
      %dma_start3A_1298 = arith.constant 0 : i32
      %dma_start3A_1299 = arith.constant 0 : i32
      %dma_start3A_1300 = tpu.memref_slice %arg6[%dma_start3A_1282, %dma_start3A_1298, %dma_start3A_1299] : memref<4x100x64xf32, #tpu.memory_space<vmem>> -> memref<1x100x64xf32, #tpu.memory_space<vmem>>
      %dma_start3A_1301 = tpu.memref_squeeze %dma_start3A_1300 : memref<1x100x64xf32, #tpu.memory_space<vmem>> -> memref<100x64xf32, #tpu.memory_space<vmem>>
      %dma_start3A_1302 = arith.constant 0 : i32
      %dma_start3A_1303 = arith.constant 0 : i32
      %dma_start3A_1304 = tpu.memref_slice %dma_start3A_1301[%dma_start3A_1302, %dma_start3A_1303] : memref<100x64xf32, #tpu.memory_space<vmem>> -> memref<50x64xf32, #tpu.memory_space<vmem>>
      tpu.enqueue_dma source(%dma_start3A_1304 : memref<50x64xf32, #tpu.memory_space<vmem>>) target(%dma_start3A_1297 : memref<50x64xf32, #tpu.memory_space<hbm>>) target_semaphore(%arg13 : memref<!tpu.dma_semaphore, #tpu.memory_space<semaphore_mem>>)
      %dma_start3A_1305 = arith.constant 2 : i32
      %dma_start3A_1306 = arith.constant 0 : i32
      %dma_start3A_1307 = arith.constant 0 : i32
      %dma_start3A_1308 = tpu.memref_slice %arg6[%dma_start3A_1305, %dma_start3A_1306, %dma_start3A_1307] : memref<4x100x64xf32, #tpu.memory_space<vmem>> -> memref<1x100x64xf32, #tpu.memory_space<vmem>>
      %dma_start3A_1309 = tpu.memref_squeeze %dma_start3A_1308 : memref<1x100x64xf32, #tpu.memory_space<vmem>> -> memref<100x64xf32, #tpu.memory_space<vmem>>
      %dma_start3A_1310 = arith.constant 50 : i32
      %dma_start3A_1311 = arith.constant 0 : i32
      %dma_start3A_1312 = tpu.memref_slice %dma_start3A_1309[%dma_start3A_1310, %dma_start3A_1311] : memref<100x64xf32, #tpu.memory_space<vmem>> -> memref<50x64xf32, #tpu.memory_space<vmem>>
      %dma_start3A_1313 = arith.constant 0 : i32
      %dma_start3A_1314 = arith.constant 0 : i32
      %dma_start3A_1315 = tpu.memref_slice %arg4[%add3A_1281, %dma_start3A_1313, %dma_start3A_1314] : memref<16384x56x128xf32, #tpu.memory_space<hbm>> -> memref<1x50x64xf32, #tpu.memory_space<hbm>>
      %dma_start3A_1316 = tpu.memref_squeeze %dma_start3A_1315 : memref<1x50x64xf32, #tpu.memory_space<hbm>> -> memref<50x64xf32, #tpu.memory_space<hbm>>
      %dma_start3A_1317 = arith.constant 0 : i32
      %dma_start3A_1318 = arith.constant 0 : i32
      %dma_start3A_1319 = tpu.memref_slice %arg4[%add3A_1281, %dma_start3A_1317, %dma_start3A_1318] : memref<16384x56x128xf32, #tpu.memory_space<hbm>> -> memref<1x50x64xf32, #tpu.memory_space<hbm>>
      %dma_start3A_1320 = tpu.memref_squeeze %dma_start3A_1319 : memref<1x50x64xf32, #tpu.memory_space<hbm>> -> memref<50x64xf32, #tpu.memory_space<hbm>>
      %dma_start3A_1321 = arith.constant 0 : i32
      %dma_start3A_1322 = arith.constant 0 : i32
      %dma_start3A_1323 = tpu.memref_slice %arg6[%dma_start3A_1305, %dma_start3A_1321, %dma_start3A_1322] : memref<4x100x64xf32, #tpu.memory_space<vmem>> -> memref<1x100x64xf32, #tpu.memory_space<vmem>>
      %dma_start3A_1324 = tpu.memref_squeeze %dma_start3A_1323 : memref<1x100x64xf32, #tpu.memory_space<vmem>> -> memref<100x64xf32, #tpu.memory_space<vmem>>
      %dma_start3A_1325 = arith.constant 50 : i32
      %dma_start3A_1326 = arith.constant 0 : i32
      %dma_start3A_1327 = tpu.memref_slice %dma_start3A_1324[%dma_start3A_1325, %dma_start3A_1326] : memref<100x64xf32, #tpu.memory_space<vmem>> -> memref<50x64xf32, #tpu.memory_space<vmem>>
      tpu.enqueue_dma source(%dma_start3A_1327 : memref<50x64xf32, #tpu.memory_space<vmem>>) target(%dma_start3A_1320 : memref<50x64xf32, #tpu.memory_space<hbm>>) target_semaphore(%arg13 : memref<!tpu.dma_semaphore, #tpu.memory_space<semaphore_mem>>)
      %sub3A_1328 = arith.constant 1 : i32
      %sub3A_1329 = arith.subi %add3A_1265, %sub3A_1328 : i32
      %mul3A_1330 = arith.constant 2 : i32
      %mul3A_1331 = arith.muli %mul3A_1330, %sub3A_1329 : i32
      %add3A_1332 = arith.addi %mul3A_2, %mul3A_1331 : i32
      %add3A_1333 = arith.constant 1 : i32
      %add3A_1334 = arith.addi %add3A_1332, %add3A_1333 : i32
      %dma_wait3A_1335 = arith.constant 1 : i32
      %dma_wait3A_1336 = arith.constant 0 : i32
      %dma_wait3A_1337 = arith.constant 0 : i32
      %dma_wait3A_1338 = tpu.memref_slice %arg6[%dma_wait3A_1335, %dma_wait3A_1336, %dma_wait3A_1337] : memref<4x100x64xf32, #tpu.memory_space<vmem>> -> memref<1x100x64xf32, #tpu.memory_space<vmem>>
      %dma_wait3A_1339 = tpu.memref_squeeze %dma_wait3A_1338 : memref<1x100x64xf32, #tpu.memory_space<vmem>> -> memref<100x64xf32, #tpu.memory_space<vmem>>
      %dma_wait3A_1340 = arith.constant 0 : i32
      %dma_wait3A_1341 = arith.constant 0 : i32
      %dma_wait3A_1342 = tpu.memref_slice %dma_wait3A_1339[%dma_wait3A_1340, %dma_wait3A_1341] : memref<100x64xf32, #tpu.memory_space<vmem>> -> memref<50x64xf32, #tpu.memory_space<vmem>>
      %dma_wait3A_1343 = arith.constant 0 : i32
      %dma_wait3A_1344 = arith.constant 0 : i32
      %dma_wait3A_1345 = tpu.memref_slice %arg4[%add3A_1332, %dma_wait3A_1343, %dma_wait3A_1344] : memref<16384x56x128xf32, #tpu.memory_space<hbm>> -> memref<1x50x64xf32, #tpu.memory_space<hbm>>
      %dma_wait3A_1346 = tpu.memref_squeeze %dma_wait3A_1345 : memref<1x50x64xf32, #tpu.memory_space<hbm>> -> memref<50x64xf32, #tpu.memory_space<hbm>>
      %dma_wait3A_1347 = arith.constant 0 : i32
      %dma_wait3A_1348 = arith.constant 0 : i32
      %dma_wait3A_1349 = tpu.memref_slice %arg4[%add3A_1332, %dma_wait3A_1347, %dma_wait3A_1348] : memref<16384x56x128xf32, #tpu.memory_space<hbm>> -> memref<1x50x64xf32, #tpu.memory_space<hbm>>
      %dma_wait3A_1350 = tpu.memref_squeeze %dma_wait3A_1349 : memref<1x50x64xf32, #tpu.memory_space<hbm>> -> memref<50x64xf32, #tpu.memory_space<hbm>>
      %dma_wait3A_1351 = arith.constant 0 : i32
      %dma_wait3A_1352 = arith.constant 0 : i32
      %dma_wait3A_1353 = tpu.memref_slice %arg6[%dma_wait3A_1335, %dma_wait3A_1351, %dma_wait3A_1352] : memref<4x100x64xf32, #tpu.memory_space<vmem>> -> memref<1x100x64xf32, #tpu.memory_space<vmem>>
      %dma_wait3A_1354 = tpu.memref_squeeze %dma_wait3A_1353 : memref<1x100x64xf32, #tpu.memory_space<vmem>> -> memref<100x64xf32, #tpu.memory_space<vmem>>
      %dma_wait3A_1355 = arith.constant 0 : i32
      %dma_wait3A_1356 = arith.constant 0 : i32
      %dma_wait3A_1357 = tpu.memref_slice %dma_wait3A_1354[%dma_wait3A_1355, %dma_wait3A_1356] : memref<100x64xf32, #tpu.memory_space<vmem>> -> memref<50x64xf32, #tpu.memory_space<vmem>>
      tpu.wait_dma2 semaphore(%arg12 : memref<!tpu.dma_semaphore, #tpu.memory_space<semaphore_mem>>) src(%dma_wait3A_1357 : memref<50x64xf32, #tpu.memory_space<vmem>>) dst(%dma_wait3A_1350 : memref<50x64xf32, #tpu.memory_space<hbm>>)
      %dma_wait3A_1358 = arith.constant 1 : i32
      %dma_wait3A_1359 = arith.constant 0 : i32
      %dma_wait3A_1360 = arith.constant 0 : i32
      %dma_wait3A_1361 = tpu.memref_slice %arg6[%dma_wait3A_1358, %dma_wait3A_1359, %dma_wait3A_1360] : memref<4x100x64xf32, #tpu.memory_space<vmem>> -> memref<1x100x64xf32, #tpu.memory_space<vmem>>
      %dma_wait3A_1362 = tpu.memref_squeeze %dma_wait3A_1361 : memref<1x100x64xf32, #tpu.memory_space<vmem>> -> memref<100x64xf32, #tpu.memory_space<vmem>>
      %dma_wait3A_1363 = arith.constant 50 : i32
      %dma_wait3A_1364 = arith.constant 0 : i32
      %dma_wait3A_1365 = tpu.memref_slice %dma_wait3A_1362[%dma_wait3A_1363, %dma_wait3A_1364] : memref<100x64xf32, #tpu.memory_space<vmem>> -> memref<50x64xf32, #tpu.memory_space<vmem>>
      %dma_wait3A_1366 = arith.constant 0 : i32
      %dma_wait3A_1367 = arith.constant 0 : i32
      %dma_wait3A_1368 = tpu.memref_slice %arg4[%add3A_1334, %dma_wait3A_1366, %dma_wait3A_1367] : memref<16384x56x128xf32, #tpu.memory_space<hbm>> -> memref<1x50x64xf32, #tpu.memory_space<hbm>>
      %dma_wait3A_1369 = tpu.memref_squeeze %dma_wait3A_1368 : memref<1x50x64xf32, #tpu.memory_space<hbm>> -> memref<50x64xf32, #tpu.memory_space<hbm>>
      %dma_wait3A_1370 = arith.constant 0 : i32
      %dma_wait3A_1371 = arith.constant 0 : i32
      %dma_wait3A_1372 = tpu.memref_slice %arg4[%add3A_1334, %dma_wait3A_1370, %dma_wait3A_1371] : memref<16384x56x128xf32, #tpu.memory_space<hbm>> -> memref<1x50x64xf32, #tpu.memory_space<hbm>>
      %dma_wait3A_1373 = tpu.memref_squeeze %dma_wait3A_1372 : memref<1x50x64xf32, #tpu.memory_space<hbm>> -> memref<50x64xf32, #tpu.memory_space<hbm>>
      %dma_wait3A_1374 = arith.constant 0 : i32
      %dma_wait3A_1375 = arith.constant 0 : i32
      %dma_wait3A_1376 = tpu.memref_slice %arg6[%dma_wait3A_1358, %dma_wait3A_1374, %dma_wait3A_1375] : memref<4x100x64xf32, #tpu.memory_space<vmem>> -> memref<1x100x64xf32, #tpu.memory_space<vmem>>
      %dma_wait3A_1377 = tpu.memref_squeeze %dma_wait3A_1376 : memref<1x100x64xf32, #tpu.memory_space<vmem>> -> memref<100x64xf32, #tpu.memory_space<vmem>>
      %dma_wait3A_1378 = arith.constant 50 : i32
      %dma_wait3A_1379 = arith.constant 0 : i32
      %dma_wait3A_1380 = tpu.memref_slice %dma_wait3A_1377[%dma_wait3A_1378, %dma_wait3A_1379] : memref<100x64xf32, #tpu.memory_space<vmem>> -> memref<50x64xf32, #tpu.memory_space<vmem>>
      tpu.wait_dma2 semaphore(%arg12 : memref<!tpu.dma_semaphore, #tpu.memory_space<semaphore_mem>>) src(%dma_wait3A_1380 : memref<50x64xf32, #tpu.memory_space<vmem>>) dst(%dma_wait3A_1373 : memref<50x64xf32, #tpu.memory_space<hbm>>)
      %sub3A_1381 = arith.constant 1 : i32
      %sub3A_1382 = arith.subi %add3A_1265, %sub3A_1381 : i32
      %add3A_1383 = arith.constant 4 : i32
      %add3A_1384 = arith.addi %sub3A_1382, %add3A_1383 : i32
      %dma_start3A_1385 = arith.constant 1 : i32
      %dma_start3A_1386 = arith.constant 0 : i32
      %dma_start3A_1387 = arith.constant 0 : i32
      %dma_start3A_1388 = tpu.memref_slice %arg6[%dma_start3A_1385, %dma_start3A_1386, %dma_start3A_1387] : memref<4x100x64xf32, #tpu.memory_space<vmem>> -> memref<1x100x64xf32, #tpu.memory_space<vmem>>
      %dma_start3A_1389 = tpu.memref_squeeze %dma_start3A_1388 : memref<1x100x64xf32, #tpu.memory_space<vmem>> -> memref<100x64xf32, #tpu.memory_space<vmem>>
      %dma_start3A_1390 = arith.constant 0 : i32
      %dma_start3A_1391 = tpu.memref_slice %arg5[%add3A_1384, %dma_start3A_1390] : memref<256x100xi32, #tpu.memory_space<vmem>> -> memref<1x100xi32, #tpu.memory_space<vmem>>
      %dma_start3A_1392 = tpu.memref_squeeze %dma_start3A_1391 : memref<1x100xi32, #tpu.memory_space<vmem>> -> memref<100xi32, #tpu.memory_space<vmem>>
      %dma_start3A_1393 = arith.constant 0 : i32
      %dma_start3A_1394 = arith.constant 0 : i32
      %dma_start3A_1395 = tpu.memref_slice %arg3[%dma_start3A_1393, %dma_start3A_1394] : memref<1000000x64xf32, #tpu.memory_space<hbm>> -> memref<1000000x64xf32, #tpu.memory_space<hbm>>
      tpu.enqueue_indirect_dma source(%dma_start3A_1395 : memref<1000000x64xf32, #tpu.memory_space<hbm>>) target(%dma_start3A_1389 : memref<100x64xf32, #tpu.memory_space<vmem>>) offsets(%dma_start3A_1392 : memref<100xi32, #tpu.memory_space<vmem>>) semaphore(%arg8 : memref<!tpu.dma_semaphore, #tpu.memory_space<semaphore_mem>>)
      %add3A_1396 = arith.constant 3 : i32
      %add3A_1397 = arith.addi %mul3A_1000, %add3A_1396 : i32
      %dma_wait3A_1398 = arith.constant 3 : i32
      %dma_wait3A_1399 = arith.constant 0 : i32
      %dma_wait3A_1400 = arith.constant 0 : i32
      %dma_wait3A_1401 = tpu.memref_slice %arg6[%dma_wait3A_1398, %dma_wait3A_1399, %dma_wait3A_1400] : memref<4x100x64xf32, #tpu.memory_space<vmem>> -> memref<1x100x64xf32, #tpu.memory_space<vmem>>
      %dma_wait3A_1402 = tpu.memref_squeeze %dma_wait3A_1401 : memref<1x100x64xf32, #tpu.memory_space<vmem>> -> memref<100x64xf32, #tpu.memory_space<vmem>>
      %dma_wait3A_1403 = arith.constant 0 : i32
      %dma_wait3A_1404 = tpu.memref_slice %arg5[%add3A_1397, %dma_wait3A_1403] : memref<256x100xi32, #tpu.memory_space<vmem>> -> memref<1x100xi32, #tpu.memory_space<vmem>>
      %dma_wait3A_1405 = tpu.memref_squeeze %dma_wait3A_1404 : memref<1x100xi32, #tpu.memory_space<vmem>> -> memref<100xi32, #tpu.memory_space<vmem>>
      %dma_wait3A_1406 = arith.constant 0 : i32
      %dma_wait3A_1407 = arith.constant 0 : i32
      %dma_wait3A_1408 = tpu.memref_slice %arg3[%dma_wait3A_1406, %dma_wait3A_1407] : memref<1000000x64xf32, #tpu.memory_space<hbm>> -> memref<1000000x64xf32, #tpu.memory_space<hbm>>
      tpu.wait_indirect_dma semaphore(%arg10 : memref<!tpu.dma_semaphore, #tpu.memory_space<semaphore_mem>>) src(%dma_wait3A_1408 : memref<1000000x64xf32, #tpu.memory_space<hbm>>) dst(%dma_wait3A_1402 : memref<100x64xf32, #tpu.memory_space<vmem>>)
      %mul3A_1409 = arith.constant 2 : i32
      %mul3A_1410 = arith.muli %mul3A_1409, %add3A_1397 : i32
      %add3A_1411 = arith.addi %mul3A_2, %mul3A_1410 : i32
      %add3A_1412 = arith.constant 1 : i32
      %add3A_1413 = arith.addi %add3A_1411, %add3A_1412 : i32
      %dma_start3A_1414 = arith.constant 3 : i32
      %dma_start3A_1415 = arith.constant 0 : i32
      %dma_start3A_1416 = arith.constant 0 : i32
      %dma_start3A_1417 = tpu.memref_slice %arg6[%dma_start3A_1414, %dma_start3A_1415, %dma_start3A_1416] : memref<4x100x64xf32, #tpu.memory_space<vmem>> -> memref<1x100x64xf32, #tpu.memory_space<vmem>>
      %dma_start3A_1418 = tpu.memref_squeeze %dma_start3A_1417 : memref<1x100x64xf32, #tpu.memory_space<vmem>> -> memref<100x64xf32, #tpu.memory_space<vmem>>
      %dma_start3A_1419 = arith.constant 0 : i32
      %dma_start3A_1420 = arith.constant 0 : i32
      %dma_start3A_1421 = tpu.memref_slice %dma_start3A_1418[%dma_start3A_1419, %dma_start3A_1420] : memref<100x64xf32, #tpu.memory_space<vmem>> -> memref<50x64xf32, #tpu.memory_space<vmem>>
      %dma_start3A_1422 = arith.constant 0 : i32
      %dma_start3A_1423 = arith.constant 0 : i32
      %dma_start3A_1424 = tpu.memref_slice %arg4[%add3A_1411, %dma_start3A_1422, %dma_start3A_1423] : memref<16384x56x128xf32, #tpu.memory_space<hbm>> -> memref<1x50x64xf32, #tpu.memory_space<hbm>>
      %dma_start3A_1425 = tpu.memref_squeeze %dma_start3A_1424 : memref<1x50x64xf32, #tpu.memory_space<hbm>> -> memref<50x64xf32, #tpu.memory_space<hbm>>
      %dma_start3A_1426 = arith.constant 0 : i32
      %dma_start3A_1427 = arith.constant 0 : i32
      %dma_start3A_1428 = tpu.memref_slice %arg4[%add3A_1411, %dma_start3A_1426, %dma_start3A_1427] : memref<16384x56x128xf32, #tpu.memory_space<hbm>> -> memref<1x50x64xf32, #tpu.memory_space<hbm>>
      %dma_start3A_1429 = tpu.memref_squeeze %dma_start3A_1428 : memref<1x50x64xf32, #tpu.memory_space<hbm>> -> memref<50x64xf32, #tpu.memory_space<hbm>>
      %dma_start3A_1430 = arith.constant 0 : i32
      %dma_start3A_1431 = arith.constant 0 : i32
      %dma_start3A_1432 = tpu.memref_slice %arg6[%dma_start3A_1414, %dma_start3A_1430, %dma_start3A_1431] : memref<4x100x64xf32, #tpu.memory_space<vmem>> -> memref<1x100x64xf32, #tpu.memory_space<vmem>>
      %dma_start3A_1433 = tpu.memref_squeeze %dma_start3A_1432 : memref<1x100x64xf32, #tpu.memory_space<vmem>> -> memref<100x64xf32, #tpu.memory_space<vmem>>
      %dma_start3A_1434 = arith.constant 0 : i32
      %dma_start3A_1435 = arith.constant 0 : i32
      %dma_start3A_1436 = tpu.memref_slice %dma_start3A_1433[%dma_start3A_1434, %dma_start3A_1435] : memref<100x64xf32, #tpu.memory_space<vmem>> -> memref<50x64xf32, #tpu.memory_space<vmem>>
      tpu.enqueue_dma source(%dma_start3A_1436 : memref<50x64xf32, #tpu.memory_space<vmem>>) target(%dma_start3A_1429 : memref<50x64xf32, #tpu.memory_space<hbm>>) target_semaphore(%arg14 : memref<!tpu.dma_semaphore, #tpu.memory_space<semaphore_mem>>)
      %dma_start3A_1437 = arith.constant 3 : i32
      %dma_start3A_1438 = arith.constant 0 : i32
      %dma_start3A_1439 = arith.constant 0 : i32
      %dma_start3A_1440 = tpu.memref_slice %arg6[%dma_start3A_1437, %dma_start3A_1438, %dma_start3A_1439] : memref<4x100x64xf32, #tpu.memory_space<vmem>> -> memref<1x100x64xf32, #tpu.memory_space<vmem>>
      %dma_start3A_1441 = tpu.memref_squeeze %dma_start3A_1440 : memref<1x100x64xf32, #tpu.memory_space<vmem>> -> memref<100x64xf32, #tpu.memory_space<vmem>>
      %dma_start3A_1442 = arith.constant 50 : i32
      %dma_start3A_1443 = arith.constant 0 : i32
      %dma_start3A_1444 = tpu.memref_slice %dma_start3A_1441[%dma_start3A_1442, %dma_start3A_1443] : memref<100x64xf32, #tpu.memory_space<vmem>> -> memref<50x64xf32, #tpu.memory_space<vmem>>
      %dma_start3A_1445 = arith.constant 0 : i32
      %dma_start3A_1446 = arith.constant 0 : i32
      %dma_start3A_1447 = tpu.memref_slice %arg4[%add3A_1413, %dma_start3A_1445, %dma_start3A_1446] : memref<16384x56x128xf32, #tpu.memory_space<hbm>> -> memref<1x50x64xf32, #tpu.memory_space<hbm>>
      %dma_start3A_1448 = tpu.memref_squeeze %dma_start3A_1447 : memref<1x50x64xf32, #tpu.memory_space<hbm>> -> memref<50x64xf32, #tpu.memory_space<hbm>>
      %dma_start3A_1449 = arith.constant 0 : i32
      %dma_start3A_1450 = arith.constant 0 : i32
      %dma_start3A_1451 = tpu.memref_slice %arg4[%add3A_1413, %dma_start3A_1449, %dma_start3A_1450] : memref<16384x56x128xf32, #tpu.memory_space<hbm>> -> memref<1x50x64xf32, #tpu.memory_space<hbm>>
      %dma_start3A_1452 = tpu.memref_squeeze %dma_start3A_1451 : memref<1x50x64xf32, #tpu.memory_space<hbm>> -> memref<50x64xf32, #tpu.memory_space<hbm>>
      %dma_start3A_1453 = arith.constant 0 : i32
      %dma_start3A_1454 = arith.constant 0 : i32
      %dma_start3A_1455 = tpu.memref_slice %arg6[%dma_start3A_1437, %dma_start3A_1453, %dma_start3A_1454] : memref<4x100x64xf32, #tpu.memory_space<vmem>> -> memref<1x100x64xf32, #tpu.memory_space<vmem>>
      %dma_start3A_1456 = tpu.memref_squeeze %dma_start3A_1455 : memref<1x100x64xf32, #tpu.memory_space<vmem>> -> memref<100x64xf32, #tpu.memory_space<vmem>>
      %dma_start3A_1457 = arith.constant 50 : i32
      %dma_start3A_1458 = arith.constant 0 : i32
      %dma_start3A_1459 = tpu.memref_slice %dma_start3A_1456[%dma_start3A_1457, %dma_start3A_1458] : memref<100x64xf32, #tpu.memory_space<vmem>> -> memref<50x64xf32, #tpu.memory_space<vmem>>
      tpu.enqueue_dma source(%dma_start3A_1459 : memref<50x64xf32, #tpu.memory_space<vmem>>) target(%dma_start3A_1452 : memref<50x64xf32, #tpu.memory_space<hbm>>) target_semaphore(%arg14 : memref<!tpu.dma_semaphore, #tpu.memory_space<semaphore_mem>>)
      %sub3A_1460 = arith.constant 1 : i32
      %sub3A_1461 = arith.subi %add3A_1397, %sub3A_1460 : i32
      %mul3A_1462 = arith.constant 2 : i32
      %mul3A_1463 = arith.muli %mul3A_1462, %sub3A_1461 : i32
      %add3A_1464 = arith.addi %mul3A_2, %mul3A_1463 : i32
      %add3A_1465 = arith.constant 1 : i32
      %add3A_1466 = arith.addi %add3A_1464, %add3A_1465 : i32
      %dma_wait3A_1467 = arith.constant 2 : i32
      %dma_wait3A_1468 = arith.constant 0 : i32
      %dma_wait3A_1469 = arith.constant 0 : i32
      %dma_wait3A_1470 = tpu.memref_slice %arg6[%dma_wait3A_1467, %dma_wait3A_1468, %dma_wait3A_1469] : memref<4x100x64xf32, #tpu.memory_space<vmem>> -> memref<1x100x64xf32, #tpu.memory_space<vmem>>
      %dma_wait3A_1471 = tpu.memref_squeeze %dma_wait3A_1470 : memref<1x100x64xf32, #tpu.memory_space<vmem>> -> memref<100x64xf32, #tpu.memory_space<vmem>>
      %dma_wait3A_1472 = arith.constant 0 : i32
      %dma_wait3A_1473 = arith.constant 0 : i32
      %dma_wait3A_1474 = tpu.memref_slice %dma_wait3A_1471[%dma_wait3A_1472, %dma_wait3A_1473] : memref<100x64xf32, #tpu.memory_space<vmem>> -> memref<50x64xf32, #tpu.memory_space<vmem>>
      %dma_wait3A_1475 = arith.constant 0 : i32
      %dma_wait3A_1476 = arith.constant 0 : i32
      %dma_wait3A_1477 = tpu.memref_slice %arg4[%add3A_1464, %dma_wait3A_1475, %dma_wait3A_1476] : memref<16384x56x128xf32, #tpu.memory_space<hbm>> -> memref<1x50x64xf32, #tpu.memory_space<hbm>>
      %dma_wait3A_1478 = tpu.memref_squeeze %dma_wait3A_1477 : memref<1x50x64xf32, #tpu.memory_space<hbm>> -> memref<50x64xf32, #tpu.memory_space<hbm>>
      %dma_wait3A_1479 = arith.constant 0 : i32
      %dma_wait3A_1480 = arith.constant 0 : i32
      %dma_wait3A_1481 = tpu.memref_slice %arg4[%add3A_1464, %dma_wait3A_1479, %dma_wait3A_1480] : memref<16384x56x128xf32, #tpu.memory_space<hbm>> -> memref<1x50x64xf32, #tpu.memory_space<hbm>>
      %dma_wait3A_1482 = tpu.memref_squeeze %dma_wait3A_1481 : memref<1x50x64xf32, #tpu.memory_space<hbm>> -> memref<50x64xf32, #tpu.memory_space<hbm>>
      %dma_wait3A_1483 = arith.constant 0 : i32
      %dma_wait3A_1484 = arith.constant 0 : i32
      %dma_wait3A_1485 = tpu.memref_slice %arg6[%dma_wait3A_1467, %dma_wait3A_1483, %dma_wait3A_1484] : memref<4x100x64xf32, #tpu.memory_space<vmem>> -> memref<1x100x64xf32, #tpu.memory_space<vmem>>
      %dma_wait3A_1486 = tpu.memref_squeeze %dma_wait3A_1485 : memref<1x100x64xf32, #tpu.memory_space<vmem>> -> memref<100x64xf32, #tpu.memory_space<vmem>>
      %dma_wait3A_1487 = arith.constant 0 : i32
      %dma_wait3A_1488 = arith.constant 0 : i32
      %dma_wait3A_1489 = tpu.memref_slice %dma_wait3A_1486[%dma_wait3A_1487, %dma_wait3A_1488] : memref<100x64xf32, #tpu.memory_space<vmem>> -> memref<50x64xf32, #tpu.memory_space<vmem>>
      tpu.wait_dma2 semaphore(%arg13 : memref<!tpu.dma_semaphore, #tpu.memory_space<semaphore_mem>>) src(%dma_wait3A_1489 : memref<50x64xf32, #tpu.memory_space<vmem>>) dst(%dma_wait3A_1482 : memref<50x64xf32, #tpu.memory_space<hbm>>)
      %dma_wait3A_1490 = arith.constant 2 : i32
      %dma_wait3A_1491 = arith.constant 0 : i32
      %dma_wait3A_1492 = arith.constant 0 : i32
      %dma_wait3A_1493 = tpu.memref_slice %arg6[%dma_wait3A_1490, %dma_wait3A_1491, %dma_wait3A_1492] : memref<4x100x64xf32, #tpu.memory_space<vmem>> -> memref<1x100x64xf32, #tpu.memory_space<vmem>>
      %dma_wait3A_1494 = tpu.memref_squeeze %dma_wait3A_1493 : memref<1x100x64xf32, #tpu.memory_space<vmem>> -> memref<100x64xf32, #tpu.memory_space<vmem>>
      %dma_wait3A_1495 = arith.constant 50 : i32
      %dma_wait3A_1496 = arith.constant 0 : i32
      %dma_wait3A_1497 = tpu.memref_slice %dma_wait3A_1494[%dma_wait3A_1495, %dma_wait3A_1496] : memref<100x64xf32, #tpu.memory_space<vmem>> -> memref<50x64xf32, #tpu.memory_space<vmem>>
      %dma_wait3A_1498 = arith.constant 0 : i32
      %dma_wait3A_1499 = arith.constant 0 : i32
      %dma_wait3A_1500 = tpu.memref_slice %arg4[%add3A_1466, %dma_wait3A_1498, %dma_wait3A_1499] : memref<16384x56x128xf32, #tpu.memory_space<hbm>> -> memref<1x50x64xf32, #tpu.memory_space<hbm>>
      %dma_wait3A_1501 = tpu.memref_squeeze %dma_wait3A_1500 : memref<1x50x64xf32, #tpu.memory_space<hbm>> -> memref<50x64xf32, #tpu.memory_space<hbm>>
      %dma_wait3A_1502 = arith.constant 0 : i32
      %dma_wait3A_1503 = arith.constant 0 : i32
      %dma_wait3A_1504 = tpu.memref_slice %arg4[%add3A_1466, %dma_wait3A_1502, %dma_wait3A_1503] : memref<16384x56x128xf32, #tpu.memory_space<hbm>> -> memref<1x50x64xf32, #tpu.memory_space<hbm>>
      %dma_wait3A_1505 = tpu.memref_squeeze %dma_wait3A_1504 : memref<1x50x64xf32, #tpu.memory_space<hbm>> -> memref<50x64xf32, #tpu.memory_space<hbm>>
      %dma_wait3A_1506 = arith.constant 0 : i32
      %dma_wait3A_1507 = arith.constant 0 : i32
      %dma_wait3A_1508 = tpu.memref_slice %arg6[%dma_wait3A_1490, %dma_wait3A_1506, %dma_wait3A_1507] : memref<4x100x64xf32, #tpu.memory_space<vmem>> -> memref<1x100x64xf32, #tpu.memory_space<vmem>>
      %dma_wait3A_1509 = tpu.memref_squeeze %dma_wait3A_1508 : memref<1x100x64xf32, #tpu.memory_space<vmem>> -> memref<100x64xf32, #tpu.memory_space<vmem>>
      %dma_wait3A_1510 = arith.constant 50 : i32
      %dma_wait3A_1511 = arith.constant 0 : i32
      %dma_wait3A_1512 = tpu.memref_slice %dma_wait3A_1509[%dma_wait3A_1510, %dma_wait3A_1511] : memref<100x64xf32, #tpu.memory_space<vmem>> -> memref<50x64xf32, #tpu.memory_space<vmem>>
      tpu.wait_dma2 semaphore(%arg13 : memref<!tpu.dma_semaphore, #tpu.memory_space<semaphore_mem>>) src(%dma_wait3A_1512 : memref<50x64xf32, #tpu.memory_space<vmem>>) dst(%dma_wait3A_1505 : memref<50x64xf32, #tpu.memory_space<hbm>>)
      %sub3A_1513 = arith.constant 1 : i32
      %sub3A_1514 = arith.subi %add3A_1397, %sub3A_1513 : i32
      %add3A_1515 = arith.constant 4 : i32
      %add3A_1516 = arith.addi %sub3A_1514, %add3A_1515 : i32
      %dma_start3A_1517 = arith.constant 2 : i32
      %dma_start3A_1518 = arith.constant 0 : i32
      %dma_start3A_1519 = arith.constant 0 : i32
      %dma_start3A_1520 = tpu.memref_slice %arg6[%dma_start3A_1517, %dma_start3A_1518, %dma_start3A_1519] : memref<4x100x64xf32, #tpu.memory_space<vmem>> -> memref<1x100x64xf32, #tpu.memory_space<vmem>>
      %dma_start3A_1521 = tpu.memref_squeeze %dma_start3A_1520 : memref<1x100x64xf32, #tpu.memory_space<vmem>> -> memref<100x64xf32, #tpu.memory_space<vmem>>
      %dma_start3A_1522 = arith.constant 0 : i32
      %dma_start3A_1523 = tpu.memref_slice %arg5[%add3A_1516, %dma_start3A_1522] : memref<256x100xi32, #tpu.memory_space<vmem>> -> memref<1x100xi32, #tpu.memory_space<vmem>>
      %dma_start3A_1524 = tpu.memref_squeeze %dma_start3A_1523 : memref<1x100xi32, #tpu.memory_space<vmem>> -> memref<100xi32, #tpu.memory_space<vmem>>
      %dma_start3A_1525 = arith.constant 0 : i32
      %dma_start3A_1526 = arith.constant 0 : i32
      %dma_start3A_1527 = tpu.memref_slice %arg3[%dma_start3A_1525, %dma_start3A_1526] : memref<1000000x64xf32, #tpu.memory_space<hbm>> -> memref<1000000x64xf32, #tpu.memory_space<hbm>>
      tpu.enqueue_indirect_dma source(%dma_start3A_1527 : memref<1000000x64xf32, #tpu.memory_space<hbm>>) target(%dma_start3A_1521 : memref<100x64xf32, #tpu.memory_space<vmem>>) offsets(%dma_start3A_1524 : memref<100xi32, #tpu.memory_space<vmem>>) semaphore(%arg9 : memref<!tpu.dma_semaphore, #tpu.memory_space<semaphore_mem>>)
    }
    %scan3A_487 = arith.constant 62 : i32
    %dma_wait3A_488 = arith.constant 252 : i32
    %dma_wait3A_489 = arith.constant 0 : i32
    %dma_wait3A_490 = arith.constant 0 : i32
    %dma_wait3A_491 = arith.constant 0 : i32
    %dma_wait3A_492 = tpu.memref_slice %arg6[%dma_wait3A_489, %dma_wait3A_490, %dma_wait3A_491] : memref<4x100x64xf32, #tpu.memory_space<vmem>> -> memref<1x100x64xf32, #tpu.memory_space<vmem>>
    %dma_wait3A_493 = tpu.memref_squeeze %dma_wait3A_492 : memref<1x100x64xf32, #tpu.memory_space<vmem>> -> memref<100x64xf32, #tpu.memory_space<vmem>>
    %dma_wait3A_494 = arith.constant 0 : i32
    %dma_wait3A_495 = tpu.memref_slice %arg5[%dma_wait3A_488, %dma_wait3A_494] : memref<256x100xi32, #tpu.memory_space<vmem>> -> memref<1x100xi32, #tpu.memory_space<vmem>>
    %dma_wait3A_496 = tpu.memref_squeeze %dma_wait3A_495 : memref<1x100xi32, #tpu.memory_space<vmem>> -> memref<100xi32, #tpu.memory_space<vmem>>
    %dma_wait3A_497 = arith.constant 0 : i32
    %dma_wait3A_498 = arith.constant 0 : i32
    %dma_wait3A_499 = tpu.memref_slice %arg3[%dma_wait3A_497, %dma_wait3A_498] : memref<1000000x64xf32, #tpu.memory_space<hbm>> -> memref<1000000x64xf32, #tpu.memory_space<hbm>>
    tpu.wait_indirect_dma semaphore(%arg7 : memref<!tpu.dma_semaphore, #tpu.memory_space<semaphore_mem>>) src(%dma_wait3A_499 : memref<1000000x64xf32, #tpu.memory_space<hbm>>) dst(%dma_wait3A_493 : memref<100x64xf32, #tpu.memory_space<vmem>>)
    %add3A_500 = arith.constant 504 : i32
    %add3A_501 = arith.addi %mul3A_2, %add3A_500 : i32
    %add3A_502 = arith.constant 1 : i32
    %add3A_503 = arith.addi %add3A_501, %add3A_502 : i32
    %dma_start3A_504 = arith.constant 0 : i32
    %dma_start3A_505 = arith.constant 0 : i32
    %dma_start3A_506 = arith.constant 0 : i32
    %dma_start3A_507 = tpu.memref_slice %arg6[%dma_start3A_504, %dma_start3A_505, %dma_start3A_506] : memref<4x100x64xf32, #tpu.memory_space<vmem>> -> memref<1x100x64xf32, #tpu.memory_space<vmem>>
    %dma_start3A_508 = tpu.memref_squeeze %dma_start3A_507 : memref<1x100x64xf32, #tpu.memory_space<vmem>> -> memref<100x64xf32, #tpu.memory_space<vmem>>
    %dma_start3A_509 = arith.constant 0 : i32
    %dma_start3A_510 = arith.constant 0 : i32
    %dma_start3A_511 = tpu.memref_slice %dma_start3A_508[%dma_start3A_509, %dma_start3A_510] : memref<100x64xf32, #tpu.memory_space<vmem>> -> memref<50x64xf32, #tpu.memory_space<vmem>>
    %dma_start3A_512 = arith.constant 0 : i32
    %dma_start3A_513 = arith.constant 0 : i32
    %dma_start3A_514 = tpu.memref_slice %arg4[%add3A_501, %dma_start3A_512, %dma_start3A_513] : memref<16384x56x128xf32, #tpu.memory_space<hbm>> -> memref<1x50x64xf32, #tpu.memory_space<hbm>>
    %dma_start3A_515 = tpu.memref_squeeze %dma_start3A_514 : memref<1x50x64xf32, #tpu.memory_space<hbm>> -> memref<50x64xf32, #tpu.memory_space<hbm>>
    %dma_start3A_516 = arith.constant 0 : i32
    %dma_start3A_517 = arith.constant 0 : i32
    %dma_start3A_518 = tpu.memref_slice %arg4[%add3A_501, %dma_start3A_516, %dma_start3A_517] : memref<16384x56x128xf32, #tpu.memory_space<hbm>> -> memref<1x50x64xf32, #tpu.memory_space<hbm>>
    %dma_start3A_519 = tpu.memref_squeeze %dma_start3A_518 : memref<1x50x64xf32, #tpu.memory_space<hbm>> -> memref<50x64xf32, #tpu.memory_space<hbm>>
    %dma_start3A_520 = arith.constant 0 : i32
    %dma_start3A_521 = arith.constant 0 : i32
    %dma_start3A_522 = tpu.memref_slice %arg6[%dma_start3A_504, %dma_start3A_520, %dma_start3A_521] : memref<4x100x64xf32, #tpu.memory_space<vmem>> -> memref<1x100x64xf32, #tpu.memory_space<vmem>>
    %dma_start3A_523 = tpu.memref_squeeze %dma_start3A_522 : memref<1x100x64xf32, #tpu.memory_space<vmem>> -> memref<100x64xf32, #tpu.memory_space<vmem>>
    %dma_start3A_524 = arith.constant 0 : i32
    %dma_start3A_525 = arith.constant 0 : i32
    %dma_start3A_526 = tpu.memref_slice %dma_start3A_523[%dma_start3A_524, %dma_start3A_525] : memref<100x64xf32, #tpu.memory_space<vmem>> -> memref<50x64xf32, #tpu.memory_space<vmem>>
    tpu.enqueue_dma source(%dma_start3A_526 : memref<50x64xf32, #tpu.memory_space<vmem>>) target(%dma_start3A_519 : memref<50x64xf32, #tpu.memory_space<hbm>>) target_semaphore(%arg11 : memref<!tpu.dma_semaphore, #tpu.memory_space<semaphore_mem>>)
    %dma_start3A_527 = arith.constant 0 : i32
    %dma_start3A_528 = arith.constant 0 : i32
    %dma_start3A_529 = arith.constant 0 : i32
    %dma_start3A_530 = tpu.memref_slice %arg6[%dma_start3A_527, %dma_start3A_528, %dma_start3A_529] : memref<4x100x64xf32, #tpu.memory_space<vmem>> -> memref<1x100x64xf32, #tpu.memory_space<vmem>>
    %dma_start3A_531 = tpu.memref_squeeze %dma_start3A_530 : memref<1x100x64xf32, #tpu.memory_space<vmem>> -> memref<100x64xf32, #tpu.memory_space<vmem>>
    %dma_start3A_532 = arith.constant 50 : i32
    %dma_start3A_533 = arith.constant 0 : i32
    %dma_start3A_534 = tpu.memref_slice %dma_start3A_531[%dma_start3A_532, %dma_start3A_533] : memref<100x64xf32, #tpu.memory_space<vmem>> -> memref<50x64xf32, #tpu.memory_space<vmem>>
    %dma_start3A_535 = arith.constant 0 : i32
    %dma_start3A_536 = arith.constant 0 : i32
    %dma_start3A_537 = tpu.memref_slice %arg4[%add3A_503, %dma_start3A_535, %dma_start3A_536] : memref<16384x56x128xf32, #tpu.memory_space<hbm>> -> memref<1x50x64xf32, #tpu.memory_space<hbm>>
    %dma_start3A_538 = tpu.memref_squeeze %dma_start3A_537 : memref<1x50x64xf32, #tpu.memory_space<hbm>> -> memref<50x64xf32, #tpu.memory_space<hbm>>
    %dma_start3A_539 = arith.constant 0 : i32
    %dma_start3A_540 = arith.constant 0 : i32
    %dma_start3A_541 = tpu.memref_slice %arg4[%add3A_503, %dma_start3A_539, %dma_start3A_540] : memref<16384x56x128xf32, #tpu.memory_space<hbm>> -> memref<1x50x64xf32, #tpu.memory_space<hbm>>
    %dma_start3A_542 = tpu.memref_squeeze %dma_start3A_541 : memref<1x50x64xf32, #tpu.memory_space<hbm>> -> memref<50x64xf32, #tpu.memory_space<hbm>>
    %dma_start3A_543 = arith.constant 0 : i32
    %dma_start3A_544 = arith.constant 0 : i32
    %dma_start3A_545 = tpu.memref_slice %arg6[%dma_start3A_527, %dma_start3A_543, %dma_start3A_544] : memref<4x100x64xf32, #tpu.memory_space<vmem>> -> memref<1x100x64xf32, #tpu.memory_space<vmem>>
    %dma_start3A_546 = tpu.memref_squeeze %dma_start3A_545 : memref<1x100x64xf32, #tpu.memory_space<vmem>> -> memref<100x64xf32, #tpu.memory_space<vmem>>
    %dma_start3A_547 = arith.constant 50 : i32
    %dma_start3A_548 = arith.constant 0 : i32
    %dma_start3A_549 = tpu.memref_slice %dma_start3A_546[%dma_start3A_547, %dma_start3A_548] : memref<100x64xf32, #tpu.memory_space<vmem>> -> memref<50x64xf32, #tpu.memory_space<vmem>>
    tpu.enqueue_dma source(%dma_start3A_549 : memref<50x64xf32, #tpu.memory_space<vmem>>) target(%dma_start3A_542 : memref<50x64xf32, #tpu.memory_space<hbm>>) target_semaphore(%arg11 : memref<!tpu.dma_semaphore, #tpu.memory_space<semaphore_mem>>)
    %add3A_550 = arith.constant 502 : i32
    %add3A_551 = arith.addi %mul3A_2, %add3A_550 : i32
    %add3A_552 = arith.constant 1 : i32
    %add3A_553 = arith.addi %add3A_551, %add3A_552 : i32
    %dma_wait3A_554 = arith.constant 3 : i32
    %dma_wait3A_555 = arith.constant 0 : i32
    %dma_wait3A_556 = arith.constant 0 : i32
    %dma_wait3A_557 = tpu.memref_slice %arg6[%dma_wait3A_554, %dma_wait3A_555, %dma_wait3A_556] : memref<4x100x64xf32, #tpu.memory_space<vmem>> -> memref<1x100x64xf32, #tpu.memory_space<vmem>>
    %dma_wait3A_558 = tpu.memref_squeeze %dma_wait3A_557 : memref<1x100x64xf32, #tpu.memory_space<vmem>> -> memref<100x64xf32, #tpu.memory_space<vmem>>
    %dma_wait3A_559 = arith.constant 0 : i32
    %dma_wait3A_560 = arith.constant 0 : i32
    %dma_wait3A_561 = tpu.memref_slice %dma_wait3A_558[%dma_wait3A_559, %dma_wait3A_560] : memref<100x64xf32, #tpu.memory_space<vmem>> -> memref<50x64xf32, #tpu.memory_space<vmem>>
    %dma_wait3A_562 = arith.constant 0 : i32
    %dma_wait3A_563 = arith.constant 0 : i32
    %dma_wait3A_564 = tpu.memref_slice %arg4[%add3A_551, %dma_wait3A_562, %dma_wait3A_563] : memref<16384x56x128xf32, #tpu.memory_space<hbm>> -> memref<1x50x64xf32, #tpu.memory_space<hbm>>
    %dma_wait3A_565 = tpu.memref_squeeze %dma_wait3A_564 : memref<1x50x64xf32, #tpu.memory_space<hbm>> -> memref<50x64xf32, #tpu.memory_space<hbm>>
    %dma_wait3A_566 = arith.constant 0 : i32
    %dma_wait3A_567 = arith.constant 0 : i32
    %dma_wait3A_568 = tpu.memref_slice %arg4[%add3A_551, %dma_wait3A_566, %dma_wait3A_567] : memref<16384x56x128xf32, #tpu.memory_space<hbm>> -> memref<1x50x64xf32, #tpu.memory_space<hbm>>
    %dma_wait3A_569 = tpu.memref_squeeze %dma_wait3A_568 : memref<1x50x64xf32, #tpu.memory_space<hbm>> -> memref<50x64xf32, #tpu.memory_space<hbm>>
    %dma_wait3A_570 = arith.constant 0 : i32
    %dma_wait3A_571 = arith.constant 0 : i32
    %dma_wait3A_572 = tpu.memref_slice %arg6[%dma_wait3A_554, %dma_wait3A_570, %dma_wait3A_571] : memref<4x100x64xf32, #tpu.memory_space<vmem>> -> memref<1x100x64xf32, #tpu.memory_space<vmem>>
    %dma_wait3A_573 = tpu.memref_squeeze %dma_wait3A_572 : memref<1x100x64xf32, #tpu.memory_space<vmem>> -> memref<100x64xf32, #tpu.memory_space<vmem>>
    %dma_wait3A_574 = arith.constant 0 : i32
    %dma_wait3A_575 = arith.constant 0 : i32
    %dma_wait3A_576 = tpu.memref_slice %dma_wait3A_573[%dma_wait3A_574, %dma_wait3A_575] : memref<100x64xf32, #tpu.memory_space<vmem>> -> memref<50x64xf32, #tpu.memory_space<vmem>>
    tpu.wait_dma2 semaphore(%arg14 : memref<!tpu.dma_semaphore, #tpu.memory_space<semaphore_mem>>) src(%dma_wait3A_576 : memref<50x64xf32, #tpu.memory_space<vmem>>) dst(%dma_wait3A_569 : memref<50x64xf32, #tpu.memory_space<hbm>>)
    %dma_wait3A_577 = arith.constant 3 : i32
    %dma_wait3A_578 = arith.constant 0 : i32
    %dma_wait3A_579 = arith.constant 0 : i32
    %dma_wait3A_580 = tpu.memref_slice %arg6[%dma_wait3A_577, %dma_wait3A_578, %dma_wait3A_579] : memref<4x100x64xf32, #tpu.memory_space<vmem>> -> memref<1x100x64xf32, #tpu.memory_space<vmem>>
    %dma_wait3A_581 = tpu.memref_squeeze %dma_wait3A_580 : memref<1x100x64xf32, #tpu.memory_space<vmem>> -> memref<100x64xf32, #tpu.memory_space<vmem>>
    %dma_wait3A_582 = arith.constant 50 : i32
    %dma_wait3A_583 = arith.constant 0 : i32
    %dma_wait3A_584 = tpu.memref_slice %dma_wait3A_581[%dma_wait3A_582, %dma_wait3A_583] : memref<100x64xf32, #tpu.memory_space<vmem>> -> memref<50x64xf32, #tpu.memory_space<vmem>>
    %dma_wait3A_585 = arith.constant 0 : i32
    %dma_wait3A_586 = arith.constant 0 : i32
    %dma_wait3A_587 = tpu.memref_slice %arg4[%add3A_553, %dma_wait3A_585, %dma_wait3A_586] : memref<16384x56x128xf32, #tpu.memory_space<hbm>> -> memref<1x50x64xf32, #tpu.memory_space<hbm>>
    %dma_wait3A_588 = tpu.memref_squeeze %dma_wait3A_587 : memref<1x50x64xf32, #tpu.memory_space<hbm>> -> memref<50x64xf32, #tpu.memory_space<hbm>>
    %dma_wait3A_589 = arith.constant 0 : i32
    %dma_wait3A_590 = arith.constant 0 : i32
    %dma_wait3A_591 = tpu.memref_slice %arg4[%add3A_553, %dma_wait3A_589, %dma_wait3A_590] : memref<16384x56x128xf32, #tpu.memory_space<hbm>> -> memref<1x50x64xf32, #tpu.memory_space<hbm>>
    %dma_wait3A_592 = tpu.memref_squeeze %dma_wait3A_591 : memref<1x50x64xf32, #tpu.memory_space<hbm>> -> memref<50x64xf32, #tpu.memory_space<hbm>>
    %dma_wait3A_593 = arith.constant 0 : i32
    %dma_wait3A_594 = arith.constant 0 : i32
    %dma_wait3A_595 = tpu.memref_slice %arg6[%dma_wait3A_577, %dma_wait3A_593, %dma_wait3A_594] : memref<4x100x64xf32, #tpu.memory_space<vmem>> -> memref<1x100x64xf32, #tpu.memory_space<vmem>>
    %dma_wait3A_596 = tpu.memref_squeeze %dma_wait3A_595 : memref<1x100x64xf32, #tpu.memory_space<vmem>> -> memref<100x64xf32, #tpu.memory_space<vmem>>
    %dma_wait3A_597 = arith.constant 50 : i32
    %dma_wait3A_598 = arith.constant 0 : i32
    %dma_wait3A_599 = tpu.memref_slice %dma_wait3A_596[%dma_wait3A_597, %dma_wait3A_598] : memref<100x64xf32, #tpu.memory_space<vmem>> -> memref<50x64xf32, #tpu.memory_space<vmem>>
    tpu.wait_dma2 semaphore(%arg14 : memref<!tpu.dma_semaphore, #tpu.memory_space<semaphore_mem>>) src(%dma_wait3A_599 : memref<50x64xf32, #tpu.memory_space<vmem>>) dst(%dma_wait3A_592 : memref<50x64xf32, #tpu.memory_space<hbm>>)
    %dma_start3A_600 = arith.constant 255 : i32
    %dma_start3A_601 = arith.constant 3 : i32
    %dma_start3A_602 = arith.constant 0 : i32
    %dma_start3A_603 = arith.constant 0 : i32
    %dma_start3A_604 = tpu.memref_slice %arg6[%dma_start3A_601, %dma_start3A_602, %dma_start3A_603] : memref<4x100x64xf32, #tpu.memory_space<vmem>> -> memref<1x100x64xf32, #tpu.memory_space<vmem>>
    %dma_start3A_605 = tpu.memref_squeeze %dma_start3A_604 : memref<1x100x64xf32, #tpu.memory_space<vmem>> -> memref<100x64xf32, #tpu.memory_space<vmem>>
    %dma_start3A_606 = arith.constant 0 : i32
    %dma_start3A_607 = tpu.memref_slice %arg5[%dma_start3A_600, %dma_start3A_606] : memref<256x100xi32, #tpu.memory_space<vmem>> -> memref<1x100xi32, #tpu.memory_space<vmem>>
    %dma_start3A_608 = tpu.memref_squeeze %dma_start3A_607 : memref<1x100xi32, #tpu.memory_space<vmem>> -> memref<100xi32, #tpu.memory_space<vmem>>
    %dma_start3A_609 = arith.constant 0 : i32
    %dma_start3A_610 = arith.constant 0 : i32
    %dma_start3A_611 = tpu.memref_slice %arg3[%dma_start3A_609, %dma_start3A_610] : memref<1000000x64xf32, #tpu.memory_space<hbm>> -> memref<1000000x64xf32, #tpu.memory_space<hbm>>
    tpu.enqueue_indirect_dma source(%dma_start3A_611 : memref<1000000x64xf32, #tpu.memory_space<hbm>>) target(%dma_start3A_605 : memref<100x64xf32, #tpu.memory_space<vmem>>) offsets(%dma_start3A_608 : memref<100xi32, #tpu.memory_space<vmem>>) semaphore(%arg10 : memref<!tpu.dma_semaphore, #tpu.memory_space<semaphore_mem>>)
    %dma_wait3A_612 = arith.constant 253 : i32
    %dma_wait3A_613 = arith.constant 1 : i32
    %dma_wait3A_614 = arith.constant 0 : i32
    %dma_wait3A_615 = arith.constant 0 : i32
    %dma_wait3A_616 = tpu.memref_slice %arg6[%dma_wait3A_613, %dma_wait3A_614, %dma_wait3A_615] : memref<4x100x64xf32, #tpu.memory_space<vmem>> -> memref<1x100x64xf32, #tpu.memory_space<vmem>>
    %dma_wait3A_617 = tpu.memref_squeeze %dma_wait3A_616 : memref<1x100x64xf32, #tpu.memory_space<vmem>> -> memref<100x64xf32, #tpu.memory_space<vmem>>
    %dma_wait3A_618 = arith.constant 0 : i32
    %dma_wait3A_619 = tpu.memref_slice %arg5[%dma_wait3A_612, %dma_wait3A_618] : memref<256x100xi32, #tpu.memory_space<vmem>> -> memref<1x100xi32, #tpu.memory_space<vmem>>
    %dma_wait3A_620 = tpu.memref_squeeze %dma_wait3A_619 : memref<1x100xi32, #tpu.memory_space<vmem>> -> memref<100xi32, #tpu.memory_space<vmem>>
    %dma_wait3A_621 = arith.constant 0 : i32
    %dma_wait3A_622 = arith.constant 0 : i32
    %dma_wait3A_623 = tpu.memref_slice %arg3[%dma_wait3A_621, %dma_wait3A_622] : memref<1000000x64xf32, #tpu.memory_space<hbm>> -> memref<1000000x64xf32, #tpu.memory_space<hbm>>
    tpu.wait_indirect_dma semaphore(%arg8 : memref<!tpu.dma_semaphore, #tpu.memory_space<semaphore_mem>>) src(%dma_wait3A_623 : memref<1000000x64xf32, #tpu.memory_space<hbm>>) dst(%dma_wait3A_617 : memref<100x64xf32, #tpu.memory_space<vmem>>)
    %add3A_624 = arith.constant 506 : i32
    %add3A_625 = arith.addi %mul3A_2, %add3A_624 : i32
    %add3A_626 = arith.constant 1 : i32
    %add3A_627 = arith.addi %add3A_625, %add3A_626 : i32
    %dma_start3A_628 = arith.constant 1 : i32
    %dma_start3A_629 = arith.constant 0 : i32
    %dma_start3A_630 = arith.constant 0 : i32
    %dma_start3A_631 = tpu.memref_slice %arg6[%dma_start3A_628, %dma_start3A_629, %dma_start3A_630] : memref<4x100x64xf32, #tpu.memory_space<vmem>> -> memref<1x100x64xf32, #tpu.memory_space<vmem>>
    %dma_start3A_632 = tpu.memref_squeeze %dma_start3A_631 : memref<1x100x64xf32, #tpu.memory_space<vmem>> -> memref<100x64xf32, #tpu.memory_space<vmem>>
    %dma_start3A_633 = arith.constant 0 : i32
    %dma_start3A_634 = arith.constant 0 : i32
    %dma_start3A_635 = tpu.memref_slice %dma_start3A_632[%dma_start3A_633, %dma_start3A_634] : memref<100x64xf32, #tpu.memory_space<vmem>> -> memref<50x64xf32, #tpu.memory_space<vmem>>
    %dma_start3A_636 = arith.constant 0 : i32
    %dma_start3A_637 = arith.constant 0 : i32
    %dma_start3A_638 = tpu.memref_slice %arg4[%add3A_625, %dma_start3A_636, %dma_start3A_637] : memref<16384x56x128xf32, #tpu.memory_space<hbm>> -> memref<1x50x64xf32, #tpu.memory_space<hbm>>
    %dma_start3A_639 = tpu.memref_squeeze %dma_start3A_638 : memref<1x50x64xf32, #tpu.memory_space<hbm>> -> memref<50x64xf32, #tpu.memory_space<hbm>>
    %dma_start3A_640 = arith.constant 0 : i32
    %dma_start3A_641 = arith.constant 0 : i32
    %dma_start3A_642 = tpu.memref_slice %arg4[%add3A_625, %dma_start3A_640, %dma_start3A_641] : memref<16384x56x128xf32, #tpu.memory_space<hbm>> -> memref<1x50x64xf32, #tpu.memory_space<hbm>>
    %dma_start3A_643 = tpu.memref_squeeze %dma_start3A_642 : memref<1x50x64xf32, #tpu.memory_space<hbm>> -> memref<50x64xf32, #tpu.memory_space<hbm>>
    %dma_start3A_644 = arith.constant 0 : i32
    %dma_start3A_645 = arith.constant 0 : i32
    %dma_start3A_646 = tpu.memref_slice %arg6[%dma_start3A_628, %dma_start3A_644, %dma_start3A_645] : memref<4x100x64xf32, #tpu.memory_space<vmem>> -> memref<1x100x64xf32, #tpu.memory_space<vmem>>
    %dma_start3A_647 = tpu.memref_squeeze %dma_start3A_646 : memref<1x100x64xf32, #tpu.memory_space<vmem>> -> memref<100x64xf32, #tpu.memory_space<vmem>>
    %dma_start3A_648 = arith.constant 0 : i32
    %dma_start3A_649 = arith.constant 0 : i32
    %dma_start3A_650 = tpu.memref_slice %dma_start3A_647[%dma_start3A_648, %dma_start3A_649] : memref<100x64xf32, #tpu.memory_space<vmem>> -> memref<50x64xf32, #tpu.memory_space<vmem>>
    tpu.enqueue_dma source(%dma_start3A_650 : memref<50x64xf32, #tpu.memory_space<vmem>>) target(%dma_start3A_643 : memref<50x64xf32, #tpu.memory_space<hbm>>) target_semaphore(%arg12 : memref<!tpu.dma_semaphore, #tpu.memory_space<semaphore_mem>>)
    %dma_start3A_651 = arith.constant 1 : i32
    %dma_start3A_652 = arith.constant 0 : i32
    %dma_start3A_653 = arith.constant 0 : i32
    %dma_start3A_654 = tpu.memref_slice %arg6[%dma_start3A_651, %dma_start3A_652, %dma_start3A_653] : memref<4x100x64xf32, #tpu.memory_space<vmem>> -> memref<1x100x64xf32, #tpu.memory_space<vmem>>
    %dma_start3A_655 = tpu.memref_squeeze %dma_start3A_654 : memref<1x100x64xf32, #tpu.memory_space<vmem>> -> memref<100x64xf32, #tpu.memory_space<vmem>>
    %dma_start3A_656 = arith.constant 50 : i32
    %dma_start3A_657 = arith.constant 0 : i32
    %dma_start3A_658 = tpu.memref_slice %dma_start3A_655[%dma_start3A_656, %dma_start3A_657] : memref<100x64xf32, #tpu.memory_space<vmem>> -> memref<50x64xf32, #tpu.memory_space<vmem>>
    %dma_start3A_659 = arith.constant 0 : i32
    %dma_start3A_660 = arith.constant 0 : i32
    %dma_start3A_661 = tpu.memref_slice %arg4[%add3A_627, %dma_start3A_659, %dma_start3A_660] : memref<16384x56x128xf32, #tpu.memory_space<hbm>> -> memref<1x50x64xf32, #tpu.memory_space<hbm>>
    %dma_start3A_662 = tpu.memref_squeeze %dma_start3A_661 : memref<1x50x64xf32, #tpu.memory_space<hbm>> -> memref<50x64xf32, #tpu.memory_space<hbm>>
    %dma_start3A_663 = arith.constant 0 : i32
    %dma_start3A_664 = arith.constant 0 : i32
    %dma_start3A_665 = tpu.memref_slice %arg4[%add3A_627, %dma_start3A_663, %dma_start3A_664] : memref<16384x56x128xf32, #tpu.memory_space<hbm>> -> memref<1x50x64xf32, #tpu.memory_space<hbm>>
    %dma_start3A_666 = tpu.memref_squeeze %dma_start3A_665 : memref<1x50x64xf32, #tpu.memory_space<hbm>> -> memref<50x64xf32, #tpu.memory_space<hbm>>
    %dma_start3A_667 = arith.constant 0 : i32
    %dma_start3A_668 = arith.constant 0 : i32
    %dma_start3A_669 = tpu.memref_slice %arg6[%dma_start3A_651, %dma_start3A_667, %dma_start3A_668] : memref<4x100x64xf32, #tpu.memory_space<vmem>> -> memref<1x100x64xf32, #tpu.memory_space<vmem>>
    %dma_start3A_670 = tpu.memref_squeeze %dma_start3A_669 : memref<1x100x64xf32, #tpu.memory_space<vmem>> -> memref<100x64xf32, #tpu.memory_space<vmem>>
    %dma_start3A_671 = arith.constant 50 : i32
    %dma_start3A_672 = arith.constant 0 : i32
    %dma_start3A_673 = tpu.memref_slice %dma_start3A_670[%dma_start3A_671, %dma_start3A_672] : memref<100x64xf32, #tpu.memory_space<vmem>> -> memref<50x64xf32, #tpu.memory_space<vmem>>
    tpu.enqueue_dma source(%dma_start3A_673 : memref<50x64xf32, #tpu.memory_space<vmem>>) target(%dma_start3A_666 : memref<50x64xf32, #tpu.memory_space<hbm>>) target_semaphore(%arg12 : memref<!tpu.dma_semaphore, #tpu.memory_space<semaphore_mem>>)
    %dma_wait3A_674 = arith.constant 254 : i32
    %dma_wait3A_675 = arith.constant 2 : i32
    %dma_wait3A_676 = arith.constant 0 : i32
    %dma_wait3A_677 = arith.constant 0 : i32
    %dma_wait3A_678 = tpu.memref_slice %arg6[%dma_wait3A_675, %dma_wait3A_676, %dma_wait3A_677] : memref<4x100x64xf32, #tpu.memory_space<vmem>> -> memref<1x100x64xf32, #tpu.memory_space<vmem>>
    %dma_wait3A_679 = tpu.memref_squeeze %dma_wait3A_678 : memref<1x100x64xf32, #tpu.memory_space<vmem>> -> memref<100x64xf32, #tpu.memory_space<vmem>>
    %dma_wait3A_680 = arith.constant 0 : i32
    %dma_wait3A_681 = tpu.memref_slice %arg5[%dma_wait3A_674, %dma_wait3A_680] : memref<256x100xi32, #tpu.memory_space<vmem>> -> memref<1x100xi32, #tpu.memory_space<vmem>>
    %dma_wait3A_682 = tpu.memref_squeeze %dma_wait3A_681 : memref<1x100xi32, #tpu.memory_space<vmem>> -> memref<100xi32, #tpu.memory_space<vmem>>
    %dma_wait3A_683 = arith.constant 0 : i32
    %dma_wait3A_684 = arith.constant 0 : i32
    %dma_wait3A_685 = tpu.memref_slice %arg3[%dma_wait3A_683, %dma_wait3A_684] : memref<1000000x64xf32, #tpu.memory_space<hbm>> -> memref<1000000x64xf32, #tpu.memory_space<hbm>>
    tpu.wait_indirect_dma semaphore(%arg9 : memref<!tpu.dma_semaphore, #tpu.memory_space<semaphore_mem>>) src(%dma_wait3A_685 : memref<1000000x64xf32, #tpu.memory_space<hbm>>) dst(%dma_wait3A_679 : memref<100x64xf32, #tpu.memory_space<vmem>>)
    %add3A_686 = arith.constant 508 : i32
    %add3A_687 = arith.addi %mul3A_2, %add3A_686 : i32
    %add3A_688 = arith.constant 1 : i32
    %add3A_689 = arith.addi %add3A_687, %add3A_688 : i32
    %dma_start3A_690 = arith.constant 2 : i32
    %dma_start3A_691 = arith.constant 0 : i32
    %dma_start3A_692 = arith.constant 0 : i32
    %dma_start3A_693 = tpu.memref_slice %arg6[%dma_start3A_690, %dma_start3A_691, %dma_start3A_692] : memref<4x100x64xf32, #tpu.memory_space<vmem>> -> memref<1x100x64xf32, #tpu.memory_space<vmem>>
    %dma_start3A_694 = tpu.memref_squeeze %dma_start3A_693 : memref<1x100x64xf32, #tpu.memory_space<vmem>> -> memref<100x64xf32, #tpu.memory_space<vmem>>
    %dma_start3A_695 = arith.constant 0 : i32
    %dma_start3A_696 = arith.constant 0 : i32
    %dma_start3A_697 = tpu.memref_slice %dma_start3A_694[%dma_start3A_695, %dma_start3A_696] : memref<100x64xf32, #tpu.memory_space<vmem>> -> memref<50x64xf32, #tpu.memory_space<vmem>>
    %dma_start3A_698 = arith.constant 0 : i32
    %dma_start3A_699 = arith.constant 0 : i32
    %dma_start3A_700 = tpu.memref_slice %arg4[%add3A_687, %dma_start3A_698, %dma_start3A_699] : memref<16384x56x128xf32, #tpu.memory_space<hbm>> -> memref<1x50x64xf32, #tpu.memory_space<hbm>>
    %dma_start3A_701 = tpu.memref_squeeze %dma_start3A_700 : memref<1x50x64xf32, #tpu.memory_space<hbm>> -> memref<50x64xf32, #tpu.memory_space<hbm>>
    %dma_start3A_702 = arith.constant 0 : i32
    %dma_start3A_703 = arith.constant 0 : i32
    %dma_start3A_704 = tpu.memref_slice %arg4[%add3A_687, %dma_start3A_702, %dma_start3A_703] : memref<16384x56x128xf32, #tpu.memory_space<hbm>> -> memref<1x50x64xf32, #tpu.memory_space<hbm>>
    %dma_start3A_705 = tpu.memref_squeeze %dma_start3A_704 : memref<1x50x64xf32, #tpu.memory_space<hbm>> -> memref<50x64xf32, #tpu.memory_space<hbm>>
    %dma_start3A_706 = arith.constant 0 : i32
    %dma_start3A_707 = arith.constant 0 : i32
    %dma_start3A_708 = tpu.memref_slice %arg6[%dma_start3A_690, %dma_start3A_706, %dma_start3A_707] : memref<4x100x64xf32, #tpu.memory_space<vmem>> -> memref<1x100x64xf32, #tpu.memory_space<vmem>>
    %dma_start3A_709 = tpu.memref_squeeze %dma_start3A_708 : memref<1x100x64xf32, #tpu.memory_space<vmem>> -> memref<100x64xf32, #tpu.memory_space<vmem>>
    %dma_start3A_710 = arith.constant 0 : i32
    %dma_start3A_711 = arith.constant 0 : i32
    %dma_start3A_712 = tpu.memref_slice %dma_start3A_709[%dma_start3A_710, %dma_start3A_711] : memref<100x64xf32, #tpu.memory_space<vmem>> -> memref<50x64xf32, #tpu.memory_space<vmem>>
    tpu.enqueue_dma source(%dma_start3A_712 : memref<50x64xf32, #tpu.memory_space<vmem>>) target(%dma_start3A_705 : memref<50x64xf32, #tpu.memory_space<hbm>>) target_semaphore(%arg13 : memref<!tpu.dma_semaphore, #tpu.memory_space<semaphore_mem>>)
    %dma_start3A_713 = arith.constant 2 : i32
    %dma_start3A_714 = arith.constant 0 : i32
    %dma_start3A_715 = arith.constant 0 : i32
    %dma_start3A_716 = tpu.memref_slice %arg6[%dma_start3A_713, %dma_start3A_714, %dma_start3A_715] : memref<4x100x64xf32, #tpu.memory_space<vmem>> -> memref<1x100x64xf32, #tpu.memory_space<vmem>>
    %dma_start3A_717 = tpu.memref_squeeze %dma_start3A_716 : memref<1x100x64xf32, #tpu.memory_space<vmem>> -> memref<100x64xf32, #tpu.memory_space<vmem>>
    %dma_start3A_718 = arith.constant 50 : i32
    %dma_start3A_719 = arith.constant 0 : i32
    %dma_start3A_720 = tpu.memref_slice %dma_start3A_717[%dma_start3A_718, %dma_start3A_719] : memref<100x64xf32, #tpu.memory_space<vmem>> -> memref<50x64xf32, #tpu.memory_space<vmem>>
    %dma_start3A_721 = arith.constant 0 : i32
    %dma_start3A_722 = arith.constant 0 : i32
    %dma_start3A_723 = tpu.memref_slice %arg4[%add3A_689, %dma_start3A_721, %dma_start3A_722] : memref<16384x56x128xf32, #tpu.memory_space<hbm>> -> memref<1x50x64xf32, #tpu.memory_space<hbm>>
    %dma_start3A_724 = tpu.memref_squeeze %dma_start3A_723 : memref<1x50x64xf32, #tpu.memory_space<hbm>> -> memref<50x64xf32, #tpu.memory_space<hbm>>
    %dma_start3A_725 = arith.constant 0 : i32
    %dma_start3A_726 = arith.constant 0 : i32
    %dma_start3A_727 = tpu.memref_slice %arg4[%add3A_689, %dma_start3A_725, %dma_start3A_726] : memref<16384x56x128xf32, #tpu.memory_space<hbm>> -> memref<1x50x64xf32, #tpu.memory_space<hbm>>
    %dma_start3A_728 = tpu.memref_squeeze %dma_start3A_727 : memref<1x50x64xf32, #tpu.memory_space<hbm>> -> memref<50x64xf32, #tpu.memory_space<hbm>>
    %dma_start3A_729 = arith.constant 0 : i32
    %dma_start3A_730 = arith.constant 0 : i32
    %dma_start3A_731 = tpu.memref_slice %arg6[%dma_start3A_713, %dma_start3A_729, %dma_start3A_730] : memref<4x100x64xf32, #tpu.memory_space<vmem>> -> memref<1x100x64xf32, #tpu.memory_space<vmem>>
    %dma_start3A_732 = tpu.memref_squeeze %dma_start3A_731 : memref<1x100x64xf32, #tpu.memory_space<vmem>> -> memref<100x64xf32, #tpu.memory_space<vmem>>
    %dma_start3A_733 = arith.constant 50 : i32
    %dma_start3A_734 = arith.constant 0 : i32
    %dma_start3A_735 = tpu.memref_slice %dma_start3A_732[%dma_start3A_733, %dma_start3A_734] : memref<100x64xf32, #tpu.memory_space<vmem>> -> memref<50x64xf32, #tpu.memory_space<vmem>>
    tpu.enqueue_dma source(%dma_start3A_735 : memref<50x64xf32, #tpu.memory_space<vmem>>) target(%dma_start3A_728 : memref<50x64xf32, #tpu.memory_space<hbm>>) target_semaphore(%arg13 : memref<!tpu.dma_semaphore, #tpu.memory_space<semaphore_mem>>)
    %dma_wait3A_736 = arith.constant 255 : i32
    %dma_wait3A_737 = arith.constant 3 : i32
    %dma_wait3A_738 = arith.constant 0 : i32
    %dma_wait3A_739 = arith.constant 0 : i32
    %dma_wait3A_740 = tpu.memref_slice %arg6[%dma_wait3A_737, %dma_wait3A_738, %dma_wait3A_739] : memref<4x100x64xf32, #tpu.memory_space<vmem>> -> memref<1x100x64xf32, #tpu.memory_space<vmem>>
    %dma_wait3A_741 = tpu.memref_squeeze %dma_wait3A_740 : memref<1x100x64xf32, #tpu.memory_space<vmem>> -> memref<100x64xf32, #tpu.memory_space<vmem>>
    %dma_wait3A_742 = arith.constant 0 : i32
    %dma_wait3A_743 = tpu.memref_slice %arg5[%dma_wait3A_736, %dma_wait3A_742] : memref<256x100xi32, #tpu.memory_space<vmem>> -> memref<1x100xi32, #tpu.memory_space<vmem>>
    %dma_wait3A_744 = tpu.memref_squeeze %dma_wait3A_743 : memref<1x100xi32, #tpu.memory_space<vmem>> -> memref<100xi32, #tpu.memory_space<vmem>>
    %dma_wait3A_745 = arith.constant 0 : i32
    %dma_wait3A_746 = arith.constant 0 : i32
    %dma_wait3A_747 = tpu.memref_slice %arg3[%dma_wait3A_745, %dma_wait3A_746] : memref<1000000x64xf32, #tpu.memory_space<hbm>> -> memref<1000000x64xf32, #tpu.memory_space<hbm>>
    tpu.wait_indirect_dma semaphore(%arg10 : memref<!tpu.dma_semaphore, #tpu.memory_space<semaphore_mem>>) src(%dma_wait3A_747 : memref<1000000x64xf32, #tpu.memory_space<hbm>>) dst(%dma_wait3A_741 : memref<100x64xf32, #tpu.memory_space<vmem>>)
    %add3A_748 = arith.constant 510 : i32
    %add3A_749 = arith.addi %mul3A_2, %add3A_748 : i32
    %add3A_750 = arith.constant 1 : i32
    %add3A_751 = arith.addi %add3A_749, %add3A_750 : i32
    %dma_start3A_752 = arith.constant 3 : i32
    %dma_start3A_753 = arith.constant 0 : i32
    %dma_start3A_754 = arith.constant 0 : i32
    %dma_start3A_755 = tpu.memref_slice %arg6[%dma_start3A_752, %dma_start3A_753, %dma_start3A_754] : memref<4x100x64xf32, #tpu.memory_space<vmem>> -> memref<1x100x64xf32, #tpu.memory_space<vmem>>
    %dma_start3A_756 = tpu.memref_squeeze %dma_start3A_755 : memref<1x100x64xf32, #tpu.memory_space<vmem>> -> memref<100x64xf32, #tpu.memory_space<vmem>>
    %dma_start3A_757 = arith.constant 0 : i32
    %dma_start3A_758 = arith.constant 0 : i32
    %dma_start3A_759 = tpu.memref_slice %dma_start3A_756[%dma_start3A_757, %dma_start3A_758] : memref<100x64xf32, #tpu.memory_space<vmem>> -> memref<50x64xf32, #tpu.memory_space<vmem>>
    %dma_start3A_760 = arith.constant 0 : i32
    %dma_start3A_761 = arith.constant 0 : i32
    %dma_start3A_762 = tpu.memref_slice %arg4[%add3A_749, %dma_start3A_760, %dma_start3A_761] : memref<16384x56x128xf32, #tpu.memory_space<hbm>> -> memref<1x50x64xf32, #tpu.memory_space<hbm>>
    %dma_start3A_763 = tpu.memref_squeeze %dma_start3A_762 : memref<1x50x64xf32, #tpu.memory_space<hbm>> -> memref<50x64xf32, #tpu.memory_space<hbm>>
    %dma_start3A_764 = arith.constant 0 : i32
    %dma_start3A_765 = arith.constant 0 : i32
    %dma_start3A_766 = tpu.memref_slice %arg4[%add3A_749, %dma_start3A_764, %dma_start3A_765] : memref<16384x56x128xf32, #tpu.memory_space<hbm>> -> memref<1x50x64xf32, #tpu.memory_space<hbm>>
    %dma_start3A_767 = tpu.memref_squeeze %dma_start3A_766 : memref<1x50x64xf32, #tpu.memory_space<hbm>> -> memref<50x64xf32, #tpu.memory_space<hbm>>
    %dma_start3A_768 = arith.constant 0 : i32
    %dma_start3A_769 = arith.constant 0 : i32
    %dma_start3A_770 = tpu.memref_slice %arg6[%dma_start3A_752, %dma_start3A_768, %dma_start3A_769] : memref<4x100x64xf32, #tpu.memory_space<vmem>> -> memref<1x100x64xf32, #tpu.memory_space<vmem>>
    %dma_start3A_771 = tpu.memref_squeeze %dma_start3A_770 : memref<1x100x64xf32, #tpu.memory_space<vmem>> -> memref<100x64xf32, #tpu.memory_space<vmem>>
    %dma_start3A_772 = arith.constant 0 : i32
    %dma_start3A_773 = arith.constant 0 : i32
    %dma_start3A_774 = tpu.memref_slice %dma_start3A_771[%dma_start3A_772, %dma_start3A_773] : memref<100x64xf32, #tpu.memory_space<vmem>> -> memref<50x64xf32, #tpu.memory_space<vmem>>
    tpu.enqueue_dma source(%dma_start3A_774 : memref<50x64xf32, #tpu.memory_space<vmem>>) target(%dma_start3A_767 : memref<50x64xf32, #tpu.memory_space<hbm>>) target_semaphore(%arg14 : memref<!tpu.dma_semaphore, #tpu.memory_space<semaphore_mem>>)
    %dma_start3A_775 = arith.constant 3 : i32
    %dma_start3A_776 = arith.constant 0 : i32
    %dma_start3A_777 = arith.constant 0 : i32
    %dma_start3A_778 = tpu.memref_slice %arg6[%dma_start3A_775, %dma_start3A_776, %dma_start3A_777] : memref<4x100x64xf32, #tpu.memory_space<vmem>> -> memref<1x100x64xf32, #tpu.memory_space<vmem>>
    %dma_start3A_779 = tpu.memref_squeeze %dma_start3A_778 : memref<1x100x64xf32, #tpu.memory_space<vmem>> -> memref<100x64xf32, #tpu.memory_space<vmem>>
    %dma_start3A_780 = arith.constant 50 : i32
    %dma_start3A_781 = arith.constant 0 : i32
    %dma_start3A_782 = tpu.memref_slice %dma_start3A_779[%dma_start3A_780, %dma_start3A_781] : memref<100x64xf32, #tpu.memory_space<vmem>> -> memref<50x64xf32, #tpu.memory_space<vmem>>
    %dma_start3A_783 = arith.constant 0 : i32
    %dma_start3A_784 = arith.constant 0 : i32
    %dma_start3A_785 = tpu.memref_slice %arg4[%add3A_751, %dma_start3A_783, %dma_start3A_784] : memref<16384x56x128xf32, #tpu.memory_space<hbm>> -> memref<1x50x64xf32, #tpu.memory_space<hbm>>
    %dma_start3A_786 = tpu.memref_squeeze %dma_start3A_785 : memref<1x50x64xf32, #tpu.memory_space<hbm>> -> memref<50x64xf32, #tpu.memory_space<hbm>>
    %dma_start3A_787 = arith.constant 0 : i32
    %dma_start3A_788 = arith.constant 0 : i32
    %dma_start3A_789 = tpu.memref_slice %arg4[%add3A_751, %dma_start3A_787, %dma_start3A_788] : memref<16384x56x128xf32, #tpu.memory_space<hbm>> -> memref<1x50x64xf32, #tpu.memory_space<hbm>>
    %dma_start3A_790 = tpu.memref_squeeze %dma_start3A_789 : memref<1x50x64xf32, #tpu.memory_space<hbm>> -> memref<50x64xf32, #tpu.memory_space<hbm>>
    %dma_start3A_791 = arith.constant 0 : i32
    %dma_start3A_792 = arith.constant 0 : i32
    %dma_start3A_793 = tpu.memref_slice %arg6[%dma_start3A_775, %dma_start3A_791, %dma_start3A_792] : memref<4x100x64xf32, #tpu.memory_space<vmem>> -> memref<1x100x64xf32, #tpu.memory_space<vmem>>
    %dma_start3A_794 = tpu.memref_squeeze %dma_start3A_793 : memref<1x100x64xf32, #tpu.memory_space<vmem>> -> memref<100x64xf32, #tpu.memory_space<vmem>>
    %dma_start3A_795 = arith.constant 50 : i32
    %dma_start3A_796 = arith.constant 0 : i32
    %dma_start3A_797 = tpu.memref_slice %dma_start3A_794[%dma_start3A_795, %dma_start3A_796] : memref<100x64xf32, #tpu.memory_space<vmem>> -> memref<50x64xf32, #tpu.memory_space<vmem>>
    tpu.enqueue_dma source(%dma_start3A_797 : memref<50x64xf32, #tpu.memory_space<vmem>>) target(%dma_start3A_790 : memref<50x64xf32, #tpu.memory_space<hbm>>) target_semaphore(%arg14 : memref<!tpu.dma_semaphore, #tpu.memory_space<semaphore_mem>>)
    %add3A_798 = arith.constant 504 : i32
    %add3A_799 = arith.addi %mul3A_2, %add3A_798 : i32
    %add3A_800 = arith.constant 1 : i32
    %add3A_801 = arith.addi %add3A_799, %add3A_800 : i32
    %dma_wait3A_802 = arith.constant 0 : i32
    %dma_wait3A_803 = arith.constant 0 : i32
    %dma_wait3A_804 = arith.constant 0 : i32
    %dma_wait3A_805 = tpu.memref_slice %arg6[%dma_wait3A_802, %dma_wait3A_803, %dma_wait3A_804] : memref<4x100x64xf32, #tpu.memory_space<vmem>> -> memref<1x100x64xf32, #tpu.memory_space<vmem>>
    %dma_wait3A_806 = tpu.memref_squeeze %dma_wait3A_805 : memref<1x100x64xf32, #tpu.memory_space<vmem>> -> memref<100x64xf32, #tpu.memory_space<vmem>>
    %dma_wait3A_807 = arith.constant 0 : i32
    %dma_wait3A_808 = arith.constant 0 : i32
    %dma_wait3A_809 = tpu.memref_slice %dma_wait3A_806[%dma_wait3A_807, %dma_wait3A_808] : memref<100x64xf32, #tpu.memory_space<vmem>> -> memref<50x64xf32, #tpu.memory_space<vmem>>
    %dma_wait3A_810 = arith.constant 0 : i32
    %dma_wait3A_811 = arith.constant 0 : i32
    %dma_wait3A_812 = tpu.memref_slice %arg4[%add3A_799, %dma_wait3A_810, %dma_wait3A_811] : memref<16384x56x128xf32, #tpu.memory_space<hbm>> -> memref<1x50x64xf32, #tpu.memory_space<hbm>>
    %dma_wait3A_813 = tpu.memref_squeeze %dma_wait3A_812 : memref<1x50x64xf32, #tpu.memory_space<hbm>> -> memref<50x64xf32, #tpu.memory_space<hbm>>
    %dma_wait3A_814 = arith.constant 0 : i32
    %dma_wait3A_815 = arith.constant 0 : i32
    %dma_wait3A_816 = tpu.memref_slice %arg4[%add3A_799, %dma_wait3A_814, %dma_wait3A_815] : memref<16384x56x128xf32, #tpu.memory_space<hbm>> -> memref<1x50x64xf32, #tpu.memory_space<hbm>>
    %dma_wait3A_817 = tpu.memref_squeeze %dma_wait3A_816 : memref<1x50x64xf32, #tpu.memory_space<hbm>> -> memref<50x64xf32, #tpu.memory_space<hbm>>
    %dma_wait3A_818 = arith.constant 0 : i32
    %dma_wait3A_819 = arith.constant 0 : i32
    %dma_wait3A_820 = tpu.memref_slice %arg6[%dma_wait3A_802, %dma_wait3A_818, %dma_wait3A_819] : memref<4x100x64xf32, #tpu.memory_space<vmem>> -> memref<1x100x64xf32, #tpu.memory_space<vmem>>
    %dma_wait3A_821 = tpu.memref_squeeze %dma_wait3A_820 : memref<1x100x64xf32, #tpu.memory_space<vmem>> -> memref<100x64xf32, #tpu.memory_space<vmem>>
    %dma_wait3A_822 = arith.constant 0 : i32
    %dma_wait3A_823 = arith.constant 0 : i32
    %dma_wait3A_824 = tpu.memref_slice %dma_wait3A_821[%dma_wait3A_822, %dma_wait3A_823] : memref<100x64xf32, #tpu.memory_space<vmem>> -> memref<50x64xf32, #tpu.memory_space<vmem>>
    tpu.wait_dma2 semaphore(%arg11 : memref<!tpu.dma_semaphore, #tpu.memory_space<semaphore_mem>>) src(%dma_wait3A_824 : memref<50x64xf32, #tpu.memory_space<vmem>>) dst(%dma_wait3A_817 : memref<50x64xf32, #tpu.memory_space<hbm>>)
    %dma_wait3A_825 = arith.constant 0 : i32
    %dma_wait3A_826 = arith.constant 0 : i32
    %dma_wait3A_827 = arith.constant 0 : i32
    %dma_wait3A_828 = tpu.memref_slice %arg6[%dma_wait3A_825, %dma_wait3A_826, %dma_wait3A_827] : memref<4x100x64xf32, #tpu.memory_space<vmem>> -> memref<1x100x64xf32, #tpu.memory_space<vmem>>
    %dma_wait3A_829 = tpu.memref_squeeze %dma_wait3A_828 : memref<1x100x64xf32, #tpu.memory_space<vmem>> -> memref<100x64xf32, #tpu.memory_space<vmem>>
    %dma_wait3A_830 = arith.constant 50 : i32
    %dma_wait3A_831 = arith.constant 0 : i32
    %dma_wait3A_832 = tpu.memref_slice %dma_wait3A_829[%dma_wait3A_830, %dma_wait3A_831] : memref<100x64xf32, #tpu.memory_space<vmem>> -> memref<50x64xf32, #tpu.memory_space<vmem>>
    %dma_wait3A_833 = arith.constant 0 : i32
    %dma_wait3A_834 = arith.constant 0 : i32
    %dma_wait3A_835 = tpu.memref_slice %arg4[%add3A_801, %dma_wait3A_833, %dma_wait3A_834] : memref<16384x56x128xf32, #tpu.memory_space<hbm>> -> memref<1x50x64xf32, #tpu.memory_space<hbm>>
    %dma_wait3A_836 = tpu.memref_squeeze %dma_wait3A_835 : memref<1x50x64xf32, #tpu.memory_space<hbm>> -> memref<50x64xf32, #tpu.memory_space<hbm>>
    %dma_wait3A_837 = arith.constant 0 : i32
    %dma_wait3A_838 = arith.constant 0 : i32
    %dma_wait3A_839 = tpu.memref_slice %arg4[%add3A_801, %dma_wait3A_837, %dma_wait3A_838] : memref<16384x56x128xf32, #tpu.memory_space<hbm>> -> memref<1x50x64xf32, #tpu.memory_space<hbm>>
    %dma_wait3A_840 = tpu.memref_squeeze %dma_wait3A_839 : memref<1x50x64xf32, #tpu.memory_space<hbm>> -> memref<50x64xf32, #tpu.memory_space<hbm>>
    %dma_wait3A_841 = arith.constant 0 : i32
    %dma_wait3A_842 = arith.constant 0 : i32
    %dma_wait3A_843 = tpu.memref_slice %arg6[%dma_wait3A_825, %dma_wait3A_841, %dma_wait3A_842] : memref<4x100x64xf32, #tpu.memory_space<vmem>> -> memref<1x100x64xf32, #tpu.memory_space<vmem>>
    %dma_wait3A_844 = tpu.memref_squeeze %dma_wait3A_843 : memref<1x100x64xf32, #tpu.memory_space<vmem>> -> memref<100x64xf32, #tpu.memory_space<vmem>>
    %dma_wait3A_845 = arith.constant 50 : i32
    %dma_wait3A_846 = arith.constant 0 : i32
    %dma_wait3A_847 = tpu.memref_slice %dma_wait3A_844[%dma_wait3A_845, %dma_wait3A_846] : memref<100x64xf32, #tpu.memory_space<vmem>> -> memref<50x64xf32, #tpu.memory_space<vmem>>
    tpu.wait_dma2 semaphore(%arg11 : memref<!tpu.dma_semaphore, #tpu.memory_space<semaphore_mem>>) src(%dma_wait3A_847 : memref<50x64xf32, #tpu.memory_space<vmem>>) dst(%dma_wait3A_840 : memref<50x64xf32, #tpu.memory_space<hbm>>)
    %add3A_848 = arith.constant 506 : i32
    %add3A_849 = arith.addi %mul3A_2, %add3A_848 : i32
    %add3A_850 = arith.constant 1 : i32
    %add3A_851 = arith.addi %add3A_849, %add3A_850 : i32
    %dma_wait3A_852 = arith.constant 1 : i32
    %dma_wait3A_853 = arith.constant 0 : i32
    %dma_wait3A_854 = arith.constant 0 : i32
    %dma_wait3A_855 = tpu.memref_slice %arg6[%dma_wait3A_852, %dma_wait3A_853, %dma_wait3A_854] : memref<4x100x64xf32, #tpu.memory_space<vmem>> -> memref<1x100x64xf32, #tpu.memory_space<vmem>>
    %dma_wait3A_856 = tpu.memref_squeeze %dma_wait3A_855 : memref<1x100x64xf32, #tpu.memory_space<vmem>> -> memref<100x64xf32, #tpu.memory_space<vmem>>
    %dma_wait3A_857 = arith.constant 0 : i32
    %dma_wait3A_858 = arith.constant 0 : i32
    %dma_wait3A_859 = tpu.memref_slice %dma_wait3A_856[%dma_wait3A_857, %dma_wait3A_858] : memref<100x64xf32, #tpu.memory_space<vmem>> -> memref<50x64xf32, #tpu.memory_space<vmem>>
    %dma_wait3A_860 = arith.constant 0 : i32
    %dma_wait3A_861 = arith.constant 0 : i32
    %dma_wait3A_862 = tpu.memref_slice %arg4[%add3A_849, %dma_wait3A_860, %dma_wait3A_861] : memref<16384x56x128xf32, #tpu.memory_space<hbm>> -> memref<1x50x64xf32, #tpu.memory_space<hbm>>
    %dma_wait3A_863 = tpu.memref_squeeze %dma_wait3A_862 : memref<1x50x64xf32, #tpu.memory_space<hbm>> -> memref<50x64xf32, #tpu.memory_space<hbm>>
    %dma_wait3A_864 = arith.constant 0 : i32
    %dma_wait3A_865 = arith.constant 0 : i32
    %dma_wait3A_866 = tpu.memref_slice %arg4[%add3A_849, %dma_wait3A_864, %dma_wait3A_865] : memref<16384x56x128xf32, #tpu.memory_space<hbm>> -> memref<1x50x64xf32, #tpu.memory_space<hbm>>
    %dma_wait3A_867 = tpu.memref_squeeze %dma_wait3A_866 : memref<1x50x64xf32, #tpu.memory_space<hbm>> -> memref<50x64xf32, #tpu.memory_space<hbm>>
    %dma_wait3A_868 = arith.constant 0 : i32
    %dma_wait3A_869 = arith.constant 0 : i32
    %dma_wait3A_870 = tpu.memref_slice %arg6[%dma_wait3A_852, %dma_wait3A_868, %dma_wait3A_869] : memref<4x100x64xf32, #tpu.memory_space<vmem>> -> memref<1x100x64xf32, #tpu.memory_space<vmem>>
    %dma_wait3A_871 = tpu.memref_squeeze %dma_wait3A_870 : memref<1x100x64xf32, #tpu.memory_space<vmem>> -> memref<100x64xf32, #tpu.memory_space<vmem>>
    %dma_wait3A_872 = arith.constant 0 : i32
    %dma_wait3A_873 = arith.constant 0 : i32
    %dma_wait3A_874 = tpu.memref_slice %dma_wait3A_871[%dma_wait3A_872, %dma_wait3A_873] : memref<100x64xf32, #tpu.memory_space<vmem>> -> memref<50x64xf32, #tpu.memory_space<vmem>>
    tpu.wait_dma2 semaphore(%arg12 : memref<!tpu.dma_semaphore, #tpu.memory_space<semaphore_mem>>) src(%dma_wait3A_874 : memref<50x64xf32, #tpu.memory_space<vmem>>) dst(%dma_wait3A_867 : memref<50x64xf32, #tpu.memory_space<hbm>>)
    %dma_wait3A_875 = arith.constant 1 : i32
    %dma_wait3A_876 = arith.constant 0 : i32
    %dma_wait3A_877 = arith.constant 0 : i32
    %dma_wait3A_878 = tpu.memref_slice %arg6[%dma_wait3A_875, %dma_wait3A_876, %dma_wait3A_877] : memref<4x100x64xf32, #tpu.memory_space<vmem>> -> memref<1x100x64xf32, #tpu.memory_space<vmem>>
    %dma_wait3A_879 = tpu.memref_squeeze %dma_wait3A_878 : memref<1x100x64xf32, #tpu.memory_space<vmem>> -> memref<100x64xf32, #tpu.memory_space<vmem>>
    %dma_wait3A_880 = arith.constant 50 : i32
    %dma_wait3A_881 = arith.constant 0 : i32
    %dma_wait3A_882 = tpu.memref_slice %dma_wait3A_879[%dma_wait3A_880, %dma_wait3A_881] : memref<100x64xf32, #tpu.memory_space<vmem>> -> memref<50x64xf32, #tpu.memory_space<vmem>>
    %dma_wait3A_883 = arith.constant 0 : i32
    %dma_wait3A_884 = arith.constant 0 : i32
    %dma_wait3A_885 = tpu.memref_slice %arg4[%add3A_851, %dma_wait3A_883, %dma_wait3A_884] : memref<16384x56x128xf32, #tpu.memory_space<hbm>> -> memref<1x50x64xf32, #tpu.memory_space<hbm>>
    %dma_wait3A_886 = tpu.memref_squeeze %dma_wait3A_885 : memref<1x50x64xf32, #tpu.memory_space<hbm>> -> memref<50x64xf32, #tpu.memory_space<hbm>>
    %dma_wait3A_887 = arith.constant 0 : i32
    %dma_wait3A_888 = arith.constant 0 : i32
    %dma_wait3A_889 = tpu.memref_slice %arg4[%add3A_851, %dma_wait3A_887, %dma_wait3A_888] : memref<16384x56x128xf32, #tpu.memory_space<hbm>> -> memref<1x50x64xf32, #tpu.memory_space<hbm>>
    %dma_wait3A_890 = tpu.memref_squeeze %dma_wait3A_889 : memref<1x50x64xf32, #tpu.memory_space<hbm>> -> memref<50x64xf32, #tpu.memory_space<hbm>>
    %dma_wait3A_891 = arith.constant 0 : i32
    %dma_wait3A_892 = arith.constant 0 : i32
    %dma_wait3A_893 = tpu.memref_slice %arg6[%dma_wait3A_875, %dma_wait3A_891, %dma_wait3A_892] : memref<4x100x64xf32, #tpu.memory_space<vmem>> -> memref<1x100x64xf32, #tpu.memory_space<vmem>>
    %dma_wait3A_894 = tpu.memref_squeeze %dma_wait3A_893 : memref<1x100x64xf32, #tpu.memory_space<vmem>> -> memref<100x64xf32, #tpu.memory_space<vmem>>
    %dma_wait3A_895 = arith.constant 50 : i32
    %dma_wait3A_896 = arith.constant 0 : i32
    %dma_wait3A_897 = tpu.memref_slice %dma_wait3A_894[%dma_wait3A_895, %dma_wait3A_896] : memref<100x64xf32, #tpu.memory_space<vmem>> -> memref<50x64xf32, #tpu.memory_space<vmem>>
    tpu.wait_dma2 semaphore(%arg12 : memref<!tpu.dma_semaphore, #tpu.memory_space<semaphore_mem>>) src(%dma_wait3A_897 : memref<50x64xf32, #tpu.memory_space<vmem>>) dst(%dma_wait3A_890 : memref<50x64xf32, #tpu.memory_space<hbm>>)
    %add3A_898 = arith.constant 508 : i32
    %add3A_899 = arith.addi %mul3A_2, %add3A_898 : i32
    %add3A_900 = arith.constant 1 : i32
    %add3A_901 = arith.addi %add3A_899, %add3A_900 : i32
    %dma_wait3A_902 = arith.constant 2 : i32
    %dma_wait3A_903 = arith.constant 0 : i32
    %dma_wait3A_904 = arith.constant 0 : i32
    %dma_wait3A_905 = tpu.memref_slice %arg6[%dma_wait3A_902, %dma_wait3A_903, %dma_wait3A_904] : memref<4x100x64xf32, #tpu.memory_space<vmem>> -> memref<1x100x64xf32, #tpu.memory_space<vmem>>
    %dma_wait3A_906 = tpu.memref_squeeze %dma_wait3A_905 : memref<1x100x64xf32, #tpu.memory_space<vmem>> -> memref<100x64xf32, #tpu.memory_space<vmem>>
    %dma_wait3A_907 = arith.constant 0 : i32
    %dma_wait3A_908 = arith.constant 0 : i32
    %dma_wait3A_909 = tpu.memref_slice %dma_wait3A_906[%dma_wait3A_907, %dma_wait3A_908] : memref<100x64xf32, #tpu.memory_space<vmem>> -> memref<50x64xf32, #tpu.memory_space<vmem>>
    %dma_wait3A_910 = arith.constant 0 : i32
    %dma_wait3A_911 = arith.constant 0 : i32
    %dma_wait3A_912 = tpu.memref_slice %arg4[%add3A_899, %dma_wait3A_910, %dma_wait3A_911] : memref<16384x56x128xf32, #tpu.memory_space<hbm>> -> memref<1x50x64xf32, #tpu.memory_space<hbm>>
    %dma_wait3A_913 = tpu.memref_squeeze %dma_wait3A_912 : memref<1x50x64xf32, #tpu.memory_space<hbm>> -> memref<50x64xf32, #tpu.memory_space<hbm>>
    %dma_wait3A_914 = arith.constant 0 : i32
    %dma_wait3A_915 = arith.constant 0 : i32
    %dma_wait3A_916 = tpu.memref_slice %arg4[%add3A_899, %dma_wait3A_914, %dma_wait3A_915] : memref<16384x56x128xf32, #tpu.memory_space<hbm>> -> memref<1x50x64xf32, #tpu.memory_space<hbm>>
    %dma_wait3A_917 = tpu.memref_squeeze %dma_wait3A_916 : memref<1x50x64xf32, #tpu.memory_space<hbm>> -> memref<50x64xf32, #tpu.memory_space<hbm>>
    %dma_wait3A_918 = arith.constant 0 : i32
    %dma_wait3A_919 = arith.constant 0 : i32
    %dma_wait3A_920 = tpu.memref_slice %arg6[%dma_wait3A_902, %dma_wait3A_918, %dma_wait3A_919] : memref<4x100x64xf32, #tpu.memory_space<vmem>> -> memref<1x100x64xf32, #tpu.memory_space<vmem>>
    %dma_wait3A_921 = tpu.memref_squeeze %dma_wait3A_920 : memref<1x100x64xf32, #tpu.memory_space<vmem>> -> memref<100x64xf32, #tpu.memory_space<vmem>>
    %dma_wait3A_922 = arith.constant 0 : i32
    %dma_wait3A_923 = arith.constant 0 : i32
    %dma_wait3A_924 = tpu.memref_slice %dma_wait3A_921[%dma_wait3A_922, %dma_wait3A_923] : memref<100x64xf32, #tpu.memory_space<vmem>> -> memref<50x64xf32, #tpu.memory_space<vmem>>
    tpu.wait_dma2 semaphore(%arg13 : memref<!tpu.dma_semaphore, #tpu.memory_space<semaphore_mem>>) src(%dma_wait3A_924 : memref<50x64xf32, #tpu.memory_space<vmem>>) dst(%dma_wait3A_917 : memref<50x64xf32, #tpu.memory_space<hbm>>)
    %dma_wait3A_925 = arith.constant 2 : i32
    %dma_wait3A_926 = arith.constant 0 : i32
    %dma_wait3A_927 = arith.constant 0 : i32
    %dma_wait3A_928 = tpu.memref_slice %arg6[%dma_wait3A_925, %dma_wait3A_926, %dma_wait3A_927] : memref<4x100x64xf32, #tpu.memory_space<vmem>> -> memref<1x100x64xf32, #tpu.memory_space<vmem>>
    %dma_wait3A_929 = tpu.memref_squeeze %dma_wait3A_928 : memref<1x100x64xf32, #tpu.memory_space<vmem>> -> memref<100x64xf32, #tpu.memory_space<vmem>>
    %dma_wait3A_930 = arith.constant 50 : i32
    %dma_wait3A_931 = arith.constant 0 : i32
    %dma_wait3A_932 = tpu.memref_slice %dma_wait3A_929[%dma_wait3A_930, %dma_wait3A_931] : memref<100x64xf32, #tpu.memory_space<vmem>> -> memref<50x64xf32, #tpu.memory_space<vmem>>
    %dma_wait3A_933 = arith.constant 0 : i32
    %dma_wait3A_934 = arith.constant 0 : i32
    %dma_wait3A_935 = tpu.memref_slice %arg4[%add3A_901, %dma_wait3A_933, %dma_wait3A_934] : memref<16384x56x128xf32, #tpu.memory_space<hbm>> -> memref<1x50x64xf32, #tpu.memory_space<hbm>>
    %dma_wait3A_936 = tpu.memref_squeeze %dma_wait3A_935 : memref<1x50x64xf32, #tpu.memory_space<hbm>> -> memref<50x64xf32, #tpu.memory_space<hbm>>
    %dma_wait3A_937 = arith.constant 0 : i32
    %dma_wait3A_938 = arith.constant 0 : i32
    %dma_wait3A_939 = tpu.memref_slice %arg4[%add3A_901, %dma_wait3A_937, %dma_wait3A_938] : memref<16384x56x128xf32, #tpu.memory_space<hbm>> -> memref<1x50x64xf32, #tpu.memory_space<hbm>>
    %dma_wait3A_940 = tpu.memref_squeeze %dma_wait3A_939 : memref<1x50x64xf32, #tpu.memory_space<hbm>> -> memref<50x64xf32, #tpu.memory_space<hbm>>
    %dma_wait3A_941 = arith.constant 0 : i32
    %dma_wait3A_942 = arith.constant 0 : i32
    %dma_wait3A_943 = tpu.memref_slice %arg6[%dma_wait3A_925, %dma_wait3A_941, %dma_wait3A_942] : memref<4x100x64xf32, #tpu.memory_space<vmem>> -> memref<1x100x64xf32, #tpu.memory_space<vmem>>
    %dma_wait3A_944 = tpu.memref_squeeze %dma_wait3A_943 : memref<1x100x64xf32, #tpu.memory_space<vmem>> -> memref<100x64xf32, #tpu.memory_space<vmem>>
    %dma_wait3A_945 = arith.constant 50 : i32
    %dma_wait3A_946 = arith.constant 0 : i32
    %dma_wait3A_947 = tpu.memref_slice %dma_wait3A_944[%dma_wait3A_945, %dma_wait3A_946] : memref<100x64xf32, #tpu.memory_space<vmem>> -> memref<50x64xf32, #tpu.memory_space<vmem>>
    tpu.wait_dma2 semaphore(%arg13 : memref<!tpu.dma_semaphore, #tpu.memory_space<semaphore_mem>>) src(%dma_wait3A_947 : memref<50x64xf32, #tpu.memory_space<vmem>>) dst(%dma_wait3A_940 : memref<50x64xf32, #tpu.memory_space<hbm>>)
    %add3A_948 = arith.constant 510 : i32
    %add3A_949 = arith.addi %mul3A_2, %add3A_948 : i32
    %add3A_950 = arith.constant 1 : i32
    %add3A_951 = arith.addi %add3A_949, %add3A_950 : i32
    %dma_wait3A_952 = arith.constant 3 : i32
    %dma_wait3A_953 = arith.constant 0 : i32
    %dma_wait3A_954 = arith.constant 0 : i32
    %dma_wait3A_955 = tpu.memref_slice %arg6[%dma_wait3A_952, %dma_wait3A_953, %dma_wait3A_954] : memref<4x100x64xf32, #tpu.memory_space<vmem>> -> memref<1x100x64xf32, #tpu.memory_space<vmem>>
    %dma_wait3A_956 = tpu.memref_squeeze %dma_wait3A_955 : memref<1x100x64xf32, #tpu.memory_space<vmem>> -> memref<100x64xf32, #tpu.memory_space<vmem>>
    %dma_wait3A_957 = arith.constant 0 : i32
    %dma_wait3A_958 = arith.constant 0 : i32
    %dma_wait3A_959 = tpu.memref_slice %dma_wait3A_956[%dma_wait3A_957, %dma_wait3A_958] : memref<100x64xf32, #tpu.memory_space<vmem>> -> memref<50x64xf32, #tpu.memory_space<vmem>>
    %dma_wait3A_960 = arith.constant 0 : i32
    %dma_wait3A_961 = arith.constant 0 : i32
    %dma_wait3A_962 = tpu.memref_slice %arg4[%add3A_949, %dma_wait3A_960, %dma_wait3A_961] : memref<16384x56x128xf32, #tpu.memory_space<hbm>> -> memref<1x50x64xf32, #tpu.memory_space<hbm>>
    %dma_wait3A_963 = tpu.memref_squeeze %dma_wait3A_962 : memref<1x50x64xf32, #tpu.memory_space<hbm>> -> memref<50x64xf32, #tpu.memory_space<hbm>>
    %dma_wait3A_964 = arith.constant 0 : i32
    %dma_wait3A_965 = arith.constant 0 : i32
    %dma_wait3A_966 = tpu.memref_slice %arg4[%add3A_949, %dma_wait3A_964, %dma_wait3A_965] : memref<16384x56x128xf32, #tpu.memory_space<hbm>> -> memref<1x50x64xf32, #tpu.memory_space<hbm>>
    %dma_wait3A_967 = tpu.memref_squeeze %dma_wait3A_966 : memref<1x50x64xf32, #tpu.memory_space<hbm>> -> memref<50x64xf32, #tpu.memory_space<hbm>>
    %dma_wait3A_968 = arith.constant 0 : i32
    %dma_wait3A_969 = arith.constant 0 : i32
    %dma_wait3A_970 = tpu.memref_slice %arg6[%dma_wait3A_952, %dma_wait3A_968, %dma_wait3A_969] : memref<4x100x64xf32, #tpu.memory_space<vmem>> -> memref<1x100x64xf32, #tpu.memory_space<vmem>>
    %dma_wait3A_971 = tpu.memref_squeeze %dma_wait3A_970 : memref<1x100x64xf32, #tpu.memory_space<vmem>> -> memref<100x64xf32, #tpu.memory_space<vmem>>
    %dma_wait3A_972 = arith.constant 0 : i32
    %dma_wait3A_973 = arith.constant 0 : i32
    %dma_wait3A_974 = tpu.memref_slice %dma_wait3A_971[%dma_wait3A_972, %dma_wait3A_973] : memref<100x64xf32, #tpu.memory_space<vmem>> -> memref<50x64xf32, #tpu.memory_space<vmem>>
    tpu.wait_dma2 semaphore(%arg14 : memref<!tpu.dma_semaphore, #tpu.memory_space<semaphore_mem>>) src(%dma_wait3A_974 : memref<50x64xf32, #tpu.memory_space<vmem>>) dst(%dma_wait3A_967 : memref<50x64xf32, #tpu.memory_space<hbm>>)
    %dma_wait3A_975 = arith.constant 3 : i32
    %dma_wait3A_976 = arith.constant 0 : i32
    %dma_wait3A_977 = arith.constant 0 : i32
    %dma_wait3A_978 = tpu.memref_slice %arg6[%dma_wait3A_975, %dma_wait3A_976, %dma_wait3A_977] : memref<4x100x64xf32, #tpu.memory_space<vmem>> -> memref<1x100x64xf32, #tpu.memory_space<vmem>>
    %dma_wait3A_979 = tpu.memref_squeeze %dma_wait3A_978 : memref<1x100x64xf32, #tpu.memory_space<vmem>> -> memref<100x64xf32, #tpu.memory_space<vmem>>
    %dma_wait3A_980 = arith.constant 50 : i32
    %dma_wait3A_981 = arith.constant 0 : i32
    %dma_wait3A_982 = tpu.memref_slice %dma_wait3A_979[%dma_wait3A_980, %dma_wait3A_981] : memref<100x64xf32, #tpu.memory_space<vmem>> -> memref<50x64xf32, #tpu.memory_space<vmem>>
    %dma_wait3A_983 = arith.constant 0 : i32
    %dma_wait3A_984 = arith.constant 0 : i32
    %dma_wait3A_985 = tpu.memref_slice %arg4[%add3A_951, %dma_wait3A_983, %dma_wait3A_984] : memref<16384x56x128xf32, #tpu.memory_space<hbm>> -> memref<1x50x64xf32, #tpu.memory_space<hbm>>
    %dma_wait3A_986 = tpu.memref_squeeze %dma_wait3A_985 : memref<1x50x64xf32, #tpu.memory_space<hbm>> -> memref<50x64xf32, #tpu.memory_space<hbm>>
    %dma_wait3A_987 = arith.constant 0 : i32
    %dma_wait3A_988 = arith.constant 0 : i32
    %dma_wait3A_989 = tpu.memref_slice %arg4[%add3A_951, %dma_wait3A_987, %dma_wait3A_988] : memref<16384x56x128xf32, #tpu.memory_space<hbm>> -> memref<1x50x64xf32, #tpu.memory_space<hbm>>
    %dma_wait3A_990 = tpu.memref_squeeze %dma_wait3A_989 : memref<1x50x64xf32, #tpu.memory_space<hbm>> -> memref<50x64xf32, #tpu.memory_space<hbm>>
    %dma_wait3A_991 = arith.constant 0 : i32
    %dma_wait3A_992 = arith.constant 0 : i32
    %dma_wait3A_993 = tpu.memref_slice %arg6[%dma_wait3A_975, %dma_wait3A_991, %dma_wait3A_992] : memref<4x100x64xf32, #tpu.memory_space<vmem>> -> memref<1x100x64xf32, #tpu.memory_space<vmem>>
    %dma_wait3A_994 = tpu.memref_squeeze %dma_wait3A_993 : memref<1x100x64xf32, #tpu.memory_space<vmem>> -> memref<100x64xf32, #tpu.memory_space<vmem>>
    %dma_wait3A_995 = arith.constant 50 : i32
    %dma_wait3A_996 = arith.constant 0 : i32
    %dma_wait3A_997 = tpu.memref_slice %dma_wait3A_994[%dma_wait3A_995, %dma_wait3A_996] : memref<100x64xf32, #tpu.memory_space<vmem>> -> memref<50x64xf32, #tpu.memory_space<vmem>>
    tpu.wait_dma2 semaphore(%arg14 : memref<!tpu.dma_semaphore, #tpu.memory_space<semaphore_mem>>) src(%dma_wait3A_997 : memref<50x64xf32, #tpu.memory_space<vmem>>) dst(%dma_wait3A_990 : memref<50x64xf32, #tpu.memory_space<hbm>>)
    return
  }
}

module attributes {stable_mosaic.version = 14 : i64} {
  func.func @_detile(%arg0: i32, %arg1: memref<64x8192xf32, #tpu.memory_space<vmem>>, %arg2: memref<4096x128xf32, #tpu.memory_space<vmem>>) attributes {dimension_semantics = [#tpu.dimension_semantics<arbitrary>], iteration_bounds = array<i64: 123>, scalar_prefetch = 0 : i64, scratch_operands = 0 : i64, tpu.core_type = #tpu.core_type<tc>, window_params = [{transform_indices = @transform_0, window_bounds = array<i64: 64, 8192>}, {transform_indices = @transform_1, window_bounds = array<i64: 4096, 128>}]} {
    %get3A = arith.constant 0 : index
    %get3A_0 = arith.constant 0 : index
    %get3A_1 = vector.load %arg1[%get3A, %get3A_0] : memref<64x8192xf32, #tpu.memory_space<vmem>>, vector<64x8192xf32>
    %transpose3A = tpu.transpose %get3A_1, [1, 0] : vector<64x8192xf32> -> vector<8192x64xf32>
    %reshape3A = vector.shape_cast %transpose3A : vector<8192x64xf32> to vector<4096x2x64xf32>
    %slice3A = vector.extract_strided_slice %reshape3A {offsets = [0, 0, 0], sizes = [4096, 1, 64], strides = [1, 1, 1]} : vector<4096x2x64xf32> to vector<4096x1x64xf32>
    %squeeze3A = vector.shape_cast %slice3A : vector<4096x1x64xf32> to vector<4096x64xf32>
    %slice3A_2 = vector.extract_strided_slice %reshape3A {offsets = [0, 1, 0], sizes = [4096, 1, 64], strides = [1, 1, 1]} : vector<4096x2x64xf32> to vector<4096x1x64xf32>
    %squeeze3A_3 = vector.shape_cast %slice3A_2 : vector<4096x1x64xf32> to vector<4096x64xf32>
    %concatenate3A = tpu.concatenate %squeeze3A, %squeeze3A_3 in 1 : vector<4096x64xf32>, vector<4096x64xf32> -> vector<4096x128xf32>
    %swap3A = arith.constant 0 : index
    %swap3A_4 = arith.constant 0 : index
    %swap3A_5 = vector.load %arg2[%swap3A, %swap3A_4] : memref<4096x128xf32, #tpu.memory_space<vmem>>, vector<4096x128xf32>
    tpu.vector_store %arg2[%swap3A, %swap3A_4], %concatenate3A {strides = array<i32>} : memref<4096x128xf32, #tpu.memory_space<vmem>>, vector<4096x128xf32>,
    return
  }
  func.func @transform_0(%arg0: i32) -> (i32, i32) {
    %c0_i32 = arith.constant 0 : i32
    %c0_i32_0 = arith.constant 0 : i32
    return %c0_i32, %arg0 : i32, i32
  }
  func.func @transform_1(%arg0: i32) -> (i32, i32) {
    %c0_i32 = arith.constant 0 : i32
    %c0_i32_0 = arith.constant 0 : i32
    return %arg0, %c0_i32 : i32, i32
  }
}

</mosaic_0001>

<sc_bundles>
// kernel: kernel.4.cloned.1.call-start
scs
__scs_entry_jumppad:
0x0: {  	(pc) =	sbr.rel $0x88, $3  }
0x1: {  	(tag) =	ssettag $0x0;
	lr =	simm.s32 $0x1  }
0x2: {  	[smem:$0x3F9F] =	sst lr;
	_ =	strace $0xD0000000  }
0x3: {  	_ = 	snop  }
0x4: {  	_ = 	snop  }
0x5: {  	_ = 	snop  }
0x6: {  	_ = 	snop  }
0x7: {  	_ = 	snop  }
__scs_overlays_trampoline_lowered:
0x8: {  	[smem:$0x3FAE] =	sst s0  }
0x9: {  	[smem:$0x3FAF] =	sst s1  }
0xa: {  	[smem:$0x3FB0] =	sst s2  }
0xb: {  	[smem:$0x3FB1] =	sst s3  }
0xc: {  	[smem:$0x3FB2] =	sst s4  }
0xd: {  	[smem:$0x3FB3] =	sst s5  }
0xe: {  	[smem:$0x3FB4] =	sst s6  }
0xf: {  	[smem:$0x3FB5] =	sst s7  }
0x10: {  	[smem:$0x3FB6] =	sst s8  }
0x11: {  	[smem:$0x3FB7] =	sst s9;
	s0 =	simm.s32 @!p0 $0x0  }
0x12: {  	s1 =	sld [smem:$0x3F9D];
	s0 =	simm.s32 @p0 $0x1  }
0x13: {  	[smem:$0x3FB8] =	sst s0;
	s0 =	simm.s32 @!p1 $0x0  }
0x14: {  	s2 =	sld [smem:$0x3F9C];
	s0 =	simm.s32 @p1 $0x1  }
0x15: {  	[smem:$0x3FB9] =	sst s0;
	s0 =	simm.s32 @!p2 $0x0  }
0x16: {  	s3 =	sld [smem:$0x3FDB];
	s0 =	simm.s32 @p2 $0x1  }
0x17: {  	s4 =	simm.s32 $0x1BF5;
	[smem:$0x3FBB] =	sst s0  }
0x18: {  	s0 =	sld [smem:$0x3F9E];
	_ =	swait.ge [sflag:s4], $0x0  }
0x19: {  	s7 =	sld [smem:$0x3F9F]  }
0x1a: {  	s8 =	sadd.s32 $0xFFFFE003, lr  }
0x1b: {  	s9 =	sadd.s32 $0xFFFFFEF7, lr;
	s5 =	simm.s32 $0xFFFFFFFF;
	p2 =	slt.u32 s8, $0xFFFFF086  }
0x1c: {  	p1 =	slt.u32 s9, $0xF7A;
	s5 =	simm.s32 @!p2 $0x0  }
0x1d: {  	s5 =	simm.s32 @p1 $0x1;
	p0 =	seq.s32 s7, s2  }
0x1e: {  	s7 =	smul.u32 @!p0 $0xF7A, s2;
	p2 =	seq.s32 @!p0 s5, $0x0  }
0x1f: {  	s9 =	smul.u32 $0xF7A, s1;
	s8 =	simm.s32 @!p0 $0x1BF5;
	p2 =	por !p2, p0  }
0x20: {  	[sflag:s8] =	ssyncset.s32 @!p0 $0xFFFFF086;
	s6 =	sadd.s32 @!p0 s3, s7;
	s7 =	simm.s32 @!p0 $0x108  }
0x21: {  	s3 =	sadd.s32 s3, s9;
	s6 =	sadd.s32 @!p0 $0x88, s6;
	s7 =	simm.s32 @p2 $0x1082  }
0x22: {  	[simem:s7], [sflag:s8] =	dma.local @!p0 [hbm:s6], $0xF7A  }
0x23: {  	s9 =	sor.u32 $0xD0000000, s2;
	s6 =	simm.s32 $0x108;
	_ =	swait.ge @!p0 [sflag:s8], $0x0  }
0x24: {  	s3 =	sadd.s32 $0x88, s3;
	s6 =	simm.s32 @!p1 $0x1082;
	[sflag:s4] =	ssyncset.s32 $0xFFFFF086  }
0x25: {  	[simem:s6], [sflag:s4] =	dma.local [hbm:s3], $0xF7A  }
0x26: {  	[smem:$0x3F9F] =	sst s1;
	(tag) =	ssettag s2;
	_ =	strace s9  }
0x27: {  	s1 =	sld [smem:$0x3FAF]  }
0x28: {  	s2 =	sld [smem:$0x3FB0]  }
0x29: {  	s4 =	sld [smem:$0x3FB2]  }
0x2a: {  	p0 =	seq.s32 s5, $0x0;
	s5 =	sld [smem:$0x3FB3]  }
0x2b: {  	s6 =	sld [smem:$0x3FB4]  }
0x2c: {  	s7 =	sld [smem:$0x3FB5]  }
0x2d: {  	s3 =	simm.s32 $0x108;
	s8 =	sld [smem:$0x3FB6]  }
0x2e: {  	s3 =	simm.s32 @!p0 $0x1082;
	s9 =	sld [smem:$0x3FB7]  }
0x2f: {  	lr =	sadd.s32 s0, s3;
	s0 =	sld [smem:$0x3FAE]  }
0x30: {  	s3 =	sld [smem:$0x3FB1]  }
0x31: {  	[smem:$0x3FBA] =	sst s10  }
0x32: {  	s10 =	sld [smem:$0x3FB8];
	_ =	sdelay $0x3  }
0x33: {  	p0 =	seq.s32 s10, $0x1;
	s10 =	sld [smem:$0x3FBA];
	_ =	sdelay $0x3  }
0x34: {  	[smem:$0x3FBA] =	sst s10  }
0x35: {  	s10 =	sld [smem:$0x3FB9];
	_ =	sdelay $0x3  }
0x36: {  	p1 =	seq.s32 s10, $0x1;
	s10 =	sld [smem:$0x3FBA];
	_ =	sdelay $0x3  }
0x37: {  	[smem:$0x3FBA] =	sst s10  }
0x38: {  	s10 =	sld [smem:$0x3FBB]  }
0x39: {  	_ = 	snop;
	(pc) =	sbr.ind lr, $3  }
0x3a: {  	_ = 	snop  }
0x3b: {  	_ = 	snop  }
0x3c: {  	p2 =	seq.s32 s10, $0x1;
	s10 =	sld [smem:$0x3FBA]  }
0x3d: {  	_ =	shalt  }
0x3e: {  	_ =	shalt  }
0x3f: {  	_ =	shalt  }
0x40: {  	_ =	shalt  }
0x41: {  	_ =	shalt  }
0x42: {  	_ =	shalt  }
0x43: {  	_ =	shalt  }
0x44: {  	_ =	shalt  }
0x45: {  	_ =	shalt  }
0x46: {  	_ =	shalt  }
0x47: {  	_ =	shalt  }
0x48: {  	_ =	shalt  }
0x49: {  	_ =	shalt  }
0x4a: {  	_ =	shalt  }
0x4b: {  	_ =	shalt  }
0x4c: {  	_ =	shalt  }
0x4d: {  	_ =	shalt  }
0x4e: {  	_ =	shalt  }
0x4f: {  	_ =	shalt  }
0x50: {  	_ =	shalt  }
0x51: {  	_ =	shalt  }
0x52: {  	_ =	shalt  }
0x53: {  	_ =	shalt  }
0x54: {  	_ =	shalt  }
0x55: {  	_ =	shalt  }
0x56: {  	_ =	shalt  }
0x57: {  	_ =	shalt  }
0x58: {  	_ =	shalt  }
0x59: {  	_ =	shalt  }
0x5a: {  	_ =	shalt  }
0x5b: {  	_ =	shalt  }
0x5c: {  	_ =	shalt  }
0x5d: {  	_ =	shalt  }
0x5e: {  	_ =	shalt  }
0x5f: {  	_ =	shalt  }
0x60: {  	_ =	shalt  }
0x61: {  	_ =	shalt  }
0x62: {  	_ =	shalt  }
0x63: {  	_ =	shalt  }
0x64: {  	_ =	shalt  }
0x65: {  	_ =	shalt  }
0x66: {  	_ =	shalt  }
0x67: {  	_ =	shalt  }
0x68: {  	_ =	shalt  }
0x69: {  	_ =	shalt  }
0x6a: {  	_ =	shalt  }
0x6b: {  	_ =	shalt  }
0x6c: {  	_ =	shalt  }
0x6d: {  	_ =	shalt  }
0x6e: {  	_ =	shalt  }
0x6f: {  	_ =	shalt  }
0x70: {  	_ =	shalt  }
0x71: {  	_ =	shalt  }
0x72: {  	_ =	shalt  }
0x73: {  	_ =	shalt  }
0x74: {  	_ =	shalt  }
0x75: {  	_ =	shalt  }
0x76: {  	_ =	shalt  }
0x77: {  	_ =	shalt  }
0x78: {  	_ =	shalt  }
0x79: {  	_ =	shalt  }
0x7a: {  	_ =	shalt  }
0x7b: {  	_ =	shalt  }
0x7c: {  	_ =	shalt  }
0x7d: {  	_ =	shalt  }
0x7e: {  	_ =	shalt  }
0x7f: {  	_ =	shalt  }
0x80: {  	_ =	shalt  }
0x81: {  	_ =	shalt  }
0x82: {  	_ =	shalt  }
0x83: {  	_ =	shalt  }
0x84: {  	_ =	shalt  }
0x85: {  	_ =	shalt  }
0x86: {  	_ =	shalt  }
0x87: {  	_ =	shalt  }
.Lfunc_end0:
.L_simem_size_0:
called_computation.1_lowered:
.L_overlay_start_0:
0x88: {  	s2 =	sld [smem:$0x3FD9]  }
0x89: {  	s3 =	sld [smem:$0x3FFE];
	_ =	sdelay $0x1  }
0x8a: {  	s1 =	srdreg.scid  }
0x8b: {  	s0 =	sand.u32 $0x1, s1  }
0x8c: {  	s17 =	sshll.u32 s0, $0xA;
	s2 =	sadd.s32 s3, s2  }
0x8d: {  	s2 =	sadd.s32 s2, s17  }
0x8e: {  	[smem:$0x3FC6] =	sst s2  }
0x8f: {  	_ = 	snop  }
0x90: {  	s2 =	sld [smem:$0x3FD0];
	(tm) =	ssettm $0x1  }
0x91: {  	s18 =	sld [smem:$0x3FFB];
	_ =	sdelay $0x3  }
0x92: {  	_ =	strace s18  }
0x93: {  	s3 =	sld [smem:$0x3FFC];
	_ =	sdelay $0x3  }
0x94: {  	_ =	strace s3  }
0x95: {  	s3 =	sld [smem:$0x3FFD];
	_ =	sdelay $0x3  }
0x96: {  	_ =	strace s3  }
0x97: {  	_ =	strace $0x8FFFFFFF  }
0x98: {  	s19 =	sld [smem:$0x3FDB];
	_ =	sdelay $0x1  }
0x99: {  	s4 =	simm.s32 $_scs_section_size  }
0x9a: {  	s5 =	simm.s32 $_size__tile_overlayer_lowered;
	s6 =	simm.s32 $_tile_overlayer_lowered  }
0x9b: {  	s22 =	simm.s32 $0x1BFF;
	s21 =	sshll.u32 s6, $0x1;
	s3 =	sadd.s32 s4, s19  }
0x9c: {  	s7 =	simm.s32 $0x0;
	s20 =	sshll.u32 s5, $0x1;
	s5 =	sadd.s32 s21, s3  }
0x9d: {  	[timem:s7], [sflag:s22] =	dma.local [hbm:s5], s20  }
0x9e: {  	_ =	swait.ge [sflag:s22], s20  }
0x9f: {  	s4 =	ssub.s32 $0x0, s20;
	[sflag:s22] =	ssyncset.done $0x0  }
0xa0: {  	[sflag:s22] =	ssyncadd.s32 s4;
	_ =	sdelay $0x1  }
0xa1: {  	s23 =	simm.s32 $0x1B8B  }
0xa2: {  	_ =	swait.ge [sflag:s23], $0x1  }
0xa3: {  	[sflag:s23] =	ssyncset.done $0x0  }
0xa4: {  	s25 =	simm.s32 $0x1B8E;
	s24 =	sld [smem:$0x3FFE];
	[sflag:s23] =	ssyncadd.s32 $0xFFFFFFFF  }
0xa5: {  	s26 =	simm.s32 $execute0_lowered;
	[smem:$0x3FD2] =	sst s25  }
0xa6: {  	s5 =	sshll.u32 s26, $0x1;
	_ =	strace $0x80000046;
	[dreg:$0x1] =	wrdreg $0xFFFFFFFF  }
0xa7: {  	s28 =	simm.s32 $_size_execute0_lowered;
	s3 =	sadd.s32 s3, s5;
	[dreg:$0x0] =	wrdreg $0x0  }
0xa8: {  	s5 =	sshll.u32 s28, $0x1;
	[dreg:$0x2] =	wrdreg s3  }
0xa9: {  	[dreg:$0x3] =	wrdreg s5  }
0xaa: {  	[dreg:$0x4] =	wrdreg $0xC0  }
0xab: {  	_ =	task [dreg:s7], $0x5FFFF  }
0xac: {  	[dreg:$0x1] =	wrdreg $0xFFFFFFFF  }
0xad: {  	[dreg:$0x0] =	wrdreg $0x60  }
0xae: {  	[dreg:$0x2] =	wrdreg s2  }
0xaf: {  	[dreg:$0x3] =	wrdreg s24  }
0xb0: {  	[dreg:$0x4] =	wrdreg $0x9  }
0xb1: {  	_ =	task.clear_ibuf [dreg:s7], $0x5FFFF;
	_ =	strace $0x90000046  }
0xb2: {  	s29 =	simm.s32 $0x9;
	_ =	strace $0x80000048  }
0xb3: {  	_ =	swait.ge [sflag:s29], $0x1  }
0xb4: {  	[sflag:s29] =	ssyncadd.s32 $0xFFFFFFFF  }
0xb5: {  	_ =	strace $0x90000048  }
0xb6: {  	_ =	sfence  }
0xb7: {  	s30 =	sld [smem:$0x0];
	_ =	sdelay $0x2  }
0xb8: {  	s31 =	sshll.u32 s1, $0xD;
	s1 =	sshrl.u32 s1, $0x2  }
0xb9: {  	s3 =	sand.u32 $0x4000, s31;
	s1 =	sadd.s32 s1, s30  }
0xba: {  	s0 =	sor.u32 s3, s0;
	s1 =	sshll.u32 s1, $0x11  }
0xbb: {  	s0 =	sor.u32 s1, s0  }
0xbc: {  	s0 =	sadd.s32 $0x8F2B, s0  }
0xbd: {  	[sflag:s0] =	ssyncadd.remote.s32 $0x1  }
0xbe: {  	_ =	sfence.sel $0xFFFF  }
0xbf: {  	[dreg:$0x0] =	wrdreg $0xFFFFFFFF;
	(pc) =	sbr.abs _section_cstart, $3  }
0xc0: {  	[dreg:$0x1] =	wrdreg $0xFFFFFFFF  }
0xc1: {  	_ =	task.clear_ibuf [dreg:s7], $0x2FFFF;
	_ =	strace $0x9FFFFFFF  }
0xc2: {  	(tm) =	ssettm $0x7FFFFFFF  }
0xc3: {  	_ =	shalt  }
tec
execute0_lowered:
.L_overlay_start_1:
0x0: {  	(tag) =	ssettag $0x1  }
0x1: {  	s0 =	rddreg [dreg:$0x0];
	s1 =	srdreg.scid  }
0x2: {  	s9 =	stileid.u32;
	s2 =	rddreg [dreg:$0x1];
	s5 =	simm.s32 $0x0  }
0x3: {  	s29 =	simm.s32 $0x9A00;
	s31 =	simm.s32 $0xB300;
	s11 =	smul.u32 $0x700000, s9  }
0x4: {  	s28 =	simm.s32 $0x7480;
	s1 =	sand.u32 $0x1, s1;
	s20 =	smul.u32 $0xE0000, s9  }
0x5: {  	s30 =	simm.s32 $0x2;
	s3 =	sshll.u32 s9, $0x1;
	s13 =	smul.u32 $0x380000, s1  }
0x6: {  	s4 =	sor.u32 s1, s3;
	s24 =	ssub.s32 $0x2, s1;
	s1 =	smul.u32 $0x70000, s1  }
0x7: {  	[smem:$0x7FF] =	sst s5;
	s9 =	simm.s32 $0x4;
	s6 =	smul.u32 $0xD00, s4  }
0x8: {  	_ =	strace $0x80000047;
	s3 =	sadd.s32 $0x800, s2;
	s8 =	smul.u32 $0x70000, s4  }
0x9: {  	s2 =	sadd.s32 $0x7A1A00, s2;
	s7 =	sshrl.u32 s24, $0x1;
	s25 =	smul.u32 $0x380000, s4  }
0xa: {  	s7 =	ssub.s32 s24, s7;
	s0 =	sadd.s32 s0, s6;
	s5 =	sadd.s32 s2, s8  }
0xb: {  	s4 =	sadd.s32 s13, s11;
	[dreg:$0x7] =	wrdreg s0;
	s26 =	sadd.s32 $0x380, s5  }
0xc: {  	s11 =	simm.s32 $0x7;
	s6 =	sadd.s32 $0x700, s5;
	[dreg:$0x8] =	wrdreg s26  }
0xd: {  	s19 =	sor.u32 $0x16C00, s4;
	s8 =	sadd.s32 $0xA80, s5;
	[dreg:$0x9] =	wrdreg s6  }
0xe: {  	s23 =	sor.u32 $0x13400, s4;
	s10 =	sadd.s32 $0xE00, s5;
	[dreg:$0xa] =	wrdreg s8  }
0xf: {  	s4 =	sor.u32 $0x1A400, s4;
	s12 =	sadd.s32 $0x1180, s5;
	[dreg:$0xb] =	wrdreg s10  }
0x10: {  	s0 =	sshrl.u32 s25, $0x3;
	s14 =	sadd.s32 $0x1880, s5;
	[dreg:$0xc] =	wrdreg s12  }
0x11: {  	s4 =	sshrl.u32 s4, $0x3;
	s8 =	sadd.s32 $0x1500, s5;
	[dreg:$0xe] =	wrdreg s14  }
0x12: {  	s0 =	sadd.s32 s2, s0;
	s26 =	sadd.s32 s4, s2;
	[dreg:$0xd] =	wrdreg s8  }
0x13: {  	s13 =	simm.s32 $0x0;
	s15 =	sadd.s32 $0x6E400, s0;
	[dreg:$0x6] =	wrdreg s26  }
0x14: {  	s6 =	sshrl.u32 s19, $0x3;
	s16 =	sadd.s32 $0x6E780, s0;
	[dreg:$0xf] =	wrdreg s15  }
0x15: {  	s4 =	simm.s32 $0x5;
	s17 =	sadd.s32 $0x6EB00, s0;
	[dreg:$0x10] =	wrdreg s16  }
0x16: {  	s10 =	simm.s32 $0xBF80;
	s18 =	sadd.s32 $0x6EE80, s0;
	[dreg:$0x11] =	wrdreg s17  }
0x17: {  	s12 =	simm.s32 $0x8;
	s21 =	sadd.s32 $0x6F200, s0;
	[dreg:$0x12] =	wrdreg s18  }
0x18: {  	s22 =	sadd.s32 $0x6F580, s0;
	s6 =	sadd.s32 s6, s2;
	[dreg:$0x13] =	wrdreg s21  }
0x19: {  	s8 =	sadd.s32 s20, s2;
	s24 =	sadd.s32 $0x6F900, s0;
	[dreg:$0x14] =	wrdreg s22  }
0x1a: {  	s0 =	sadd.s32 $0x6FC80, s0;
	s26 =	simm.s32 $0x8100;
	[dreg:$0x3] =	wrdreg s6  }
0x1b: {  	s1 =	sadd.s32 s1, s8;
	[dreg:$0x15] =	wrdreg s24;
	s6 =	sshrl.u32 s23, $0x3  }
0x1c: {  	[dreg:$0x16] =	wrdreg s0;
	s21 =	smax.u32 s7, $0x1;
	s22 =	simm.s32 $0x9  }
0x1d: {  	s23 =	simm.s32 $0x64;
	s24 =	simm.s32 $0x6800;
	s0 =	simm.s32 $0x40  }
0x1e: {  	s7 =	simm.s32 $0xA680;
	s8 =	simm.s32 $0x6;
	[dreg:$0x4] =	wrdreg s1  }
0x1f: {  	s25 =	sadd.s32 s6, s2;
	s1 =	simm.s32 $0x1;
	s2 =	simm.s32 $0x8D80  }
0x20: {  	s6 =	simm.s32 $0x3;
	[dreg:$0x5] =	wrdreg s25;
	s25 =	simm.s32 $0x80  }
.LBB2_1:
0x21: {  	s14 =	simm.s32 $0x0;
	s15 =	rddreg [dreg:$0x7]  }
0x22: {  	[tilespmem:s14], [sflag:$0x9] =	stream.linear.gather [hbm4b:s15+s14], $0x6800, $0x38;
	[tilespmem:$0xCC00] =	vst v63  }
0x23: {  	_ =	swait.ge [sflag:s22], $0x6800  }
0x24: {  	[sflag:s22] =	ssyncset.done $0x0  }
0x25: {  	[sflag:s22] =	ssyncadd.s32 $0xFFFF9800  }
0x26: {  	[tilespmem:s24], [sflag:$0x1] =	stream.indirect.gather [hbm4b:s3+s23], $0x40, s14, s23, $0xb8;
	[tilespmem:$0xCC00] =	vst v63  }
0x27: {  	s18 =	simm.s32 $0x68  }
0x28: {  	[tilespmem:s26], [sflag:$0x2] =	stream.indirect.gather [hbm4b:s3+s23], $0x40, s18, s23, $0xb8;
	[tilespmem:$0xCC00] =	vst v63  }
0x29: {  	s19 =	simm.s32 $0xD0  }
0x2a: {  	[tilespmem:s29], [sflag:$0x3] =	stream.indirect.gather [hbm4b:s3+s23], $0x40, s19, s23, $0xb8;
	[tilespmem:$0xCC00] =	vst v63  }
0x2b: {  	s20 =	simm.s32 $0x138  }
0x2c: {  	[tilespmem:s31], [sflag:$0x4] =	stream.indirect.gather [hbm4b:s3+s23], $0x40, s20, s23, $0xb8;
	[tilespmem:$0xCC00] =	vst v63  }
0x2d: {  	_ =	swait.ge [sflag:s1], $0x1900  }
0x2e: {  	[sflag:s1] =	ssyncset.done $0x0  }
0x2f: {  	[sflag:s1] =	ssyncadd.s32 $0xFFFFE700  }
0x30: {  	[hbm4b:s5+s0] =	stream.strided.scatter [tilespmem:s24], [sflag:$0x5], $0xC80, s25, s0, $0x38;
	[tilespmem:$0xCC00] =	vst v63  }
0x31: {  	s15 =	rddreg [dreg:$0x8]  }
0x32: {  	[hbm4b:s15+s0] =	stream.strided.scatter [tilespmem:s28], [sflag:$0x5], $0xC80, s25, s0, $0x38;
	[tilespmem:$0xCC00] =	vst v63  }
0x33: {  	_ =	swait.ge [sflag:s30], $0x1900  }
0x34: {  	[sflag:s30] =	ssyncset.done $0x0  }
0x35: {  	s16 =	rddreg [dreg:$0x9];
	[sflag:s30] =	ssyncadd.s32 $0xFFFFE700  }
0x36: {  	[hbm4b:s16+s0] =	stream.strided.scatter [tilespmem:s26], [sflag:$0x6], $0xC80, s25, s0, $0x38;
	[tilespmem:$0xCC00] =	vst v63  }
0x37: {  	s17 =	rddreg [dreg:$0xa]  }
0x38: {  	[hbm4b:s17+s0] =	stream.strided.scatter [tilespmem:s2], [sflag:$0x6], $0xC80, s25, s0, $0x38;
	[tilespmem:$0xCC00] =	vst v63  }
0x39: {  	_ =	swait.ge [sflag:s4], $0xC80  }
0x3a: {  	[sflag:s4] =	ssyncset.done $0x0  }
0x3b: {  	[sflag:s4] =	ssyncadd.s32 $0xFFFFF380  }
0x3c: {  	_ =	swait.ge [sflag:s4], $0xC80  }
0x3d: {  	[sflag:s4] =	ssyncset.done $0x0  }
0x3e: {  	s18 =	simm.s32 $0x1A0;
	[sflag:s4] =	ssyncadd.s32 $0xFFFFF380  }
0x3f: {  	[tilespmem:s24], [sflag:$0x1] =	stream.indirect.gather [hbm4b:s3+s23], $0x40, s18, s23, $0xb8;
	[tilespmem:$0xCC00] =	vst v63  }
0x40: {  	_ =	swait.ge [sflag:s6], $0x1900  }
0x41: {  	[sflag:s6] =	ssyncset.done $0x0  }
0x42: {  	s19 =	rddreg [dreg:$0xb];
	[sflag:s6] =	ssyncadd.s32 $0xFFFFE700  }
0x43: {  	[hbm4b:s19+s0] =	stream.strided.scatter [tilespmem:s29], [sflag:$0x7], $0xC80, s25, s0, $0x38;
	[tilespmem:$0xCC00] =	vst v63  }
0x44: {  	s20 =	rddreg [dreg:$0xc]  }
0x45: {  	[hbm4b:s20+s0] =	stream.strided.scatter [tilespmem:s7], [sflag:$0x7], $0xC80, s25, s0, $0x38;
	[tilespmem:$0xCC00] =	vst v63  }
0x46: {  	_ =	swait.ge [sflag:s8], $0xC80  }
0x47: {  	[sflag:s8] =	ssyncset.done $0x0  }
0x48: {  	[sflag:s8] =	ssyncadd.s32 $0xFFFFF380  }
0x49: {  	_ =	swait.ge [sflag:s8], $0xC80  }
0x4a: {  	[sflag:s8] =	ssyncset.done $0x0  }
0x4b: {  	s15 =	simm.s32 $0x208;
	[sflag:s8] =	ssyncadd.s32 $0xFFFFF380  }
0x4c: {  	[tilespmem:s26], [sflag:$0x2] =	stream.indirect.gather [hbm4b:s3+s23], $0x40, s15, s23, $0xb8;
	[tilespmem:$0xCC00] =	vst v63  }
0x4d: {  	_ =	swait.ge [sflag:s9], $0x1900  }
0x4e: {  	[sflag:s9] =	ssyncset.done $0x0  }
0x4f: {  	s16 =	rddreg [dreg:$0xd];
	[sflag:s9] =	ssyncadd.s32 $0xFFFFE700  }
0x50: {  	[hbm4b:s16+s0] =	stream.strided.scatter [tilespmem:s31], [sflag:$0x8], $0xC80, s25, s0, $0x38;
	[tilespmem:$0xCC00] =	vst v63  }
0x51: {  	s17 =	rddreg [dreg:$0xe]  }
0x52: {  	[hbm4b:s17+s0] =	stream.strided.scatter [tilespmem:s10], [sflag:$0x8], $0xC80, s25, s0, $0x38;
	[tilespmem:$0xCC00] =	vst v63  }
0x53: {  	_ =	swait.ge [sflag:s11], $0xC80  }
0x54: {  	[sflag:s11] =	ssyncset.done $0x0  }
0x55: {  	[sflag:s11] =	ssyncadd.s32 $0xFFFFF380  }
0x56: {  	_ =	swait.ge [sflag:s11], $0xC80  }
0x57: {  	[sflag:s11] =	ssyncset.done $0x0  }
0x58: {  	s18 =	simm.s32 $0x270;
	[sflag:s11] =	ssyncadd.s32 $0xFFFFF380  }
0x59: {  	[tilespmem:s29], [sflag:$0x3] =	stream.indirect.gather [hbm4b:s3+s23], $0x40, s18, s23, $0xb8;
	[tilespmem:$0xCC00] =	vst v63  }
0x5a: {  	_ =	swait.ge [sflag:s1], $0x1900  }
0x5b: {  	s19 =	rddreg [dreg:$0x4]  }
0x5c: {  	[sflag:s1] =	ssyncset.done $0x0;
	s14 =	sadd.s32 $0x0, s19  }
0x5d: {  	[sflag:s1] =	ssyncadd.s32 $0xFFFFE700;
	s20 =	sadd.s32 $0x1C00, s14  }
0x5e: {  	[hbm4b:s20+s0] =	stream.strided.scatter [tilespmem:s24], [sflag:$0x5], $0xC80, s25, s0, $0x38;
	[tilespmem:$0xCC00] =	vst v63  }
0x5f: {  	s16 =	sadd.s32 $0x1F80, s14  }
0x60: {  	[hbm4b:s16+s0] =	stream.strided.scatter [tilespmem:s28], [sflag:$0x5], $0xC80, s25, s0, $0x38;
	[tilespmem:$0xCC00] =	vst v63  }
0x61: {  	_ =	swait.ge [sflag:s12], $0xC80  }
0x62: {  	[sflag:s12] =	ssyncset.done $0x0  }
0x63: {  	[sflag:s12] =	ssyncadd.s32 $0xFFFFF380  }
0x64: {  	_ =	swait.ge [sflag:s12], $0xC80  }
0x65: {  	[sflag:s12] =	ssyncset.done $0x0  }
0x66: {  	s17 =	simm.s32 $0x2D8;
	[sflag:s12] =	ssyncadd.s32 $0xFFFFF380  }
0x67: {  	[tilespmem:s31], [sflag:$0x4] =	stream.indirect.gather [hbm4b:s3+s23], $0x40, s17, s23, $0xb8;
	[tilespmem:$0xCC00] =	vst v63  }
0x68: {  	_ =	swait.ge [sflag:s30], $0x1900  }
0x69: {  	[sflag:s30] =	ssyncset.done $0x0  }
0x6a: {  	s16 =	sadd.s32 $0x2300, s14;
	s18 =	rddreg [dreg:$0x5];
	[sflag:s30] =	ssyncadd.s32 $0xFFFFE700  }
0x6b: {  	[hbm4b:s16+s0] =	stream.strided.scatter [tilespmem:s26], [sflag:$0x6], $0xC80, s25, s0, $0x38;
	[tilespmem:$0xCC00] =	vst v63  }
0x6c: {  	s15 =	sadd.s32 $0x0, s18  }
0x6d: {  	[hbm4b:s15+s0] =	stream.strided.scatter [tilespmem:s2], [sflag:$0x6], $0xC80, s25, s0, $0x38;
	[tilespmem:$0xCC00] =	vst v63  }
0x6e: {  	_ =	swait.ge [sflag:s4], $0xC80  }
0x6f: {  	[sflag:s4] =	ssyncset.done $0x0  }
0x70: {  	[sflag:s4] =	ssyncadd.s32 $0xFFFFF380  }
0x71: {  	_ =	swait.ge [sflag:s4], $0xC80  }
0x72: {  	[sflag:s4] =	ssyncset.done $0x0  }
0x73: {  	s19 =	simm.s32 $0x340;
	[sflag:s4] =	ssyncadd.s32 $0xFFFFF380  }
0x74: {  	[tilespmem:s24], [sflag:$0x1] =	stream.indirect.gather [hbm4b:s3+s23], $0x40, s19, s23, $0xb8;
	[tilespmem:$0xCC00] =	vst v63  }
0x75: {  	_ =	swait.ge [sflag:s6], $0x1900  }
0x76: {  	[sflag:s6] =	ssyncset.done $0x0  }
0x77: {  	s17 =	sadd.s32 $0x2A00, s14;
	s20 =	rddreg [dreg:$0x3];
	[sflag:s6] =	ssyncadd.s32 $0xFFFFE700  }
0x78: {  	[hbm4b:s17+s0] =	stream.strided.scatter [tilespmem:s29], [sflag:$0x7], $0xC80, s25, s0, $0x38;
	[tilespmem:$0xCC00] =	vst v63  }
0x79: {  	s15 =	sadd.s32 $0x0, s20  }
0x7a: {  	[hbm4b:s15+s0] =	stream.strided.scatter [tilespmem:s7], [sflag:$0x7], $0xC80, s25, s0, $0x38;
	[tilespmem:$0xCC00] =	vst v63  }
0x7b: {  	_ =	swait.ge [sflag:s8], $0xC80  }
0x7c: {  	[sflag:s8] =	ssyncset.done $0x0  }
0x7d: {  	[sflag:s8] =	ssyncadd.s32 $0xFFFFF380  }
0x7e: {  	_ =	swait.ge [sflag:s8], $0xC80  }
0x7f: {  	[sflag:s8] =	ssyncset.done $0x0  }
0x80: {  	s18 =	simm.s32 $0x3A8;
	[sflag:s8] =	ssyncadd.s32 $0xFFFFF380  }
0x81: {  	[tilespmem:s26], [sflag:$0x2] =	stream.indirect.gather [hbm4b:s3+s23], $0x40, s18, s23, $0xb8;
	[tilespmem:$0xCC00] =	vst v63  }
0x82: {  	_ =	swait.ge [sflag:s9], $0x1900  }
0x83: {  	[sflag:s9] =	ssyncset.done $0x0  }
0x84: {  	s14 =	sadd.s32 $0x3100, s14;
	s19 =	rddreg [dreg:$0x6];
	[sflag:s9] =	ssyncadd.s32 $0xFFFFE700  }
0x85: {  	[hbm4b:s14+s0] =	stream.strided.scatter [tilespmem:s31], [sflag:$0x8], $0xC80, s25, s0, $0x38;
	[tilespmem:$0xCC00] =	vst v63  }
0x86: {  	s20 =	sadd.s32 $0x0, s19  }
0x87: {  	[hbm4b:s20+s0] =	stream.strided.scatter [tilespmem:s10], [sflag:$0x8], $0xC80, s25, s0, $0x38;
	[tilespmem:$0xCC00] =	vst v63  }
0x88: {  	_ =	swait.ge [sflag:s11], $0xC80  }
0x89: {  	[sflag:s11] =	ssyncset.done $0x0  }
0x8a: {  	[sflag:s11] =	ssyncadd.s32 $0xFFFFF380  }
0x8b: {  	_ =	swait.ge [sflag:s11], $0xC80  }
0x8c: {  	s16 =	simm.s32 $0x5B0;
	[sflag:s11] =	ssyncset.done $0x0  }
0x8d: {  	s15 =	simm.s32 $0x1C00;
	s14 =	simm.s32 $0x410;
	[sflag:s11] =	ssyncadd.s32 $0xFFFFF380  }
.LBB2_2:
0x8e: {  	[tilespmem:s29], [sflag:$0x3] =	stream.indirect.gather [hbm4b:s3+s23], $0x40, s14, s23, $0xb8;
	[tilespmem:$0xCC00] =	vst v63  }
0x8f: {  	_ =	swait.ge [sflag:s1], $0x1900  }
0x90: {  	s17 =	smov.u32 s15;
	s18 =	rddreg [dreg:$0x4]  }
0x91: {  	[sflag:s1] =	ssyncset.done $0x0;
	s18 =	sadd.s32 s17, s18  }
0x92: {  	[sflag:s1] =	ssyncadd.s32 $0xFFFFE700;
	s19 =	sadd.s32 $0x1C00, s18  }
0x93: {  	[hbm4b:s19+s0] =	stream.strided.scatter [tilespmem:s24], [sflag:$0x5], $0xC80, s25, s0, $0x38;
	[tilespmem:$0xCC00] =	vst v63  }
0x94: {  	s20 =	sadd.s32 $0x1F80, s18  }
0x95: {  	[hbm4b:s20+s0] =	stream.strided.scatter [tilespmem:s28], [sflag:$0x5], $0xC80, s25, s0, $0x38;
	[tilespmem:$0xCC00] =	vst v63  }
0x96: {  	_ =	swait.ge [sflag:s12], $0xC80  }
0x97: {  	[sflag:s12] =	ssyncset.done $0x0  }
0x98: {  	[sflag:s12] =	ssyncadd.s32 $0xFFFFF380  }
0x99: {  	_ =	swait.ge [sflag:s12], $0xC80  }
0x9a: {  	[sflag:s12] =	ssyncset.done $0x0  }
0x9b: {  	s20 =	sadd.s32 $0xFFFFFEC8, s16;
	[sflag:s12] =	ssyncadd.s32 $0xFFFFF380  }
0x9c: {  	[tilespmem:s31], [sflag:$0x4] =	stream.indirect.gather [hbm4b:s3+s23], $0x40, s20, s23, $0xb8;
	[tilespmem:$0xCC00] =	vst v63  }
0x9d: {  	_ =	swait.ge [sflag:s30], $0x1900  }
0x9e: {  	[sflag:s30] =	ssyncset.done $0x0  }
0x9f: {  	s20 =	sadd.s32 $0x2300, s18;
	s19 =	rddreg [dreg:$0x5];
	[sflag:s30] =	ssyncadd.s32 $0xFFFFE700  }
0xa0: {  	[hbm4b:s20+s0] =	stream.strided.scatter [tilespmem:s26], [sflag:$0x6], $0xC80, s25, s0, $0x38;
	[tilespmem:$0xCC00] =	vst v63  }
0xa1: {  	s19 =	sadd.s32 s17, s19  }
0xa2: {  	[hbm4b:s19+s0] =	stream.strided.scatter [tilespmem:s2], [sflag:$0x6], $0xC80, s25, s0, $0x38;
	[tilespmem:$0xCC00] =	vst v63  }
0xa3: {  	_ =	swait.ge [sflag:s4], $0xC80  }
0xa4: {  	[sflag:s4] =	ssyncset.done $0x0  }
0xa5: {  	[sflag:s4] =	ssyncadd.s32 $0xFFFFF380  }
0xa6: {  	_ =	swait.ge [sflag:s4], $0xC80  }
0xa7: {  	[sflag:s4] =	ssyncset.done $0x0  }
0xa8: {  	s20 =	sadd.s32 $0xFFFFFF30, s16;
	[sflag:s4] =	ssyncadd.s32 $0xFFFFF380  }
0xa9: {  	[tilespmem:s24], [sflag:$0x1] =	stream.indirect.gather [hbm4b:s3+s23], $0x40, s20, s23, $0xb8;
	[tilespmem:$0xCC00] =	vst v63  }
0xaa: {  	_ =	swait.ge [sflag:s6], $0x1900  }
0xab: {  	[sflag:s6] =	ssyncset.done $0x0  }
0xac: {  	s20 =	sadd.s32 $0x2A00, s18;
	s19 =	rddreg [dreg:$0x3];
	[sflag:s6] =	ssyncadd.s32 $0xFFFFE700  }
0xad: {  	[hbm4b:s20+s0] =	stream.strided.scatter [tilespmem:s29], [sflag:$0x7], $0xC80, s25, s0, $0x38;
	[tilespmem:$0xCC00] =	vst v63  }
0xae: {  	s19 =	sadd.s32 s17, s19  }
0xaf: {  	[hbm4b:s19+s0] =	stream.strided.scatter [tilespmem:s7], [sflag:$0x7], $0xC80, s25, s0, $0x38;
	[tilespmem:$0xCC00] =	vst v63  }
0xb0: {  	_ =	swait.ge [sflag:s8], $0xC80  }
0xb1: {  	[sflag:s8] =	ssyncset.done $0x0  }
0xb2: {  	[sflag:s8] =	ssyncadd.s32 $0xFFFFF380  }
0xb3: {  	_ =	swait.ge [sflag:s8], $0xC80  }
0xb4: {  	[sflag:s8] =	ssyncset.done $0x0  }
0xb5: {  	s20 =	sadd.s32 $0xFFFFFF98, s16;
	[sflag:s8] =	ssyncadd.s32 $0xFFFFF380  }
0xb6: {  	[tilespmem:s26], [sflag:$0x2] =	stream.indirect.gather [hbm4b:s3+s23], $0x40, s20, s23, $0xb8;
	[tilespmem:$0xCC00] =	vst v63  }
0xb7: {  	_ =	swait.ge [sflag:s9], $0x1900  }
0xb8: {  	[sflag:s9] =	ssyncset.done $0x0  }
0xb9: {  	s18 =	sadd.s32 $0x3100, s18;
	s20 =	rddreg [dreg:$0x6];
	[sflag:s9] =	ssyncadd.s32 $0xFFFFE700  }
0xba: {  	[hbm4b:s18+s0] =	stream.strided.scatter [tilespmem:s31], [sflag:$0x8], $0xC80, s25, s0, $0x38;
	[tilespmem:$0xCC00] =	vst v63  }
0xbb: {  	s17 =	sadd.s32 s17, s20  }
0xbc: {  	[hbm4b:s17+s0] =	stream.strided.scatter [tilespmem:s10], [sflag:$0x8], $0xC80, s25, s0, $0x38;
	[tilespmem:$0xCC00] =	vst v63  }
0xbd: {  	p0 =	sne.s32 s15, $0x6AC00;
	_ =	swait.ge [sflag:s11], $0xC80  }
.Ltmp0:
0xbe: {  	[sflag:s11] =	ssyncset.done $0x0;
	(pc) =	sbr.rel @p0 .LBB2_2-.Ltmp0, $4  }
0xbf: {  	[sflag:s11] =	ssyncadd.s32 $0xFFFFF380  }
0xc0: {  	_ =	swait.ge [sflag:s11], $0xC80  }
0xc1: {  	s14 =	smov.u32 s16;
	[sflag:s11] =	ssyncset.done $0x0  }
0xc2: {  	s15 =	sadd.s32 $0x1C00, s15;
	s16 =	sadd.s32 $0x1A0, s16;
	[sflag:s11] =	ssyncadd.s32 $0xFFFFF380  }
0xc3: {  	[tilespmem:s29], [sflag:$0x3] =	stream.indirect.gather [hbm4b:s3+s23], $0x40, s14, s23, $0xb8;
	[tilespmem:$0xCC00] =	vst v63  }
0xc4: {  	_ =	swait.ge [sflag:s1], $0x1900  }
0xc5: {  	[sflag:s1] =	ssyncset.done $0x0  }
0xc6: {  	s18 =	rddreg [dreg:$0xf];
	[sflag:s1] =	ssyncadd.s32 $0xFFFFE700  }
0xc7: {  	[hbm4b:s18+s0] =	stream.strided.scatter [tilespmem:s24], [sflag:$0x5], $0xC80, s25, s0, $0x38;
	[tilespmem:$0xCC00] =	vst v63  }
0xc8: {  	s19 =	rddreg [dreg:$0x10]  }
0xc9: {  	[hbm4b:s19+s0] =	stream.strided.scatter [tilespmem:s28], [sflag:$0x5], $0xC80, s25, s0, $0x38;
	[tilespmem:$0xCC00] =	vst v63  }
0xca: {  	_ =	swait.ge [sflag:s12], $0xC80  }
0xcb: {  	[sflag:s12] =	ssyncset.done $0x0  }
0xcc: {  	[sflag:s12] =	ssyncadd.s32 $0xFFFFF380  }
0xcd: {  	_ =	swait.ge [sflag:s12], $0xC80  }
0xce: {  	[sflag:s12] =	ssyncset.done $0x0  }
0xcf: {  	s20 =	simm.s32 $0x6798;
	[sflag:s12] =	ssyncadd.s32 $0xFFFFF380  }
0xd0: {  	[tilespmem:s31], [sflag:$0x4] =	stream.indirect.gather [hbm4b:s3+s23], $0x40, s20, s23, $0xb8;
	[tilespmem:$0xCC00] =	vst v63  }
0xd1: {  	_ =	swait.ge [sflag:s30], $0x1900  }
0xd2: {  	[sflag:s30] =	ssyncset.done $0x0  }
0xd3: {  	s15 =	rddreg [dreg:$0x11];
	[sflag:s30] =	ssyncadd.s32 $0xFFFFE700  }
0xd4: {  	[hbm4b:s15+s0] =	stream.strided.scatter [tilespmem:s26], [sflag:$0x6], $0xC80, s25, s0, $0x38;
	[tilespmem:$0xCC00] =	vst v63  }
0xd5: {  	s16 =	rddreg [dreg:$0x12]  }
0xd6: {  	[hbm4b:s16+s0] =	stream.strided.scatter [tilespmem:s2], [sflag:$0x6], $0xC80, s25, s0, $0x38;
	[tilespmem:$0xCC00] =	vst v63  }
0xd7: {  	_ =	swait.ge [sflag:s6], $0x1900  }
0xd8: {  	[sflag:s6] =	ssyncset.done $0x0  }
0xd9: {  	s17 =	rddreg [dreg:$0x13];
	[sflag:s6] =	ssyncadd.s32 $0xFFFFE700  }
0xda: {  	[hbm4b:s17+s0] =	stream.strided.scatter [tilespmem:s29], [sflag:$0x7], $0xC80, s25, s0, $0x38;
	[tilespmem:$0xCC00] =	vst v63  }
0xdb: {  	s18 =	rddreg [dreg:$0x14]  }
0xdc: {  	[hbm4b:s18+s0] =	stream.strided.scatter [tilespmem:s7], [sflag:$0x7], $0xC80, s25, s0, $0x38;
	[tilespmem:$0xCC00] =	vst v63  }
0xdd: {  	_ =	swait.ge [sflag:s9], $0x1900  }
0xde: {  	[sflag:s9] =	ssyncset.done $0x0  }
0xdf: {  	s19 =	rddreg [dreg:$0x15];
	[sflag:s9] =	ssyncadd.s32 $0xFFFFE700  }
0xe0: {  	[hbm4b:s19+s0] =	stream.strided.scatter [tilespmem:s31], [sflag:$0x8], $0xC80, s25, s0, $0x38;
	[tilespmem:$0xCC00] =	vst v63  }
0xe1: {  	s20 =	rddreg [dreg:$0x16]  }
0xe2: {  	[hbm4b:s20+s0] =	stream.strided.scatter [tilespmem:s10], [sflag:$0x8], $0xC80, s25, s0, $0x38;
	[tilespmem:$0xCC00] =	vst v63  }
0xe3: {  	_ =	swait.ge [sflag:s4], $0xC80  }
0xe4: {  	[sflag:s4] =	ssyncset.done $0x0  }
0xe5: {  	[sflag:s4] =	ssyncadd.s32 $0xFFFFF380  }
0xe6: {  	_ =	swait.ge [sflag:s4], $0xC80  }
0xe7: {  	[sflag:s4] =	ssyncset.done $0x0  }
0xe8: {  	[sflag:s4] =	ssyncadd.s32 $0xFFFFF380  }
0xe9: {  	_ =	swait.ge [sflag:s8], $0xC80  }
0xea: {  	[sflag:s8] =	ssyncset.done $0x0  }
0xeb: {  	[sflag:s8] =	ssyncadd.s32 $0xFFFFF380  }
0xec: {  	_ =	swait.ge [sflag:s8], $0xC80  }
0xed: {  	[sflag:s8] =	ssyncset.done $0x0  }
0xee: {  	[sflag:s8] =	ssyncadd.s32 $0xFFFFF380  }
0xef: {  	_ =	swait.ge [sflag:s11], $0xC80  }
0xf0: {  	[sflag:s11] =	ssyncset.done $0x0  }
0xf1: {  	[sflag:s11] =	ssyncadd.s32 $0xFFFFF380  }
0xf2: {  	_ =	swait.ge [sflag:s11], $0xC80  }
0xf3: {  	[sflag:s11] =	ssyncset.done $0x0  }
0xf4: {  	s13 =	sadd.s32 $0x1, s13;
	[sflag:s11] =	ssyncadd.s32 $0xFFFFF380  }
0xf5: {  	p0 =	sne.s32 s13, s21;
	_ =	swait.ge [sflag:s12], $0xC80  }
.Ltmp1:
0xf6: {  	[sflag:s12] =	ssyncset.done $0x0;
	(pc) =	sbr.rel @p0 .LBB2_1-.Ltmp1, $4  }
0xf7: {  	[sflag:s12] =	ssyncadd.s32 $0xFFFFF380  }
0xf8: {  	_ =	swait.ge [sflag:s12], $0xC80  }
0xf9: {  	[sflag:s12] =	ssyncset.done $0x0  }
0xfa: {  	[sflag:s12] =	ssyncadd.s32 $0xFFFFF380  }
0xfb: {  	_ =	sfence.sel $0x180000  }
0xfc: {  	[bflag:$0x0] =	sbarrier.arrive $0xFFFF  }
0xfd: {  	_ =	strace $0x90000047  }
0xfe: {  	s0 =	stileid.u32;
	[bflag:$0x2] =	sbarrier.arrive $0xFFFF  }
0xff: {  	p0 =	sne.s32 s0, $0x0;
	s0 =	rddreg [dreg:$0x2]  }
0x100: {  	s0 =	sadd.s32 @!p0 $0x100000, s0  }
0x101: {  	[sflag:s0] =	ssyncadd.tile.s32 @!p0 $0x1;
	_ =	shalt  }
.Lfunc_end2:
_tile_overlayer_lowered:
.L_overlay_start_2:
0x102: {  	(tag) =	ssettag $0x2  }
0x103: {  	s0 =	rddreg [dreg:$0x0];
	s2 =	stileid.u32  }
0x104: {  	s1 =	rddreg [dreg:$0x1];
	p0 =	sne.s32 s2, $0x0  }
0x105: {  	s3 =	rddreg [dreg:$0x2];
	[bflag:$0x3] =	sbarrier.arrive $0xFFFF;
	s2 =	simm.s32 @!p0 $0x1C09  }
0x106: {  	[timem:s3], [sflag:s2] =	dma.local @!p0 [hbm:s0], s1  }
0x107: {  	s0 =	simm.s32 @!p0 $0x9  }
0x108: {  	_ =	swait.ge @!p0 [sflag:s0], s1  }
0x109: {  	s1 =	ssub.s32 @!p0 $0x0, s1;
	[sflag:s0] =	ssyncset.done @!p0 $0x0  }
0x10a: {  	[sflag:s0] =	ssyncadd.s32 @!p0 s1  }
0x10b: {  	[bflag:$0x3] =	sbarrier.arrive $0xFFFF  }
0x10c: {  	_ =	shalt  }

// kernel: sparse-core-data-format-call.cloned.1.call-start
scs
called_computation_lowered:
.L_overlay_start_0:
0x0: {  	s2 =	sld [smem:$0x3FD9]  }
0x1: {  	s3 =	sld [smem:$0x3FFE];
	_ =	sdelay $0x1  }
0x2: {  	s1 =	srdreg.scid  }
0x3: {  	s0 =	sand.u32 $0x1, s1  }
0x4: {  	s18 =	sshll.u32 s0, $0xA;
	s2 =	sadd.s32 s3, s2  }
0x5: {  	s2 =	sadd.s32 s2, s18  }
0x6: {  	[smem:$0x3FC6] =	sst s2  }
0x7: {  	_ = 	snop  }
0x8: {  	s2 =	sld [smem:$0x3FD0];
	(tm) =	ssettm $0x1  }
0x9: {  	s19 =	sld [smem:$0x3FFB];
	_ =	sdelay $0x3  }
0xa: {  	_ =	strace s19  }
0xb: {  	s3 =	sld [smem:$0x3FFC];
	_ =	sdelay $0x3  }
0xc: {  	_ =	strace s3  }
0xd: {  	s3 =	sld [smem:$0x3FFD];
	_ =	sdelay $0x3  }
0xe: {  	_ =	strace s3  }
0xf: {  	_ =	strace $0x8FFFFFFF  }
0x10: {  	s20 =	sld [smem:$0x3FDB];
	_ =	sdelay $0x1  }
0x11: {  	s4 =	simm.s32 $_scs_section_size  }
0x12: {  	s5 =	simm.s32 $_size__tile_overlayer_lowered;
	s6 =	simm.s32 $_tile_overlayer_lowered  }
0x13: {  	s23 =	simm.s32 $0x1BFF;
	s22 =	sshll.u32 s6, $0x1;
	s3 =	sadd.s32 s4, s20  }
0x14: {  	s7 =	simm.s32 $0x0;
	s21 =	sshll.u32 s5, $0x1;
	s5 =	sadd.s32 s22, s3  }
0x15: {  	[timem:s7], [sflag:s23] =	dma.local [hbm:s5], s21  }
0x16: {  	_ =	swait.ge [sflag:s23], s21  }
0x17: {  	s4 =	ssub.s32 $0x0, s21;
	[sflag:s23] =	ssyncset.done $0x0  }
0x18: {  	[sflag:s23] =	ssyncadd.s32 s4;
	_ =	sdelay $0x1  }
0x19: {  	s24 =	simm.s32 $0x1B8B  }
0x1a: {  	_ =	swait.ge [sflag:s24], $0x1  }
0x1b: {  	[sflag:s24] =	ssyncset.done $0x0  }
0x1c: {  	s26 =	simm.s32 $0x1B8E;
	s25 =	sld [smem:$0x3FFE];
	[sflag:s24] =	ssyncadd.s32 $0xFFFFFFFF  }
0x1d: {  	s27 =	simm.s32 $execute0_lowered;
	[smem:$0x3FD2] =	sst s26  }
0x1e: {  	s5 =	sshll.u32 s27, $0x1;
	_ =	strace $0x80000049;
	[dreg:$0x1] =	wrdreg $0xFFFFFFFF  }
0x1f: {  	s28 =	simm.s32 $_size_execute0_lowered;
	s3 =	sadd.s32 s3, s5;
	[dreg:$0x0] =	wrdreg $0x0  }
0x20: {  	s5 =	sshll.u32 s28, $0x1;
	[dreg:$0x2] =	wrdreg s3  }
0x21: {  	[dreg:$0x3] =	wrdreg s5  }
0x22: {  	[dreg:$0x4] =	wrdreg $0xC0  }
0x23: {  	_ =	task [dreg:s7], $0x5FFFF  }
0x24: {  	[dreg:$0x1] =	wrdreg $0xFFFFFFFF  }
0x25: {  	[dreg:$0x0] =	wrdreg $0x60  }
0x26: {  	[dreg:$0x2] =	wrdreg s25  }
0x27: {  	[dreg:$0x3] =	wrdreg s2  }
0x28: {  	[dreg:$0x4] =	wrdreg $0x9  }
0x29: {  	_ =	task.clear_ibuf [dreg:s7], $0x5FFFF;
	_ =	strace $0x90000049  }
0x2a: {  	s29 =	simm.s32 $0x9;
	_ =	strace $0x8000004B  }
0x2b: {  	_ =	swait.ge [sflag:s29], $0x1  }
0x2c: {  	[sflag:s29] =	ssyncadd.s32 $0xFFFFFFFF  }
0x2d: {  	_ =	strace $0x9000004B  }
0x2e: {  	_ =	sfence  }
0x2f: {  	s30 =	sld [smem:$0x0];
	_ =	sdelay $0x2  }
0x30: {  	s31 =	sshll.u32 s1, $0xD;
	s1 =	sshrl.u32 s1, $0x2  }
0x31: {  	s3 =	sand.u32 $0x4000, s31;
	s1 =	sadd.s32 s1, s30  }
0x32: {  	s0 =	sor.u32 s3, s0;
	s1 =	sshll.u32 s1, $0x11  }
0x33: {  	s0 =	sor.u32 s1, s0  }
0x34: {  	s0 =	sadd.s32 $0x8F2B, s0  }
0x35: {  	[sflag:s0] =	ssyncadd.remote.s32 $0x1  }
0x36: {  	_ =	sfence.sel $0xFFFF  }
0x37: {  	[dreg:$0x0] =	wrdreg $0xFFFFFFFF;
	(pc) =	sbr.abs _section_cstart, $3  }
0x38: {  	[dreg:$0x1] =	wrdreg $0xFFFFFFFF  }
0x39: {  	_ =	task.clear_ibuf [dreg:s7], $0x2FFFF;
	_ =	strace $0x9FFFFFFF  }
0x3a: {  	(tm) =	ssettm $0x7FFFFFFF  }
0x3b: {  	_ =	shalt  }
tec
execute0_lowered:
.L_overlay_start_1:
0x0: {  	(tag) =	ssettag $0x1  }
0x1: {  	s0 =	srdreg.scid  }
0x2: {  	s1 =	sshll.u32 s0, $0x4  }
0x3: {  	s0 =	stileid.u32;
	s1 =	sand.u32 $0x10, s1  }
0x4: {  	s1 =	sor.u32 s0, s1  }
0x5: {  	s6 =	rddreg [dreg:$0x0];
	s4 =	simm.s32 $0x1;
	s2 =	sshll.u32 s1, $0x7  }
0x6: {  	s7 =	simm.s32 $0x2;
	s12 =	simm.s32 $0x0;
	s1 =	ssub.s32 $0x4000, s2  }
0x7: {  	s8 =	simm.s32 $0x20000;
	s13 =	simm.s32 $0x0;
	s3 =	sand.u32 $0xF80, s1  }
0x8: {  	s9 =	simm.s32 $0x0;
	s5 =	sshrl.u32 s1, $0xC;
	p0 =	sne.s32 s3, $0x0  }
.Ltmp0:
0x9: {  	s1 =	rddreg [dreg:$0x2];
	s4 =	simm.s32 @!p0 $0x0;
	(pc) =	sbr.rel .LBB1_1-.Ltmp0, $4  }
0xa: {  	s11 =	simm.s32 $0x0;
	s3 =	rddreg [dreg:$0x1];
	s5 =	sadd.s32 s4, s5  }
0xb: {  	_ =	strace $0x8000004A;
	s4 =	simm.s32 $0x1;
	s5 =	smul.u32 $0x32, s5  }
0xc: {  	s6 =	sadd.s32 $0x7A1A00, s6;
	s10 =	smov.u32 s2;
	[sflag:s4] =	ssyncpa.u1 $0x0  }
0xd: {  	p0 =	por $0x0, $0x0;
	[sflag:s7] =	ssyncpa.u1 $0x0;
	s7 =	sor.u32 $0x1, s5  }
.LBB1_4:
0xe: {  	s16 =	sshll.u32 s13, $0x3;
	s17 =	sand.u32 $0x78, s13  }
0xf: {  	s30 =	sand.u32 $0x1F800, s13;
	s12 =	sshll.u32 s12, $0x11;
	s16 =	sand.u32 $0x3C00, s16  }
0x10: {  	[tilespmem:s15+$0x810 ss:$0x81] =	vst.msk $0xffff, v2;
	s31 =	sand.u32 $0x7, s13;
	s16 =	sor.u32 s17, s16;
	s17 =	sadd.s32 s3, s30  }
0x11: {  	[tilespmem:s15+$0x1020 ss:$0x81] =	vst.msk $0xffff, v0;
	s13 =	sshll.u32 s31, $0x12;
	s12 =	sadd.s32 s12, s17;
	s16 =	sshrl.u32 s16, $0x3  }
0x12: {  	[tilespmem:s15+$0x0 ss:$0x81] =	vst.msk $0xffff, v1;
	s13 =	sor.u32 $0x400, s13;
	s12 =	sadd.s32 s16, s12  }
0x13: {  	[hbm4b:s12+s13] =	stream.strided.scatter [tilespmem:s14], [sflag:$0x2], $0x2000, s8, s13, $0x20;
	[tilespmem:$0x8080] =	vst v63  }
.LBB1_5:
0x14: {  	s14 =	sadd.s32 $0x1, s9  }
0x15: {  	s12 =	sadd.s32 $0x1000, s10;
	s16 =	smov.u32 s10;
	p2 =	sgt.s32 s14, $0x31  }
0x16: {  	s16 =	smov.u32 @p2 s12  }
0x17: {  	s14 =	simm.s32 @p2 $0x0;
	p2 =	sgt.s32 s16, $0x3FFF  }
0x18: {  	s16 =	smov.u32 @p2 s2;
	p2 =	sne.s32 s11, s7  }
.Ltmp1:
0x19: {  	p1 =	slt.u32 s11, $0x2;
	(pc) =	sbr.rel @!p2 .LBB1_6-.Ltmp1, $4  }
0x1a: {  	s15 =	simm.s32 @!p1 $0x2  }
0x1b: {  	s13 =	smov.u32 s10;
	p0 =	por !p0, !p0;
	_ =	swait.ge @!p1 [sflag:s15], $0x2000  }
0x1c: {  	s12 =	smov.u32 s9;
	[sflag:s15] =	ssyncset.done @!p1 $0x0;
	s9 =	smov.u32 s14  }
0x1d: {  	s11 =	sadd.s32 $0x1, s11;
	[sflag:s15] =	ssyncadd.s32 @!p1 $0xFFFFE000;
	s10 =	smov.u32 s16  }
.LBB1_1:
0x1e: {  	p1 =	sge.u32 s11, s5  }
0x1f: {  	s14 =	sand.u32 @!p1 $0x1FFFFFF, s9  }
0x20: {  	s15 =	smulhi.u32 @!p1 $0x4924925, s14;
	_ =	sdelay $0x1  }
0x21: {  	s15 =	smul.u32 @!p1 $0x38, s15  }
0x22: {  	s16 =	sxor.u32 @!p1 $0xFFFFFFFF, s11;
	s17 =	smul.u32 @!p1 $0x380, s10  }
0x23: {  	s31 =	sadd.s32 $0xFFFFFFFF, s11;
	s16 =	sshll.u32 @!p1 s16, $0xD;
	s14 =	ssub.s32 @!p1 s14, s15  }
0x24: {  	s15 =	sand.u32 @!p1 $0x2000, s16;
	s16 =	sadd.s32 @!p1 s6, s17;
	s14 =	sshll.u32 @!p1 s14, $0x4  }
0x25: {  	s17 =	simm.s32 @!p1 $0x1C00;
	s14 =	sadd.s32 @!p1 s14, s16;
	s16 =	simm.s32 @!p1 $0x40  }
0x26: {  	[tilespmem:s15], [sflag:$0x1] =	stream.strided.gather @!p1 [hbm4b:s14+s16], $0x2000, s17, s16, $0x38;
	[tilespmem:$0x8080] =	vst v63  }
0x27: {  	p1 =	sge.u32 s31, s5  }
.Ltmp2:
0x28: {  	_ = 	snop;
	(pc) =	sbr.rel @p1 .LBB1_5-.Ltmp2, $1  }
0x29: {  	_ =	sdelay $0x3  }
0x2a: {  	s14 =	simm.s32 $0x1  }
0x2b: {  	_ =	swait.ge [sflag:s4], $0x2000;
	s14 =	simm.s32 @!p0 $0x0  }
0x2c: {  	[sflag:s4] =	ssyncset.done $0x0;
	s15 =	sshll.u32 s14, $0xD  }
0x2d: {  	[sflag:s4] =	ssyncadd.s32 $0xFFFFE000;
	s18 =	sor.u32 $0x20, s15  }
0x2e: {  	s14 =	smul.u32 $0x8100, s14;
	v3 =	vld [tilespmem:s18+$0x10]  }
0x2f: {  	s30 =	sand.u32 $0x1, s11;
	v2 =	vld [tilespmem:s18+$0xFFFFFFF0]  }
0x30: {  	s15 =	smul.u32 $0x8100, s30;
	s14 =	sshrl.u32 s14, $0x2;
	v0 =	vld [tilespmem:s18+$0x0]  }
0x31: {  	v1 =	vld [tilespmem:s18+$0xFFFFFFE0];
	s16 =	sor.u32 $0x4000, s14  }
0x32: {  	s31 =	sshrl.u32 s15, $0x2;
	s15 =	sadd.s32 $0x0, s16  }
0x33: {  	s17 =	simm.s32 $0x4;
	s18 =	sadd.s32 $0x40, s18;
	s14 =	sor.u32 $0x4000, s31;
	[tilespmem:s15+$0x1830 ss:$0x81] =	vst.msk $0xffff, v3  }
.LBB1_3:
0x34: {  	v3 =	vld [tilespmem:s18+$0x10];
	p1 =	sne.s32 s17, $0x1FC;
	[tilespmem:s15+$0x810 ss:$0x81] =	vst.msk $0xffff, v2;
	s19 =	smov.u32 s17;
	s17 =	sadd.s32 $0x4, s17  }
.Ltmp3:
0x35: {  	v2 =	vld [tilespmem:s18+$0xFFFFFFF0];
	[tilespmem:s15+$0x1020 ss:$0x81] =	vst.msk $0xffff, v0;
	(pc) =	sbr.rel @p1 .LBB1_3-.Ltmp3, $4  }
0x36: {  	v0 =	vld [tilespmem:s18+$0x0];
	[tilespmem:s15+$0x0 ss:$0x81] =	vst.msk $0xffff, v1  }
0x37: {  	s15 =	sshra.s32 s19, $0x2;
	v1 =	vld [tilespmem:s18+$0xFFFFFFE0]  }
0x38: {  	s15 =	sadd.s32 s15, s16  }
0x39: {  	s18 =	sadd.s32 $0x40, s18;
	[tilespmem:s15+$0x1830 ss:$0x81] =	vst.msk $0xffff, v3  }
.Ltmp4:
0x3a: {  	_ = 	snop;
	(pc) =	sbr.rel .LBB1_4-.Ltmp4, $1  }
0x3b: {  	_ =	sdelay $0x3  }
.LBB1_6:
0x3c: {  	_ =	sfence.sel $0x180000  }
0x3d: {  	s2 =	simm.s32 $0x1;
	[bflag:$0x0] =	sbarrier.arrive $0xFFFF  }
0x3e: {  	s31 =	simm.s32 $0x2;
	[sflag:s2] =	ssyncpa.u1 $0x1  }
0x3f: {  	[sflag:s31] =	ssyncpa.u1 $0x1  }
0x40: {  	p0 =	sne.s32 s0, $0x0;
	_ =	strace $0x9000004A  }
0x41: {  	s0 =	sadd.s32 @!p0 $0x100000, s1;
	[bflag:$0x2] =	sbarrier.arrive $0xFFFF  }
0x42: {  	[sflag:s0] =	ssyncadd.tile.s32 @!p0 $0x1;
	_ =	shalt  }
.Lfunc_end1:
_tile_overlayer_lowered:
.L_overlay_start_2:
0x43: {  	(tag) =	ssettag $0x2  }
0x44: {  	s0 =	rddreg [dreg:$0x0];
	s2 =	stileid.u32  }
0x45: {  	s1 =	rddreg [dreg:$0x1];
	p0 =	sne.s32 s2, $0x0  }
0x46: {  	s3 =	rddreg [dreg:$0x2];
	[bflag:$0x3] =	sbarrier.arrive $0xFFFF;
	s2 =	simm.s32 @!p0 $0x1C01  }
0x47: {  	[timem:s3], [sflag:s2] =	dma.local @!p0 [hbm:s0], s1  }
0x48: {  	s0 =	simm.s32 @!p0 $0x1  }
0x49: {  	_ =	swait.ge @!p0 [sflag:s0], s1  }
0x4a: {  	s1 =	ssub.s32 @!p0 $0x0, s1;
	[sflag:s0] =	ssyncset.done @!p0 $0x0  }
0x4b: {  	[sflag:s0] =	ssyncadd.s32 @!p0 s1  }
0x4c: {  	[bflag:$0x3] =	sbarrier.arrive $0xFFFF  }
0x4d: {  	_ =	shalt  }

</sc_bundles>
